<compile_context>
chip_gen: v7x
topology: tpu7x:2x2x1
jax: 0.10.2.dev20260603
libtpu: 0.0.44.dev20260713+nightly
codegen_flags: <defaults>
</compile_context>

<pallas_src>
import functools

import jax
import jax.numpy as jnp
from jax import lax
from jax.experimental import pallas as pl
from jax.experimental.pallas import tpu as pltpu
from jax.experimental.pallas import tpu_sc as plsc

NUM_CORES = 2
NUM_SUBCORES = 16
NUM_TILES = NUM_CORES * NUM_SUBCORES
LANES = 16

H = 4
C = 32
HC = H * C
PADW = HC + 16
CHUNK = 40
IBC = 10
BLK = 40


def _matmul_body(x_ref, w_ref, o_ref):
    o_ref[...] = jnp.dot(x_ref[...], w_ref[...],
                         preferred_element_type=jnp.float32)


def _project(x, W):
    n, in_dim = x.shape
    bm = 1000
    grid = n // bm
    return pl.pallas_call(
        _matmul_body,
        grid=(grid,),
        in_specs=[
            pl.BlockSpec((bm, in_dim), lambda i: (i, 0)),
            pl.BlockSpec((in_dim, HC), lambda i: (0, 0)),
        ],
        out_specs=pl.BlockSpec((bm, HC), lambda i: (i, 0)),
        out_shape=jax.ShapeDtypeStruct((n, HC), jnp.float32),
    )(x, W)


def _sc_edge_body(n_nodes, n_edges, proj, rows_in, cols_in, att_in, out,
                  row_blk, col_blk, src_buf, dst_buf, src_buf2, dst_buf2,
                  w_buf, att_v, shared, sem, sem2):
    cid = lax.axis_index("c")
    sid = lax.axis_index("s")
    wid = sid * NUM_CORES + cid

    pltpu.sync_copy(att_in, att_v)

    zeros16 = jnp.zeros((LANES,), jnp.float32)

    @pl.loop(0, CHUNK)
    def _zero_w(r):
        for cb in range(PADW // LANES):
            w_buf[r, pl.ds(cb * LANES, LANES)] = zeros16

    n_blocks = n_nodes // BLK
    for k in range((n_blocks + NUM_SUBCORES - 1) // NUM_SUBCORES):
        b = sid + k * NUM_SUBCORES

        @pl.when(b < n_blocks)
        def _():
            pltpu.sync_copy(w_buf.at[pl.ds(0, BLK)],
                            shared.at[pl.ds(b * BLK, BLK)])
    plsc.subcore_barrier()

    lane_iota = lax.iota(jnp.int32, LANES)
    VPR = HC // LANES
    att_blk = [att_v[pl.ds(b * LANES, LANES)] for b in range(VPR)]
    onehot = [(lane_iota == h).astype(jnp.float32) for h in range(H)]

    n_chunks = n_edges // CHUNK
    per_tile_chunks = n_chunks // NUM_TILES
    n_iblocks = per_tile_chunks // IBC

    def _fire(j, s_buf, d_buf, s_sem):
        g1 = pltpu.async_copy(proj.at[row_blk.at[j]], s_buf, s_sem)
        g2 = pltpu.async_copy(proj.at[col_blk.at[j]], d_buf, s_sem)
        return g1, g2

    def _compute(c_idx, s_buf, d_buf):
        @pl.loop(0, CHUNK)
        def _edge(e):
            sv = [s_buf[e, pl.ds(k * LANES, LANES)] for k in range(VPR)]
            w = []
            for k in range(VPR):
                dv = d_buf[e, pl.ds(k * LANES, LANES)]
                u = sv[k] + dv
                e2 = jnp.exp(u + u)
                t = (e2 - 1.0) / (e2 + 1.0)
                w.append(t * att_blk[k])
            nvec = jnp.zeros((LANES,), jnp.float32)
            sh = []
            for h in range(H):
                raw = jnp.sum(w[2 * h] + w[2 * h + 1])
                eh = jnp.exp(jnp.full((LANES,), raw, jnp.float32))
                sh.append(eh)
                nvec = nvec + eh * onehot[h]
            for k in range(VPR):
                w_buf[e, pl.ds(k * LANES, LANES)] = sv[k] * sh[k // 2]
            w_buf[e, pl.ds(HC, LANES)] = nvec

        pltpu.sync_copy(w_buf, shared.at[c_idx], add=True)

    @pl.loop(0, n_iblocks)
    def _iblock(b):
        rbase = wid * per_tile_chunks + b * IBC
        pltpu.sync_copy(rows_in.at[pl.ds(rbase, IBC)], row_blk)
        pltpu.sync_copy(cols_in.at[pl.ds(rbase, IBC)], col_blk)
        _fire(0, src_buf, dst_buf, sem)

        @pl.loop(0, IBC // 2)
        def _pair(j):
            gb = _fire(2 * j + 1, src_buf2, dst_buf2, sem2)
            pltpu.make_async_copy(proj.at[row_blk.at[2 * j]],
                                  src_buf, sem).wait()
            pltpu.make_async_copy(proj.at[col_blk.at[2 * j]],
                                  dst_buf, sem).wait()
            _compute(col_blk.at[2 * j], src_buf, dst_buf)

            @pl.when(j < IBC // 2 - 1)
            def _():
                _fire(2 * j + 2, src_buf, dst_buf, sem)
            gb[0].wait()
            gb[1].wait()
            _compute(col_blk.at[2 * j + 1], src_buf2, dst_buf2)

    plsc.subcore_barrier()

    for k in range((n_blocks + NUM_SUBCORES - 1) // NUM_SUBCORES):
        b = sid + k * NUM_SUBCORES

        @pl.when(b < n_blocks)
        def _():
            pltpu.sync_copy(shared.at[pl.ds(b * BLK, BLK)],
                            w_buf.at[pl.ds(0, BLK)])
            pltpu.sync_copy(w_buf.at[pl.ds(0, BLK)],
                            out.at[cid, pl.ds(b * BLK, BLK)])


def _sc_edge_pass(proj, rows, cols, att_flat):
    n = proj.shape[0]
    e = rows.shape[0] * rows.shape[1]
    mesh = plsc.VectorSubcoreMesh(core_axis_name="c", subcore_axis_name="s")
    return pl.kernel(
        functools.partial(_sc_edge_body, n, e),
        out_type=jax.ShapeDtypeStruct((NUM_CORES, n, PADW), jnp.float32),
        mesh=mesh,
        compiler_params=pltpu.CompilerParams(use_tc_tiling_on_sc=False,
                                             needs_layout_passes=False),
        scratch_types=[
            pltpu.VMEM((IBC, CHUNK), jnp.int32),
            pltpu.VMEM((IBC, CHUNK), jnp.int32),
            pltpu.VMEM((CHUNK, HC), jnp.float32),
            pltpu.VMEM((CHUNK, HC), jnp.float32),
            pltpu.VMEM((CHUNK, HC), jnp.float32),
            pltpu.VMEM((CHUNK, HC), jnp.float32),
            pltpu.VMEM((CHUNK, PADW), jnp.float32),
            pltpu.VMEM((HC,), jnp.float32),
            pltpu.VMEM_SHARED((n, PADW), jnp.float32),
            pltpu.SemaphoreType.DMA,
            pltpu.SemaphoreType.DMA,
        ],
    )(proj, rows, cols, att_flat)


def _finalize_body(p_ref, o_ref):
    p = p_ref[0] + p_ref[1]
    w = p[:, :HC]
    nrm = jnp.maximum(p[:, HC:HC + H], 1e-12)
    o_ref[...] = w / jnp.repeat(nrm, C, axis=1)


def _finalize(partials):
    n = partials.shape[1]
    bm = 1000
    return pl.pallas_call(
        _finalize_body,
        grid=(n // bm,),
        in_specs=[pl.BlockSpec((NUM_CORES, bm, PADW), lambda i: (0, i, 0))],
        out_specs=pl.BlockSpec((bm, HC), lambda i: (i, 0)),
        out_shape=jax.ShapeDtypeStruct((n, HC), jnp.float32),
    )(partials)


def kernel(x, edge_index, W, att):
    proj = _project(x, W)
    e = edge_index.shape[1]
    partials = _sc_edge_pass(proj,
                             edge_index[0].reshape(e // CHUNK, CHUNK),
                             edge_index[1].reshape(e // CHUNK, CHUNK),
                             att.reshape(-1))
    return _finalize(partials)

# --- scband reference (transcript-rebuilt; emitter-appended) ---
"""Pipeline reference for scband-gatv2-conv-2997887172725 (READ-ONLY COPY).

The authoritative reference and input builder live on the scoring server;
editing this copy changes nothing except your own understanding.
"""

import jax, jax.numpy as jnp
import numpy as np

N = 10000
E = 320000
IN = 128
H = 4
C = 32


def setup_inputs(seed: int = 0) -> dict:
    key = jax.random.key(seed)
    k1, k2, k3, k4 = jax.random.split(key, 4)
    x = jax.random.normal(k1, (N, IN), dtype=jnp.float32)
    edge_index = jax.random.randint(k2, (2, E), 0, N, dtype=jnp.int32)
    # nn.Linear(IN, H*C, bias=False): store transposed so forward is x @ W
    W = jax.random.normal(k3, (IN, H * C), dtype=jnp.float32) * 0.05
    att = jax.random.normal(k4, (H, C), dtype=jnp.float32)
    return {"x": x, "edge_index": edge_index, "W": W, "att": att}


def reference(x, edge_index, W, att):
    row = edge_index[0]
    col = edge_index[1]
    n = x.shape[0]
    projected = (x @ W).reshape(n, H, C)
    src = projected[row]          # gather [E, H, C]
    dst = projected[col]          # gather [E, H, C]
    scores = jnp.tanh(src + dst)
    scores = (scores * att).sum(axis=-1)                      # [E, H]
    scores = jnp.exp(scores - scores.max(axis=0, keepdims=True))
    out = jnp.zeros((n, H, C), dtype=projected.dtype).at[col].add(src * scores[..., None])
    normalizer = jnp.zeros((n, H), dtype=projected.dtype).at[col].add(scores)
    out = out / jnp.maximum(normalizer, 1e-12)[..., None]
    # concat=True
    return out.reshape(n, H * C)

if __name__ == "__main__":
    import jax
    _d = setup_inputs()
    print(jax.jit(kernel)(*tuple(_d.values())))

</pallas_src>

<mosaic_0001>
#map = affine_map<(d0, d1) -> (0, 0)>
#map1 = affine_map<(d0, d1) -> (0)>
#map2 = affine_map<(d0, d1) -> (0, 0, 0)>
module attributes {stable_mosaic.version = 14 : i64} {
  func.func @_sc_edge_body(%arg0: i32, %arg1: i32, %arg2: memref<10000x128xf32, #tpu.memory_space<hbm>>, %arg3: memref<8000x40xi32, #tpu.memory_space<hbm>>, %arg4: memref<8000x40xi32, #tpu.memory_space<hbm>>, %arg5: memref<128xf32, #tpu.memory_space<hbm>>, %arg6: memref<2x10000x144xf32, #tpu.memory_space<hbm>>, %arg7: memref<10x40xi32, #tpu.memory_space<vmem>>, %arg8: memref<10x40xi32, #tpu.memory_space<vmem>>, %arg9: memref<40x128xf32, #tpu.memory_space<vmem>>, %arg10: memref<40x128xf32, #tpu.memory_space<vmem>>, %arg11: memref<40x128xf32, #tpu.memory_space<vmem>>, %arg12: memref<40x128xf32, #tpu.memory_space<vmem>>, %arg13: memref<40x144xf32, #tpu.memory_space<vmem>>, %arg14: memref<128xf32, #tpu.memory_space<vmem>>, %arg15: memref<10000x144xf32, #tpu.memory_space<vmem_shared>>, %arg16: memref<!tpu.dma_semaphore, #tpu.memory_space<semaphore_mem>>, %arg17: memref<!tpu.dma_semaphore, #tpu.memory_space<semaphore_mem>>) attributes {dimension_semantics = [#tpu.dimension_semantics<core_parallel>, #tpu.dimension_semantics<subcore_parallel>], iteration_bounds = array<i64: 2, 16>, scalar_prefetch = 0 : i64, scratch_operands = 11 : i64, tpu.core_type = #tpu.core_type<sc_vector_subcore>, window_params = [{transform_indices = #map}, {transform_indices = #map}, {transform_indices = #map}, {transform_indices = #map1}, {transform_indices = #map2}]} {
    %mul3A = arith.constant 2 : i32
    %mul3A_0 = arith.muli %arg1, %mul3A : i32
    %add3A = arith.addi %mul3A_0, %arg0 : i32
    "tpu.region"() ({
      %run_scoped3A = tpu.sem_alloc : memref<!tpu.dma_semaphore, #tpu.memory_space<semaphore_mem>>
      tpu.enqueue_dma source(%arg5 : memref<128xf32, #tpu.memory_space<hbm>>) target(%arg14 : memref<128xf32, #tpu.memory_space<vmem>>) target_semaphore(%run_scoped3A : memref<!tpu.dma_semaphore, #tpu.memory_space<semaphore_mem>>)
      tpu.wait_dma2 semaphore(%run_scoped3A : memref<!tpu.dma_semaphore, #tpu.memory_space<semaphore_mem>>) src(%arg5 : memref<128xf32, #tpu.memory_space<hbm>>) dst(%arg14 : memref<128xf32, #tpu.memory_space<vmem>>)
      tpu.yield
    }) : () -> ()
    %broadcast_in_dim3A = arith.constant 0.000000e+00 : f32
    %broadcast_in_dim3A_1 = vector.broadcast %broadcast_in_dim3A : f32 to vector<16xf32>
    %scan3A = arith.constant 0 : i32
    %scan3A_2 = arith.constant 40 : i32
    %scan3A_3 = arith.addi %scan3A, %scan3A_2 : i32
    %scan3A_4 = arith.constant 1 : i32
    scf.for %scan3A_267 = %scan3A to %scan3A_3 step %scan3A_4  : i32 {
      %mul3A_268 = arith.constant 1 : i32
      %mul3A_269 = arith.muli %scan3A_267, %mul3A_268 : i32
      %add3A_270 = arith.constant 0 : i32
      %add3A_271 = arith.addi %add3A_270, %mul3A_269 : i32
      %swap3A = arith.index_cast %add3A_271 : i32 to index
      %swap3A_272 = arith.constant 0 : index
      %swap3A_273 = tpu.vector_load %arg13[%swap3A, %swap3A_272] {strides = array<i32>} : memref<40x144xf32, #tpu.memory_space<vmem>>, vector<16xf32>,
      tpu.vector_store %arg13[%swap3A, %swap3A_272], %broadcast_in_dim3A_1 {strides = array<i32>} : memref<40x144xf32, #tpu.memory_space<vmem>>, vector<16xf32>,
      %swap3A_274 = arith.index_cast %add3A_271 : i32 to index
      %swap3A_275 = arith.constant 16 : index
      %swap3A_276 = tpu.vector_load %arg13[%swap3A_274, %swap3A_275] {strides = array<i32>} : memref<40x144xf32, #tpu.memory_space<vmem>>, vector<16xf32>,
      tpu.vector_store %arg13[%swap3A_274, %swap3A_275], %broadcast_in_dim3A_1 {strides = array<i32>} : memref<40x144xf32, #tpu.memory_space<vmem>>, vector<16xf32>,
      %swap3A_277 = arith.index_cast %add3A_271 : i32 to index
      %swap3A_278 = arith.constant 32 : index
      %swap3A_279 = tpu.vector_load %arg13[%swap3A_277, %swap3A_278] {strides = array<i32>} : memref<40x144xf32, #tpu.memory_space<vmem>>, vector<16xf32>,
      tpu.vector_store %arg13[%swap3A_277, %swap3A_278], %broadcast_in_dim3A_1 {strides = array<i32>} : memref<40x144xf32, #tpu.memory_space<vmem>>, vector<16xf32>,
      %swap3A_280 = arith.index_cast %add3A_271 : i32 to index
      %swap3A_281 = arith.constant 48 : index
      %swap3A_282 = tpu.vector_load %arg13[%swap3A_280, %swap3A_281] {strides = array<i32>} : memref<40x144xf32, #tpu.memory_space<vmem>>, vector<16xf32>,
      tpu.vector_store %arg13[%swap3A_280, %swap3A_281], %broadcast_in_dim3A_1 {strides = array<i32>} : memref<40x144xf32, #tpu.memory_space<vmem>>, vector<16xf32>,
      %swap3A_283 = arith.index_cast %add3A_271 : i32 to index
      %swap3A_284 = arith.constant 64 : index
      %swap3A_285 = tpu.vector_load %arg13[%swap3A_283, %swap3A_284] {strides = array<i32>} : memref<40x144xf32, #tpu.memory_space<vmem>>, vector<16xf32>,
      tpu.vector_store %arg13[%swap3A_283, %swap3A_284], %broadcast_in_dim3A_1 {strides = array<i32>} : memref<40x144xf32, #tpu.memory_space<vmem>>, vector<16xf32>,
      %swap3A_286 = arith.index_cast %add3A_271 : i32 to index
      %swap3A_287 = arith.constant 80 : index
      %swap3A_288 = tpu.vector_load %arg13[%swap3A_286, %swap3A_287] {strides = array<i32>} : memref<40x144xf32, #tpu.memory_space<vmem>>, vector<16xf32>,
      tpu.vector_store %arg13[%swap3A_286, %swap3A_287], %broadcast_in_dim3A_1 {strides = array<i32>} : memref<40x144xf32, #tpu.memory_space<vmem>>, vector<16xf32>,
      %swap3A_289 = arith.index_cast %add3A_271 : i32 to index
      %swap3A_290 = arith.constant 96 : index
      %swap3A_291 = tpu.vector_load %arg13[%swap3A_289, %swap3A_290] {strides = array<i32>} : memref<40x144xf32, #tpu.memory_space<vmem>>, vector<16xf32>,
      tpu.vector_store %arg13[%swap3A_289, %swap3A_290], %broadcast_in_dim3A_1 {strides = array<i32>} : memref<40x144xf32, #tpu.memory_space<vmem>>, vector<16xf32>,
      %swap3A_292 = arith.index_cast %add3A_271 : i32 to index
      %swap3A_293 = arith.constant 112 : index
      %swap3A_294 = tpu.vector_load %arg13[%swap3A_292, %swap3A_293] {strides = array<i32>} : memref<40x144xf32, #tpu.memory_space<vmem>>, vector<16xf32>,
      tpu.vector_store %arg13[%swap3A_292, %swap3A_293], %broadcast_in_dim3A_1 {strides = array<i32>} : memref<40x144xf32, #tpu.memory_space<vmem>>, vector<16xf32>,
      %swap3A_295 = arith.index_cast %add3A_271 : i32 to index
      %swap3A_296 = arith.constant 128 : index
      %swap3A_297 = tpu.vector_load %arg13[%swap3A_295, %swap3A_296] {strides = array<i32>} : memref<40x144xf32, #tpu.memory_space<vmem>>, vector<16xf32>,
      tpu.vector_store %arg13[%swap3A_295, %swap3A_296], %broadcast_in_dim3A_1 {strides = array<i32>} : memref<40x144xf32, #tpu.memory_space<vmem>>, vector<16xf32>,
    }
    %scan3A_5 = arith.constant 40 : i32
    %add3A_6 = arith.constant 0 : i32
    %add3A_7 = arith.addi %arg1, %add3A_6 : i32
    %lt3A = arith.constant 250 : i32
    %lt3A_8 = arith.cmpi slt, %add3A_7, %lt3A : i32
    %convert_element_type3A = arith.extui %lt3A_8 : i1 to i32
    %cond3A = arith.constant 0 : i32
    %cond3A_9 = arith.cmpi ne, %convert_element_type3A, %cond3A : i32
    scf.if %cond3A_9 {
      %mul3A_267 = arith.constant 40 : i32
      %mul3A_268 = arith.muli %add3A_7, %mul3A_267 : i32
      "tpu.region"() ({
        %run_scoped3A = tpu.sem_alloc : memref<!tpu.dma_semaphore, #tpu.memory_space<semaphore_mem>>
        %dma_start3A = arith.constant 0 : i32
        %dma_start3A_269 = arith.constant 0 : i32
        %dma_start3A_270 = tpu.memref_slice %arg13[%dma_start3A, %dma_start3A_269] : memref<40x144xf32, #tpu.memory_space<vmem>> -> memref<40x144xf32, #tpu.memory_space<vmem>>
        %dma_start3A_271 = arith.constant 0 : i32
        %dma_start3A_272 = tpu.memref_slice %arg15[%mul3A_268, %dma_start3A_271] : memref<10000x144xf32, #tpu.memory_space<vmem_shared>> -> memref<40x144xf32, #tpu.memory_space<vmem_shared>>
        %dma_start3A_273 = arith.constant 0 : i32
        %dma_start3A_274 = tpu.memref_slice %arg15[%mul3A_268, %dma_start3A_273] : memref<10000x144xf32, #tpu.memory_space<vmem_shared>> -> memref<40x144xf32, #tpu.memory_space<vmem_shared>>
        %dma_start3A_275 = arith.constant 0 : i32
        %dma_start3A_276 = arith.constant 0 : i32
        %dma_start3A_277 = tpu.memref_slice %arg13[%dma_start3A_275, %dma_start3A_276] : memref<40x144xf32, #tpu.memory_space<vmem>> -> memref<40x144xf32, #tpu.memory_space<vmem>>
        tpu.enqueue_dma source(%dma_start3A_277 : memref<40x144xf32, #tpu.memory_space<vmem>>) target(%dma_start3A_274 : memref<40x144xf32, #tpu.memory_space<vmem_shared>>) target_semaphore(%run_scoped3A : memref<!tpu.dma_semaphore, #tpu.memory_space<semaphore_mem>>)
        %dma_wait3A = arith.constant 0 : i32
        %dma_wait3A_278 = arith.constant 0 : i32
        %dma_wait3A_279 = tpu.memref_slice %arg13[%dma_wait3A, %dma_wait3A_278] : memref<40x144xf32, #tpu.memory_space<vmem>> -> memref<40x144xf32, #tpu.memory_space<vmem>>
        %dma_wait3A_280 = arith.constant 0 : i32
        %dma_wait3A_281 = tpu.memref_slice %arg15[%mul3A_268, %dma_wait3A_280] : memref<10000x144xf32, #tpu.memory_space<vmem_shared>> -> memref<40x144xf32, #tpu.memory_space<vmem_shared>>
        %dma_wait3A_282 = arith.constant 0 : i32
        %dma_wait3A_283 = tpu.memref_slice %arg15[%mul3A_268, %dma_wait3A_282] : memref<10000x144xf32, #tpu.memory_space<vmem_shared>> -> memref<40x144xf32, #tpu.memory_space<vmem_shared>>
        %dma_wait3A_284 = arith.constant 0 : i32
        %dma_wait3A_285 = arith.constant 0 : i32
        %dma_wait3A_286 = tpu.memref_slice %arg13[%dma_wait3A_284, %dma_wait3A_285] : memref<40x144xf32, #tpu.memory_space<vmem>> -> memref<40x144xf32, #tpu.memory_space<vmem>>
        tpu.wait_dma2 semaphore(%run_scoped3A : memref<!tpu.dma_semaphore, #tpu.memory_space<semaphore_mem>>) src(%dma_wait3A_286 : memref<40x144xf32, #tpu.memory_space<vmem>>) dst(%dma_wait3A_283 : memref<40x144xf32, #tpu.memory_space<vmem_shared>>)
        tpu.yield
      }) : () -> ()
    } else {
    }
    %add3A_10 = arith.constant 16 : i32
    %add3A_11 = arith.addi %arg1, %add3A_10 : i32
    %lt3A_12 = arith.constant 250 : i32
    %lt3A_13 = arith.cmpi slt, %add3A_11, %lt3A_12 : i32
    %convert_element_type3A_14 = arith.extui %lt3A_13 : i1 to i32
    %cond3A_15 = arith.constant 0 : i32
    %cond3A_16 = arith.cmpi ne, %convert_element_type3A_14, %cond3A_15 : i32
    scf.if %cond3A_16 {
      %mul3A_267 = arith.constant 40 : i32
      %mul3A_268 = arith.muli %add3A_11, %mul3A_267 : i32
      "tpu.region"() ({
        %run_scoped3A = tpu.sem_alloc : memref<!tpu.dma_semaphore, #tpu.memory_space<semaphore_mem>>
        %dma_start3A = arith.constant 0 : i32
        %dma_start3A_269 = arith.constant 0 : i32
        %dma_start3A_270 = tpu.memref_slice %arg13[%dma_start3A, %dma_start3A_269] : memref<40x144xf32, #tpu.memory_space<vmem>> -> memref<40x144xf32, #tpu.memory_space<vmem>>
        %dma_start3A_271 = arith.constant 0 : i32
        %dma_start3A_272 = tpu.memref_slice %arg15[%mul3A_268, %dma_start3A_271] : memref<10000x144xf32, #tpu.memory_space<vmem_shared>> -> memref<40x144xf32, #tpu.memory_space<vmem_shared>>
        %dma_start3A_273 = arith.constant 0 : i32
        %dma_start3A_274 = tpu.memref_slice %arg15[%mul3A_268, %dma_start3A_273] : memref<10000x144xf32, #tpu.memory_space<vmem_shared>> -> memref<40x144xf32, #tpu.memory_space<vmem_shared>>
        %dma_start3A_275 = arith.constant 0 : i32
        %dma_start3A_276 = arith.constant 0 : i32
        %dma_start3A_277 = tpu.memref_slice %arg13[%dma_start3A_275, %dma_start3A_276] : memref<40x144xf32, #tpu.memory_space<vmem>> -> memref<40x144xf32, #tpu.memory_space<vmem>>
        tpu.enqueue_dma source(%dma_start3A_277 : memref<40x144xf32, #tpu.memory_space<vmem>>) target(%dma_start3A_274 : memref<40x144xf32, #tpu.memory_space<vmem_shared>>) target_semaphore(%run_scoped3A : memref<!tpu.dma_semaphore, #tpu.memory_space<semaphore_mem>>)
        %dma_wait3A = arith.constant 0 : i32
        %dma_wait3A_278 = arith.constant 0 : i32
        %dma_wait3A_279 = tpu.memref_slice %arg13[%dma_wait3A, %dma_wait3A_278] : memref<40x144xf32, #tpu.memory_space<vmem>> -> memref<40x144xf32, #tpu.memory_space<vmem>>
        %dma_wait3A_280 = arith.constant 0 : i32
        %dma_wait3A_281 = tpu.memref_slice %arg15[%mul3A_268, %dma_wait3A_280] : memref<10000x144xf32, #tpu.memory_space<vmem_shared>> -> memref<40x144xf32, #tpu.memory_space<vmem_shared>>
        %dma_wait3A_282 = arith.constant 0 : i32
        %dma_wait3A_283 = tpu.memref_slice %arg15[%mul3A_268, %dma_wait3A_282] : memref<10000x144xf32, #tpu.memory_space<vmem_shared>> -> memref<40x144xf32, #tpu.memory_space<vmem_shared>>
        %dma_wait3A_284 = arith.constant 0 : i32
        %dma_wait3A_285 = arith.constant 0 : i32
        %dma_wait3A_286 = tpu.memref_slice %arg13[%dma_wait3A_284, %dma_wait3A_285] : memref<40x144xf32, #tpu.memory_space<vmem>> -> memref<40x144xf32, #tpu.memory_space<vmem>>
        tpu.wait_dma2 semaphore(%run_scoped3A : memref<!tpu.dma_semaphore, #tpu.memory_space<semaphore_mem>>) src(%dma_wait3A_286 : memref<40x144xf32, #tpu.memory_space<vmem>>) dst(%dma_wait3A_283 : memref<40x144xf32, #tpu.memory_space<vmem_shared>>)
        tpu.yield
      }) : () -> ()
    } else {
    }
    %add3A_17 = arith.constant 32 : i32
    %add3A_18 = arith.addi %arg1, %add3A_17 : i32
    %lt3A_19 = arith.constant 250 : i32
    %lt3A_20 = arith.cmpi slt, %add3A_18, %lt3A_19 : i32
    %convert_element_type3A_21 = arith.extui %lt3A_20 : i1 to i32
    %cond3A_22 = arith.constant 0 : i32
    %cond3A_23 = arith.cmpi ne, %convert_element_type3A_21, %cond3A_22 : i32
    scf.if %cond3A_23 {
      %mul3A_267 = arith.constant 40 : i32
      %mul3A_268 = arith.muli %add3A_18, %mul3A_267 : i32
      "tpu.region"() ({
        %run_scoped3A = tpu.sem_alloc : memref<!tpu.dma_semaphore, #tpu.memory_space<semaphore_mem>>
        %dma_start3A = arith.constant 0 : i32
        %dma_start3A_269 = arith.constant 0 : i32
        %dma_start3A_270 = tpu.memref_slice %arg13[%dma_start3A, %dma_start3A_269] : memref<40x144xf32, #tpu.memory_space<vmem>> -> memref<40x144xf32, #tpu.memory_space<vmem>>
        %dma_start3A_271 = arith.constant 0 : i32
        %dma_start3A_272 = tpu.memref_slice %arg15[%mul3A_268, %dma_start3A_271] : memref<10000x144xf32, #tpu.memory_space<vmem_shared>> -> memref<40x144xf32, #tpu.memory_space<vmem_shared>>
        %dma_start3A_273 = arith.constant 0 : i32
        %dma_start3A_274 = tpu.memref_slice %arg15[%mul3A_268, %dma_start3A_273] : memref<10000x144xf32, #tpu.memory_space<vmem_shared>> -> memref<40x144xf32, #tpu.memory_space<vmem_shared>>
        %dma_start3A_275 = arith.constant 0 : i32
        %dma_start3A_276 = arith.constant 0 : i32
        %dma_start3A_277 = tpu.memref_slice %arg13[%dma_start3A_275, %dma_start3A_276] : memref<40x144xf32, #tpu.memory_space<vmem>> -> memref<40x144xf32, #tpu.memory_space<vmem>>
        tpu.enqueue_dma source(%dma_start3A_277 : memref<40x144xf32, #tpu.memory_space<vmem>>) target(%dma_start3A_274 : memref<40x144xf32, #tpu.memory_space<vmem_shared>>) target_semaphore(%run_scoped3A : memref<!tpu.dma_semaphore, #tpu.memory_space<semaphore_mem>>)
        %dma_wait3A = arith.constant 0 : i32
        %dma_wait3A_278 = arith.constant 0 : i32
        %dma_wait3A_279 = tpu.memref_slice %arg13[%dma_wait3A, %dma_wait3A_278] : memref<40x144xf32, #tpu.memory_space<vmem>> -> memref<40x144xf32, #tpu.memory_space<vmem>>
        %dma_wait3A_280 = arith.constant 0 : i32
        %dma_wait3A_281 = tpu.memref_slice %arg15[%mul3A_268, %dma_wait3A_280] : memref<10000x144xf32, #tpu.memory_space<vmem_shared>> -> memref<40x144xf32, #tpu.memory_space<vmem_shared>>
        %dma_wait3A_282 = arith.constant 0 : i32
        %dma_wait3A_283 = tpu.memref_slice %arg15[%mul3A_268, %dma_wait3A_282] : memref<10000x144xf32, #tpu.memory_space<vmem_shared>> -> memref<40x144xf32, #tpu.memory_space<vmem_shared>>
        %dma_wait3A_284 = arith.constant 0 : i32
        %dma_wait3A_285 = arith.constant 0 : i32
        %dma_wait3A_286 = tpu.memref_slice %arg13[%dma_wait3A_284, %dma_wait3A_285] : memref<40x144xf32, #tpu.memory_space<vmem>> -> memref<40x144xf32, #tpu.memory_space<vmem>>
        tpu.wait_dma2 semaphore(%run_scoped3A : memref<!tpu.dma_semaphore, #tpu.memory_space<semaphore_mem>>) src(%dma_wait3A_286 : memref<40x144xf32, #tpu.memory_space<vmem>>) dst(%dma_wait3A_283 : memref<40x144xf32, #tpu.memory_space<vmem_shared>>)
        tpu.yield
      }) : () -> ()
    } else {
    }
    %add3A_24 = arith.constant 48 : i32
    %add3A_25 = arith.addi %arg1, %add3A_24 : i32
    %lt3A_26 = arith.constant 250 : i32
    %lt3A_27 = arith.cmpi slt, %add3A_25, %lt3A_26 : i32
    %convert_element_type3A_28 = arith.extui %lt3A_27 : i1 to i32
    %cond3A_29 = arith.constant 0 : i32
    %cond3A_30 = arith.cmpi ne, %convert_element_type3A_28, %cond3A_29 : i32
    scf.if %cond3A_30 {
      %mul3A_267 = arith.constant 40 : i32
      %mul3A_268 = arith.muli %add3A_25, %mul3A_267 : i32
      "tpu.region"() ({
        %run_scoped3A = tpu.sem_alloc : memref<!tpu.dma_semaphore, #tpu.memory_space<semaphore_mem>>
        %dma_start3A = arith.constant 0 : i32
        %dma_start3A_269 = arith.constant 0 : i32
        %dma_start3A_270 = tpu.memref_slice %arg13[%dma_start3A, %dma_start3A_269] : memref<40x144xf32, #tpu.memory_space<vmem>> -> memref<40x144xf32, #tpu.memory_space<vmem>>
        %dma_start3A_271 = arith.constant 0 : i32
        %dma_start3A_272 = tpu.memref_slice %arg15[%mul3A_268, %dma_start3A_271] : memref<10000x144xf32, #tpu.memory_space<vmem_shared>> -> memref<40x144xf32, #tpu.memory_space<vmem_shared>>
        %dma_start3A_273 = arith.constant 0 : i32
        %dma_start3A_274 = tpu.memref_slice %arg15[%mul3A_268, %dma_start3A_273] : memref<10000x144xf32, #tpu.memory_space<vmem_shared>> -> memref<40x144xf32, #tpu.memory_space<vmem_shared>>
        %dma_start3A_275 = arith.constant 0 : i32
        %dma_start3A_276 = arith.constant 0 : i32
        %dma_start3A_277 = tpu.memref_slice %arg13[%dma_start3A_275, %dma_start3A_276] : memref<40x144xf32, #tpu.memory_space<vmem>> -> memref<40x144xf32, #tpu.memory_space<vmem>>
        tpu.enqueue_dma source(%dma_start3A_277 : memref<40x144xf32, #tpu.memory_space<vmem>>) target(%dma_start3A_274 : memref<40x144xf32, #tpu.memory_space<vmem_shared>>) target_semaphore(%run_scoped3A : memref<!tpu.dma_semaphore, #tpu.memory_space<semaphore_mem>>)
        %dma_wait3A = arith.constant 0 : i32
        %dma_wait3A_278 = arith.constant 0 : i32
        %dma_wait3A_279 = tpu.memref_slice %arg13[%dma_wait3A, %dma_wait3A_278] : memref<40x144xf32, #tpu.memory_space<vmem>> -> memref<40x144xf32, #tpu.memory_space<vmem>>
        %dma_wait3A_280 = arith.constant 0 : i32
        %dma_wait3A_281 = tpu.memref_slice %arg15[%mul3A_268, %dma_wait3A_280] : memref<10000x144xf32, #tpu.memory_space<vmem_shared>> -> memref<40x144xf32, #tpu.memory_space<vmem_shared>>
        %dma_wait3A_282 = arith.constant 0 : i32
        %dma_wait3A_283 = tpu.memref_slice %arg15[%mul3A_268, %dma_wait3A_282] : memref<10000x144xf32, #tpu.memory_space<vmem_shared>> -> memref<40x144xf32, #tpu.memory_space<vmem_shared>>
        %dma_wait3A_284 = arith.constant 0 : i32
        %dma_wait3A_285 = arith.constant 0 : i32
        %dma_wait3A_286 = tpu.memref_slice %arg13[%dma_wait3A_284, %dma_wait3A_285] : memref<40x144xf32, #tpu.memory_space<vmem>> -> memref<40x144xf32, #tpu.memory_space<vmem>>
        tpu.wait_dma2 semaphore(%run_scoped3A : memref<!tpu.dma_semaphore, #tpu.memory_space<semaphore_mem>>) src(%dma_wait3A_286 : memref<40x144xf32, #tpu.memory_space<vmem>>) dst(%dma_wait3A_283 : memref<40x144xf32, #tpu.memory_space<vmem_shared>>)
        tpu.yield
      }) : () -> ()
    } else {
    }
    %add3A_31 = arith.constant 64 : i32
    %add3A_32 = arith.addi %arg1, %add3A_31 : i32
    %lt3A_33 = arith.constant 250 : i32
    %lt3A_34 = arith.cmpi slt, %add3A_32, %lt3A_33 : i32
    %convert_element_type3A_35 = arith.extui %lt3A_34 : i1 to i32
    %cond3A_36 = arith.constant 0 : i32
    %cond3A_37 = arith.cmpi ne, %convert_element_type3A_35, %cond3A_36 : i32
    scf.if %cond3A_37 {
      %mul3A_267 = arith.constant 40 : i32
      %mul3A_268 = arith.muli %add3A_32, %mul3A_267 : i32
      "tpu.region"() ({
        %run_scoped3A = tpu.sem_alloc : memref<!tpu.dma_semaphore, #tpu.memory_space<semaphore_mem>>
        %dma_start3A = arith.constant 0 : i32
        %dma_start3A_269 = arith.constant 0 : i32
        %dma_start3A_270 = tpu.memref_slice %arg13[%dma_start3A, %dma_start3A_269] : memref<40x144xf32, #tpu.memory_space<vmem>> -> memref<40x144xf32, #tpu.memory_space<vmem>>
        %dma_start3A_271 = arith.constant 0 : i32
        %dma_start3A_272 = tpu.memref_slice %arg15[%mul3A_268, %dma_start3A_271] : memref<10000x144xf32, #tpu.memory_space<vmem_shared>> -> memref<40x144xf32, #tpu.memory_space<vmem_shared>>
        %dma_start3A_273 = arith.constant 0 : i32
        %dma_start3A_274 = tpu.memref_slice %arg15[%mul3A_268, %dma_start3A_273] : memref<10000x144xf32, #tpu.memory_space<vmem_shared>> -> memref<40x144xf32, #tpu.memory_space<vmem_shared>>
        %dma_start3A_275 = arith.constant 0 : i32
        %dma_start3A_276 = arith.constant 0 : i32
        %dma_start3A_277 = tpu.memref_slice %arg13[%dma_start3A_275, %dma_start3A_276] : memref<40x144xf32, #tpu.memory_space<vmem>> -> memref<40x144xf32, #tpu.memory_space<vmem>>
        tpu.enqueue_dma source(%dma_start3A_277 : memref<40x144xf32, #tpu.memory_space<vmem>>) target(%dma_start3A_274 : memref<40x144xf32, #tpu.memory_space<vmem_shared>>) target_semaphore(%run_scoped3A : memref<!tpu.dma_semaphore, #tpu.memory_space<semaphore_mem>>)
        %dma_wait3A = arith.constant 0 : i32
        %dma_wait3A_278 = arith.constant 0 : i32
        %dma_wait3A_279 = tpu.memref_slice %arg13[%dma_wait3A, %dma_wait3A_278] : memref<40x144xf32, #tpu.memory_space<vmem>> -> memref<40x144xf32, #tpu.memory_space<vmem>>
        %dma_wait3A_280 = arith.constant 0 : i32
        %dma_wait3A_281 = tpu.memref_slice %arg15[%mul3A_268, %dma_wait3A_280] : memref<10000x144xf32, #tpu.memory_space<vmem_shared>> -> memref<40x144xf32, #tpu.memory_space<vmem_shared>>
        %dma_wait3A_282 = arith.constant 0 : i32
        %dma_wait3A_283 = tpu.memref_slice %arg15[%mul3A_268, %dma_wait3A_282] : memref<10000x144xf32, #tpu.memory_space<vmem_shared>> -> memref<40x144xf32, #tpu.memory_space<vmem_shared>>
        %dma_wait3A_284 = arith.constant 0 : i32
        %dma_wait3A_285 = arith.constant 0 : i32
        %dma_wait3A_286 = tpu.memref_slice %arg13[%dma_wait3A_284, %dma_wait3A_285] : memref<40x144xf32, #tpu.memory_space<vmem>> -> memref<40x144xf32, #tpu.memory_space<vmem>>
        tpu.wait_dma2 semaphore(%run_scoped3A : memref<!tpu.dma_semaphore, #tpu.memory_space<semaphore_mem>>) src(%dma_wait3A_286 : memref<40x144xf32, #tpu.memory_space<vmem>>) dst(%dma_wait3A_283 : memref<40x144xf32, #tpu.memory_space<vmem_shared>>)
        tpu.yield
      }) : () -> ()
    } else {
    }
    %add3A_38 = arith.constant 80 : i32
    %add3A_39 = arith.addi %arg1, %add3A_38 : i32
    %lt3A_40 = arith.constant 250 : i32
    %lt3A_41 = arith.cmpi slt, %add3A_39, %lt3A_40 : i32
    %convert_element_type3A_42 = arith.extui %lt3A_41 : i1 to i32
    %cond3A_43 = arith.constant 0 : i32
    %cond3A_44 = arith.cmpi ne, %convert_element_type3A_42, %cond3A_43 : i32
    scf.if %cond3A_44 {
      %mul3A_267 = arith.constant 40 : i32
      %mul3A_268 = arith.muli %add3A_39, %mul3A_267 : i32
      "tpu.region"() ({
        %run_scoped3A = tpu.sem_alloc : memref<!tpu.dma_semaphore, #tpu.memory_space<semaphore_mem>>
        %dma_start3A = arith.constant 0 : i32
        %dma_start3A_269 = arith.constant 0 : i32
        %dma_start3A_270 = tpu.memref_slice %arg13[%dma_start3A, %dma_start3A_269] : memref<40x144xf32, #tpu.memory_space<vmem>> -> memref<40x144xf32, #tpu.memory_space<vmem>>
        %dma_start3A_271 = arith.constant 0 : i32
        %dma_start3A_272 = tpu.memref_slice %arg15[%mul3A_268, %dma_start3A_271] : memref<10000x144xf32, #tpu.memory_space<vmem_shared>> -> memref<40x144xf32, #tpu.memory_space<vmem_shared>>
        %dma_start3A_273 = arith.constant 0 : i32
        %dma_start3A_274 = tpu.memref_slice %arg15[%mul3A_268, %dma_start3A_273] : memref<10000x144xf32, #tpu.memory_space<vmem_shared>> -> memref<40x144xf32, #tpu.memory_space<vmem_shared>>
        %dma_start3A_275 = arith.constant 0 : i32
        %dma_start3A_276 = arith.constant 0 : i32
        %dma_start3A_277 = tpu.memref_slice %arg13[%dma_start3A_275, %dma_start3A_276] : memref<40x144xf32, #tpu.memory_space<vmem>> -> memref<40x144xf32, #tpu.memory_space<vmem>>
        tpu.enqueue_dma source(%dma_start3A_277 : memref<40x144xf32, #tpu.memory_space<vmem>>) target(%dma_start3A_274 : memref<40x144xf32, #tpu.memory_space<vmem_shared>>) target_semaphore(%run_scoped3A : memref<!tpu.dma_semaphore, #tpu.memory_space<semaphore_mem>>)
        %dma_wait3A = arith.constant 0 : i32
        %dma_wait3A_278 = arith.constant 0 : i32
        %dma_wait3A_279 = tpu.memref_slice %arg13[%dma_wait3A, %dma_wait3A_278] : memref<40x144xf32, #tpu.memory_space<vmem>> -> memref<40x144xf32, #tpu.memory_space<vmem>>
        %dma_wait3A_280 = arith.constant 0 : i32
        %dma_wait3A_281 = tpu.memref_slice %arg15[%mul3A_268, %dma_wait3A_280] : memref<10000x144xf32, #tpu.memory_space<vmem_shared>> -> memref<40x144xf32, #tpu.memory_space<vmem_shared>>
        %dma_wait3A_282 = arith.constant 0 : i32
        %dma_wait3A_283 = tpu.memref_slice %arg15[%mul3A_268, %dma_wait3A_282] : memref<10000x144xf32, #tpu.memory_space<vmem_shared>> -> memref<40x144xf32, #tpu.memory_space<vmem_shared>>
        %dma_wait3A_284 = arith.constant 0 : i32
        %dma_wait3A_285 = arith.constant 0 : i32
        %dma_wait3A_286 = tpu.memref_slice %arg13[%dma_wait3A_284, %dma_wait3A_285] : memref<40x144xf32, #tpu.memory_space<vmem>> -> memref<40x144xf32, #tpu.memory_space<vmem>>
        tpu.wait_dma2 semaphore(%run_scoped3A : memref<!tpu.dma_semaphore, #tpu.memory_space<semaphore_mem>>) src(%dma_wait3A_286 : memref<40x144xf32, #tpu.memory_space<vmem>>) dst(%dma_wait3A_283 : memref<40x144xf32, #tpu.memory_space<vmem_shared>>)
        tpu.yield
      }) : () -> ()
    } else {
    }
    %add3A_45 = arith.constant 96 : i32
    %add3A_46 = arith.addi %arg1, %add3A_45 : i32
    %lt3A_47 = arith.constant 250 : i32
    %lt3A_48 = arith.cmpi slt, %add3A_46, %lt3A_47 : i32
    %convert_element_type3A_49 = arith.extui %lt3A_48 : i1 to i32
    %cond3A_50 = arith.constant 0 : i32
    %cond3A_51 = arith.cmpi ne, %convert_element_type3A_49, %cond3A_50 : i32
    scf.if %cond3A_51 {
      %mul3A_267 = arith.constant 40 : i32
      %mul3A_268 = arith.muli %add3A_46, %mul3A_267 : i32
      "tpu.region"() ({
        %run_scoped3A = tpu.sem_alloc : memref<!tpu.dma_semaphore, #tpu.memory_space<semaphore_mem>>
        %dma_start3A = arith.constant 0 : i32
        %dma_start3A_269 = arith.constant 0 : i32
        %dma_start3A_270 = tpu.memref_slice %arg13[%dma_start3A, %dma_start3A_269] : memref<40x144xf32, #tpu.memory_space<vmem>> -> memref<40x144xf32, #tpu.memory_space<vmem>>
        %dma_start3A_271 = arith.constant 0 : i32
        %dma_start3A_272 = tpu.memref_slice %arg15[%mul3A_268, %dma_start3A_271] : memref<10000x144xf32, #tpu.memory_space<vmem_shared>> -> memref<40x144xf32, #tpu.memory_space<vmem_shared>>
        %dma_start3A_273 = arith.constant 0 : i32
        %dma_start3A_274 = tpu.memref_slice %arg15[%mul3A_268, %dma_start3A_273] : memref<10000x144xf32, #tpu.memory_space<vmem_shared>> -> memref<40x144xf32, #tpu.memory_space<vmem_shared>>
        %dma_start3A_275 = arith.constant 0 : i32
        %dma_start3A_276 = arith.constant 0 : i32
        %dma_start3A_277 = tpu.memref_slice %arg13[%dma_start3A_275, %dma_start3A_276] : memref<40x144xf32, #tpu.memory_space<vmem>> -> memref<40x144xf32, #tpu.memory_space<vmem>>
        tpu.enqueue_dma source(%dma_start3A_277 : memref<40x144xf32, #tpu.memory_space<vmem>>) target(%dma_start3A_274 : memref<40x144xf32, #tpu.memory_space<vmem_shared>>) target_semaphore(%run_scoped3A : memref<!tpu.dma_semaphore, #tpu.memory_space<semaphore_mem>>)
        %dma_wait3A = arith.constant 0 : i32
        %dma_wait3A_278 = arith.constant 0 : i32
        %dma_wait3A_279 = tpu.memref_slice %arg13[%dma_wait3A, %dma_wait3A_278] : memref<40x144xf32, #tpu.memory_space<vmem>> -> memref<40x144xf32, #tpu.memory_space<vmem>>
        %dma_wait3A_280 = arith.constant 0 : i32
        %dma_wait3A_281 = tpu.memref_slice %arg15[%mul3A_268, %dma_wait3A_280] : memref<10000x144xf32, #tpu.memory_space<vmem_shared>> -> memref<40x144xf32, #tpu.memory_space<vmem_shared>>
        %dma_wait3A_282 = arith.constant 0 : i32
        %dma_wait3A_283 = tpu.memref_slice %arg15[%mul3A_268, %dma_wait3A_282] : memref<10000x144xf32, #tpu.memory_space<vmem_shared>> -> memref<40x144xf32, #tpu.memory_space<vmem_shared>>
        %dma_wait3A_284 = arith.constant 0 : i32
        %dma_wait3A_285 = arith.constant 0 : i32
        %dma_wait3A_286 = tpu.memref_slice %arg13[%dma_wait3A_284, %dma_wait3A_285] : memref<40x144xf32, #tpu.memory_space<vmem>> -> memref<40x144xf32, #tpu.memory_space<vmem>>
        tpu.wait_dma2 semaphore(%run_scoped3A : memref<!tpu.dma_semaphore, #tpu.memory_space<semaphore_mem>>) src(%dma_wait3A_286 : memref<40x144xf32, #tpu.memory_space<vmem>>) dst(%dma_wait3A_283 : memref<40x144xf32, #tpu.memory_space<vmem_shared>>)
        tpu.yield
      }) : () -> ()
    } else {
    }
    %add3A_52 = arith.constant 112 : i32
    %add3A_53 = arith.addi %arg1, %add3A_52 : i32
    %lt3A_54 = arith.constant 250 : i32
    %lt3A_55 = arith.cmpi slt, %add3A_53, %lt3A_54 : i32
    %convert_element_type3A_56 = arith.extui %lt3A_55 : i1 to i32
    %cond3A_57 = arith.constant 0 : i32
    %cond3A_58 = arith.cmpi ne, %convert_element_type3A_56, %cond3A_57 : i32
    scf.if %cond3A_58 {
      %mul3A_267 = arith.constant 40 : i32
      %mul3A_268 = arith.muli %add3A_53, %mul3A_267 : i32
      "tpu.region"() ({
        %run_scoped3A = tpu.sem_alloc : memref<!tpu.dma_semaphore, #tpu.memory_space<semaphore_mem>>
        %dma_start3A = arith.constant 0 : i32
        %dma_start3A_269 = arith.constant 0 : i32
        %dma_start3A_270 = tpu.memref_slice %arg13[%dma_start3A, %dma_start3A_269] : memref<40x144xf32, #tpu.memory_space<vmem>> -> memref<40x144xf32, #tpu.memory_space<vmem>>
        %dma_start3A_271 = arith.constant 0 : i32
        %dma_start3A_272 = tpu.memref_slice %arg15[%mul3A_268, %dma_start3A_271] : memref<10000x144xf32, #tpu.memory_space<vmem_shared>> -> memref<40x144xf32, #tpu.memory_space<vmem_shared>>
        %dma_start3A_273 = arith.constant 0 : i32
        %dma_start3A_274 = tpu.memref_slice %arg15[%mul3A_268, %dma_start3A_273] : memref<10000x144xf32, #tpu.memory_space<vmem_shared>> -> memref<40x144xf32, #tpu.memory_space<vmem_shared>>
        %dma_start3A_275 = arith.constant 0 : i32
        %dma_start3A_276 = arith.constant 0 : i32
        %dma_start3A_277 = tpu.memref_slice %arg13[%dma_start3A_275, %dma_start3A_276] : memref<40x144xf32, #tpu.memory_space<vmem>> -> memref<40x144xf32, #tpu.memory_space<vmem>>
        tpu.enqueue_dma source(%dma_start3A_277 : memref<40x144xf32, #tpu.memory_space<vmem>>) target(%dma_start3A_274 : memref<40x144xf32, #tpu.memory_space<vmem_shared>>) target_semaphore(%run_scoped3A : memref<!tpu.dma_semaphore, #tpu.memory_space<semaphore_mem>>)
        %dma_wait3A = arith.constant 0 : i32
        %dma_wait3A_278 = arith.constant 0 : i32
        %dma_wait3A_279 = tpu.memref_slice %arg13[%dma_wait3A, %dma_wait3A_278] : memref<40x144xf32, #tpu.memory_space<vmem>> -> memref<40x144xf32, #tpu.memory_space<vmem>>
        %dma_wait3A_280 = arith.constant 0 : i32
        %dma_wait3A_281 = tpu.memref_slice %arg15[%mul3A_268, %dma_wait3A_280] : memref<10000x144xf32, #tpu.memory_space<vmem_shared>> -> memref<40x144xf32, #tpu.memory_space<vmem_shared>>
        %dma_wait3A_282 = arith.constant 0 : i32
        %dma_wait3A_283 = tpu.memref_slice %arg15[%mul3A_268, %dma_wait3A_282] : memref<10000x144xf32, #tpu.memory_space<vmem_shared>> -> memref<40x144xf32, #tpu.memory_space<vmem_shared>>
        %dma_wait3A_284 = arith.constant 0 : i32
        %dma_wait3A_285 = arith.constant 0 : i32
        %dma_wait3A_286 = tpu.memref_slice %arg13[%dma_wait3A_284, %dma_wait3A_285] : memref<40x144xf32, #tpu.memory_space<vmem>> -> memref<40x144xf32, #tpu.memory_space<vmem>>
        tpu.wait_dma2 semaphore(%run_scoped3A : memref<!tpu.dma_semaphore, #tpu.memory_space<semaphore_mem>>) src(%dma_wait3A_286 : memref<40x144xf32, #tpu.memory_space<vmem>>) dst(%dma_wait3A_283 : memref<40x144xf32, #tpu.memory_space<vmem_shared>>)
        tpu.yield
      }) : () -> ()
    } else {
    }
    %add3A_59 = arith.constant 128 : i32
    %add3A_60 = arith.addi %arg1, %add3A_59 : i32
    %lt3A_61 = arith.constant 250 : i32
    %lt3A_62 = arith.cmpi slt, %add3A_60, %lt3A_61 : i32
    %convert_element_type3A_63 = arith.extui %lt3A_62 : i1 to i32
    %cond3A_64 = arith.constant 0 : i32
    %cond3A_65 = arith.cmpi ne, %convert_element_type3A_63, %cond3A_64 : i32
    scf.if %cond3A_65 {
      %mul3A_267 = arith.constant 40 : i32
      %mul3A_268 = arith.muli %add3A_60, %mul3A_267 : i32
      "tpu.region"() ({
        %run_scoped3A = tpu.sem_alloc : memref<!tpu.dma_semaphore, #tpu.memory_space<semaphore_mem>>
        %dma_start3A = arith.constant 0 : i32
        %dma_start3A_269 = arith.constant 0 : i32
        %dma_start3A_270 = tpu.memref_slice %arg13[%dma_start3A, %dma_start3A_269] : memref<40x144xf32, #tpu.memory_space<vmem>> -> memref<40x144xf32, #tpu.memory_space<vmem>>
        %dma_start3A_271 = arith.constant 0 : i32
        %dma_start3A_272 = tpu.memref_slice %arg15[%mul3A_268, %dma_start3A_271] : memref<10000x144xf32, #tpu.memory_space<vmem_shared>> -> memref<40x144xf32, #tpu.memory_space<vmem_shared>>
        %dma_start3A_273 = arith.constant 0 : i32
        %dma_start3A_274 = tpu.memref_slice %arg15[%mul3A_268, %dma_start3A_273] : memref<10000x144xf32, #tpu.memory_space<vmem_shared>> -> memref<40x144xf32, #tpu.memory_space<vmem_shared>>
        %dma_start3A_275 = arith.constant 0 : i32
        %dma_start3A_276 = arith.constant 0 : i32
        %dma_start3A_277 = tpu.memref_slice %arg13[%dma_start3A_275, %dma_start3A_276] : memref<40x144xf32, #tpu.memory_space<vmem>> -> memref<40x144xf32, #tpu.memory_space<vmem>>
        tpu.enqueue_dma source(%dma_start3A_277 : memref<40x144xf32, #tpu.memory_space<vmem>>) target(%dma_start3A_274 : memref<40x144xf32, #tpu.memory_space<vmem_shared>>) target_semaphore(%run_scoped3A : memref<!tpu.dma_semaphore, #tpu.memory_space<semaphore_mem>>)
        %dma_wait3A = arith.constant 0 : i32
        %dma_wait3A_278 = arith.constant 0 : i32
        %dma_wait3A_279 = tpu.memref_slice %arg13[%dma_wait3A, %dma_wait3A_278] : memref<40x144xf32, #tpu.memory_space<vmem>> -> memref<40x144xf32, #tpu.memory_space<vmem>>
        %dma_wait3A_280 = arith.constant 0 : i32
        %dma_wait3A_281 = tpu.memref_slice %arg15[%mul3A_268, %dma_wait3A_280] : memref<10000x144xf32, #tpu.memory_space<vmem_shared>> -> memref<40x144xf32, #tpu.memory_space<vmem_shared>>
        %dma_wait3A_282 = arith.constant 0 : i32
        %dma_wait3A_283 = tpu.memref_slice %arg15[%mul3A_268, %dma_wait3A_282] : memref<10000x144xf32, #tpu.memory_space<vmem_shared>> -> memref<40x144xf32, #tpu.memory_space<vmem_shared>>
        %dma_wait3A_284 = arith.constant 0 : i32
        %dma_wait3A_285 = arith.constant 0 : i32
        %dma_wait3A_286 = tpu.memref_slice %arg13[%dma_wait3A_284, %dma_wait3A_285] : memref<40x144xf32, #tpu.memory_space<vmem>> -> memref<40x144xf32, #tpu.memory_space<vmem>>
        tpu.wait_dma2 semaphore(%run_scoped3A : memref<!tpu.dma_semaphore, #tpu.memory_space<semaphore_mem>>) src(%dma_wait3A_286 : memref<40x144xf32, #tpu.memory_space<vmem>>) dst(%dma_wait3A_283 : memref<40x144xf32, #tpu.memory_space<vmem_shared>>)
        tpu.yield
      }) : () -> ()
    } else {
    }
    %add3A_66 = arith.constant 144 : i32
    %add3A_67 = arith.addi %arg1, %add3A_66 : i32
    %lt3A_68 = arith.constant 250 : i32
    %lt3A_69 = arith.cmpi slt, %add3A_67, %lt3A_68 : i32
    %convert_element_type3A_70 = arith.extui %lt3A_69 : i1 to i32
    %cond3A_71 = arith.constant 0 : i32
    %cond3A_72 = arith.cmpi ne, %convert_element_type3A_70, %cond3A_71 : i32
    scf.if %cond3A_72 {
      %mul3A_267 = arith.constant 40 : i32
      %mul3A_268 = arith.muli %add3A_67, %mul3A_267 : i32
      "tpu.region"() ({
        %run_scoped3A = tpu.sem_alloc : memref<!tpu.dma_semaphore, #tpu.memory_space<semaphore_mem>>
        %dma_start3A = arith.constant 0 : i32
        %dma_start3A_269 = arith.constant 0 : i32
        %dma_start3A_270 = tpu.memref_slice %arg13[%dma_start3A, %dma_start3A_269] : memref<40x144xf32, #tpu.memory_space<vmem>> -> memref<40x144xf32, #tpu.memory_space<vmem>>
        %dma_start3A_271 = arith.constant 0 : i32
        %dma_start3A_272 = tpu.memref_slice %arg15[%mul3A_268, %dma_start3A_271] : memref<10000x144xf32, #tpu.memory_space<vmem_shared>> -> memref<40x144xf32, #tpu.memory_space<vmem_shared>>
        %dma_start3A_273 = arith.constant 0 : i32
        %dma_start3A_274 = tpu.memref_slice %arg15[%mul3A_268, %dma_start3A_273] : memref<10000x144xf32, #tpu.memory_space<vmem_shared>> -> memref<40x144xf32, #tpu.memory_space<vmem_shared>>
        %dma_start3A_275 = arith.constant 0 : i32
        %dma_start3A_276 = arith.constant 0 : i32
        %dma_start3A_277 = tpu.memref_slice %arg13[%dma_start3A_275, %dma_start3A_276] : memref<40x144xf32, #tpu.memory_space<vmem>> -> memref<40x144xf32, #tpu.memory_space<vmem>>
        tpu.enqueue_dma source(%dma_start3A_277 : memref<40x144xf32, #tpu.memory_space<vmem>>) target(%dma_start3A_274 : memref<40x144xf32, #tpu.memory_space<vmem_shared>>) target_semaphore(%run_scoped3A : memref<!tpu.dma_semaphore, #tpu.memory_space<semaphore_mem>>)
        %dma_wait3A = arith.constant 0 : i32
        %dma_wait3A_278 = arith.constant 0 : i32
        %dma_wait3A_279 = tpu.memref_slice %arg13[%dma_wait3A, %dma_wait3A_278] : memref<40x144xf32, #tpu.memory_space<vmem>> -> memref<40x144xf32, #tpu.memory_space<vmem>>
        %dma_wait3A_280 = arith.constant 0 : i32
        %dma_wait3A_281 = tpu.memref_slice %arg15[%mul3A_268, %dma_wait3A_280] : memref<10000x144xf32, #tpu.memory_space<vmem_shared>> -> memref<40x144xf32, #tpu.memory_space<vmem_shared>>
        %dma_wait3A_282 = arith.constant 0 : i32
        %dma_wait3A_283 = tpu.memref_slice %arg15[%mul3A_268, %dma_wait3A_282] : memref<10000x144xf32, #tpu.memory_space<vmem_shared>> -> memref<40x144xf32, #tpu.memory_space<vmem_shared>>
        %dma_wait3A_284 = arith.constant 0 : i32
        %dma_wait3A_285 = arith.constant 0 : i32
        %dma_wait3A_286 = tpu.memref_slice %arg13[%dma_wait3A_284, %dma_wait3A_285] : memref<40x144xf32, #tpu.memory_space<vmem>> -> memref<40x144xf32, #tpu.memory_space<vmem>>
        tpu.wait_dma2 semaphore(%run_scoped3A : memref<!tpu.dma_semaphore, #tpu.memory_space<semaphore_mem>>) src(%dma_wait3A_286 : memref<40x144xf32, #tpu.memory_space<vmem>>) dst(%dma_wait3A_283 : memref<40x144xf32, #tpu.memory_space<vmem_shared>>)
        tpu.yield
      }) : () -> ()
    } else {
    }
    %add3A_73 = arith.constant 160 : i32
    %add3A_74 = arith.addi %arg1, %add3A_73 : i32
    %lt3A_75 = arith.constant 250 : i32
    %lt3A_76 = arith.cmpi slt, %add3A_74, %lt3A_75 : i32
    %convert_element_type3A_77 = arith.extui %lt3A_76 : i1 to i32
    %cond3A_78 = arith.constant 0 : i32
    %cond3A_79 = arith.cmpi ne, %convert_element_type3A_77, %cond3A_78 : i32
    scf.if %cond3A_79 {
      %mul3A_267 = arith.constant 40 : i32
      %mul3A_268 = arith.muli %add3A_74, %mul3A_267 : i32
      "tpu.region"() ({
        %run_scoped3A = tpu.sem_alloc : memref<!tpu.dma_semaphore, #tpu.memory_space<semaphore_mem>>
        %dma_start3A = arith.constant 0 : i32
        %dma_start3A_269 = arith.constant 0 : i32
        %dma_start3A_270 = tpu.memref_slice %arg13[%dma_start3A, %dma_start3A_269] : memref<40x144xf32, #tpu.memory_space<vmem>> -> memref<40x144xf32, #tpu.memory_space<vmem>>
        %dma_start3A_271 = arith.constant 0 : i32
        %dma_start3A_272 = tpu.memref_slice %arg15[%mul3A_268, %dma_start3A_271] : memref<10000x144xf32, #tpu.memory_space<vmem_shared>> -> memref<40x144xf32, #tpu.memory_space<vmem_shared>>
        %dma_start3A_273 = arith.constant 0 : i32
        %dma_start3A_274 = tpu.memref_slice %arg15[%mul3A_268, %dma_start3A_273] : memref<10000x144xf32, #tpu.memory_space<vmem_shared>> -> memref<40x144xf32, #tpu.memory_space<vmem_shared>>
        %dma_start3A_275 = arith.constant 0 : i32
        %dma_start3A_276 = arith.constant 0 : i32
        %dma_start3A_277 = tpu.memref_slice %arg13[%dma_start3A_275, %dma_start3A_276] : memref<40x144xf32, #tpu.memory_space<vmem>> -> memref<40x144xf32, #tpu.memory_space<vmem>>
        tpu.enqueue_dma source(%dma_start3A_277 : memref<40x144xf32, #tpu.memory_space<vmem>>) target(%dma_start3A_274 : memref<40x144xf32, #tpu.memory_space<vmem_shared>>) target_semaphore(%run_scoped3A : memref<!tpu.dma_semaphore, #tpu.memory_space<semaphore_mem>>)
        %dma_wait3A = arith.constant 0 : i32
        %dma_wait3A_278 = arith.constant 0 : i32
        %dma_wait3A_279 = tpu.memref_slice %arg13[%dma_wait3A, %dma_wait3A_278] : memref<40x144xf32, #tpu.memory_space<vmem>> -> memref<40x144xf32, #tpu.memory_space<vmem>>
        %dma_wait3A_280 = arith.constant 0 : i32
        %dma_wait3A_281 = tpu.memref_slice %arg15[%mul3A_268, %dma_wait3A_280] : memref<10000x144xf32, #tpu.memory_space<vmem_shared>> -> memref<40x144xf32, #tpu.memory_space<vmem_shared>>
        %dma_wait3A_282 = arith.constant 0 : i32
        %dma_wait3A_283 = tpu.memref_slice %arg15[%mul3A_268, %dma_wait3A_282] : memref<10000x144xf32, #tpu.memory_space<vmem_shared>> -> memref<40x144xf32, #tpu.memory_space<vmem_shared>>
        %dma_wait3A_284 = arith.constant 0 : i32
        %dma_wait3A_285 = arith.constant 0 : i32
        %dma_wait3A_286 = tpu.memref_slice %arg13[%dma_wait3A_284, %dma_wait3A_285] : memref<40x144xf32, #tpu.memory_space<vmem>> -> memref<40x144xf32, #tpu.memory_space<vmem>>
        tpu.wait_dma2 semaphore(%run_scoped3A : memref<!tpu.dma_semaphore, #tpu.memory_space<semaphore_mem>>) src(%dma_wait3A_286 : memref<40x144xf32, #tpu.memory_space<vmem>>) dst(%dma_wait3A_283 : memref<40x144xf32, #tpu.memory_space<vmem_shared>>)
        tpu.yield
      }) : () -> ()
    } else {
    }
    %add3A_80 = arith.constant 176 : i32
    %add3A_81 = arith.addi %arg1, %add3A_80 : i32
    %lt3A_82 = arith.constant 250 : i32
    %lt3A_83 = arith.cmpi slt, %add3A_81, %lt3A_82 : i32
    %convert_element_type3A_84 = arith.extui %lt3A_83 : i1 to i32
    %cond3A_85 = arith.constant 0 : i32
    %cond3A_86 = arith.cmpi ne, %convert_element_type3A_84, %cond3A_85 : i32
    scf.if %cond3A_86 {
      %mul3A_267 = arith.constant 40 : i32
      %mul3A_268 = arith.muli %add3A_81, %mul3A_267 : i32
      "tpu.region"() ({
        %run_scoped3A = tpu.sem_alloc : memref<!tpu.dma_semaphore, #tpu.memory_space<semaphore_mem>>
        %dma_start3A = arith.constant 0 : i32
        %dma_start3A_269 = arith.constant 0 : i32
        %dma_start3A_270 = tpu.memref_slice %arg13[%dma_start3A, %dma_start3A_269] : memref<40x144xf32, #tpu.memory_space<vmem>> -> memref<40x144xf32, #tpu.memory_space<vmem>>
        %dma_start3A_271 = arith.constant 0 : i32
        %dma_start3A_272 = tpu.memref_slice %arg15[%mul3A_268, %dma_start3A_271] : memref<10000x144xf32, #tpu.memory_space<vmem_shared>> -> memref<40x144xf32, #tpu.memory_space<vmem_shared>>
        %dma_start3A_273 = arith.constant 0 : i32
        %dma_start3A_274 = tpu.memref_slice %arg15[%mul3A_268, %dma_start3A_273] : memref<10000x144xf32, #tpu.memory_space<vmem_shared>> -> memref<40x144xf32, #tpu.memory_space<vmem_shared>>
        %dma_start3A_275 = arith.constant 0 : i32
        %dma_start3A_276 = arith.constant 0 : i32
        %dma_start3A_277 = tpu.memref_slice %arg13[%dma_start3A_275, %dma_start3A_276] : memref<40x144xf32, #tpu.memory_space<vmem>> -> memref<40x144xf32, #tpu.memory_space<vmem>>
        tpu.enqueue_dma source(%dma_start3A_277 : memref<40x144xf32, #tpu.memory_space<vmem>>) target(%dma_start3A_274 : memref<40x144xf32, #tpu.memory_space<vmem_shared>>) target_semaphore(%run_scoped3A : memref<!tpu.dma_semaphore, #tpu.memory_space<semaphore_mem>>)
        %dma_wait3A = arith.constant 0 : i32
        %dma_wait3A_278 = arith.constant 0 : i32
        %dma_wait3A_279 = tpu.memref_slice %arg13[%dma_wait3A, %dma_wait3A_278] : memref<40x144xf32, #tpu.memory_space<vmem>> -> memref<40x144xf32, #tpu.memory_space<vmem>>
        %dma_wait3A_280 = arith.constant 0 : i32
        %dma_wait3A_281 = tpu.memref_slice %arg15[%mul3A_268, %dma_wait3A_280] : memref<10000x144xf32, #tpu.memory_space<vmem_shared>> -> memref<40x144xf32, #tpu.memory_space<vmem_shared>>
        %dma_wait3A_282 = arith.constant 0 : i32
        %dma_wait3A_283 = tpu.memref_slice %arg15[%mul3A_268, %dma_wait3A_282] : memref<10000x144xf32, #tpu.memory_space<vmem_shared>> -> memref<40x144xf32, #tpu.memory_space<vmem_shared>>
        %dma_wait3A_284 = arith.constant 0 : i32
        %dma_wait3A_285 = arith.constant 0 : i32
        %dma_wait3A_286 = tpu.memref_slice %arg13[%dma_wait3A_284, %dma_wait3A_285] : memref<40x144xf32, #tpu.memory_space<vmem>> -> memref<40x144xf32, #tpu.memory_space<vmem>>
        tpu.wait_dma2 semaphore(%run_scoped3A : memref<!tpu.dma_semaphore, #tpu.memory_space<semaphore_mem>>) src(%dma_wait3A_286 : memref<40x144xf32, #tpu.memory_space<vmem>>) dst(%dma_wait3A_283 : memref<40x144xf32, #tpu.memory_space<vmem_shared>>)
        tpu.yield
      }) : () -> ()
    } else {
    }
    %add3A_87 = arith.constant 192 : i32
    %add3A_88 = arith.addi %arg1, %add3A_87 : i32
    %lt3A_89 = arith.constant 250 : i32
    %lt3A_90 = arith.cmpi slt, %add3A_88, %lt3A_89 : i32
    %convert_element_type3A_91 = arith.extui %lt3A_90 : i1 to i32
    %cond3A_92 = arith.constant 0 : i32
    %cond3A_93 = arith.cmpi ne, %convert_element_type3A_91, %cond3A_92 : i32
    scf.if %cond3A_93 {
      %mul3A_267 = arith.constant 40 : i32
      %mul3A_268 = arith.muli %add3A_88, %mul3A_267 : i32
      "tpu.region"() ({
        %run_scoped3A = tpu.sem_alloc : memref<!tpu.dma_semaphore, #tpu.memory_space<semaphore_mem>>
        %dma_start3A = arith.constant 0 : i32
        %dma_start3A_269 = arith.constant 0 : i32
        %dma_start3A_270 = tpu.memref_slice %arg13[%dma_start3A, %dma_start3A_269] : memref<40x144xf32, #tpu.memory_space<vmem>> -> memref<40x144xf32, #tpu.memory_space<vmem>>
        %dma_start3A_271 = arith.constant 0 : i32
        %dma_start3A_272 = tpu.memref_slice %arg15[%mul3A_268, %dma_start3A_271] : memref<10000x144xf32, #tpu.memory_space<vmem_shared>> -> memref<40x144xf32, #tpu.memory_space<vmem_shared>>
        %dma_start3A_273 = arith.constant 0 : i32
        %dma_start3A_274 = tpu.memref_slice %arg15[%mul3A_268, %dma_start3A_273] : memref<10000x144xf32, #tpu.memory_space<vmem_shared>> -> memref<40x144xf32, #tpu.memory_space<vmem_shared>>
        %dma_start3A_275 = arith.constant 0 : i32
        %dma_start3A_276 = arith.constant 0 : i32
        %dma_start3A_277 = tpu.memref_slice %arg13[%dma_start3A_275, %dma_start3A_276] : memref<40x144xf32, #tpu.memory_space<vmem>> -> memref<40x144xf32, #tpu.memory_space<vmem>>
        tpu.enqueue_dma source(%dma_start3A_277 : memref<40x144xf32, #tpu.memory_space<vmem>>) target(%dma_start3A_274 : memref<40x144xf32, #tpu.memory_space<vmem_shared>>) target_semaphore(%run_scoped3A : memref<!tpu.dma_semaphore, #tpu.memory_space<semaphore_mem>>)
        %dma_wait3A = arith.constant 0 : i32
        %dma_wait3A_278 = arith.constant 0 : i32
        %dma_wait3A_279 = tpu.memref_slice %arg13[%dma_wait3A, %dma_wait3A_278] : memref<40x144xf32, #tpu.memory_space<vmem>> -> memref<40x144xf32, #tpu.memory_space<vmem>>
        %dma_wait3A_280 = arith.constant 0 : i32
        %dma_wait3A_281 = tpu.memref_slice %arg15[%mul3A_268, %dma_wait3A_280] : memref<10000x144xf32, #tpu.memory_space<vmem_shared>> -> memref<40x144xf32, #tpu.memory_space<vmem_shared>>
        %dma_wait3A_282 = arith.constant 0 : i32
        %dma_wait3A_283 = tpu.memref_slice %arg15[%mul3A_268, %dma_wait3A_282] : memref<10000x144xf32, #tpu.memory_space<vmem_shared>> -> memref<40x144xf32, #tpu.memory_space<vmem_shared>>
        %dma_wait3A_284 = arith.constant 0 : i32
        %dma_wait3A_285 = arith.constant 0 : i32
        %dma_wait3A_286 = tpu.memref_slice %arg13[%dma_wait3A_284, %dma_wait3A_285] : memref<40x144xf32, #tpu.memory_space<vmem>> -> memref<40x144xf32, #tpu.memory_space<vmem>>
        tpu.wait_dma2 semaphore(%run_scoped3A : memref<!tpu.dma_semaphore, #tpu.memory_space<semaphore_mem>>) src(%dma_wait3A_286 : memref<40x144xf32, #tpu.memory_space<vmem>>) dst(%dma_wait3A_283 : memref<40x144xf32, #tpu.memory_space<vmem_shared>>)
        tpu.yield
      }) : () -> ()
    } else {
    }
    %add3A_94 = arith.constant 208 : i32
    %add3A_95 = arith.addi %arg1, %add3A_94 : i32
    %lt3A_96 = arith.constant 250 : i32
    %lt3A_97 = arith.cmpi slt, %add3A_95, %lt3A_96 : i32
    %convert_element_type3A_98 = arith.extui %lt3A_97 : i1 to i32
    %cond3A_99 = arith.constant 0 : i32
    %cond3A_100 = arith.cmpi ne, %convert_element_type3A_98, %cond3A_99 : i32
    scf.if %cond3A_100 {
      %mul3A_267 = arith.constant 40 : i32
      %mul3A_268 = arith.muli %add3A_95, %mul3A_267 : i32
      "tpu.region"() ({
        %run_scoped3A = tpu.sem_alloc : memref<!tpu.dma_semaphore, #tpu.memory_space<semaphore_mem>>
        %dma_start3A = arith.constant 0 : i32
        %dma_start3A_269 = arith.constant 0 : i32
        %dma_start3A_270 = tpu.memref_slice %arg13[%dma_start3A, %dma_start3A_269] : memref<40x144xf32, #tpu.memory_space<vmem>> -> memref<40x144xf32, #tpu.memory_space<vmem>>
        %dma_start3A_271 = arith.constant 0 : i32
        %dma_start3A_272 = tpu.memref_slice %arg15[%mul3A_268, %dma_start3A_271] : memref<10000x144xf32, #tpu.memory_space<vmem_shared>> -> memref<40x144xf32, #tpu.memory_space<vmem_shared>>
        %dma_start3A_273 = arith.constant 0 : i32
        %dma_start3A_274 = tpu.memref_slice %arg15[%mul3A_268, %dma_start3A_273] : memref<10000x144xf32, #tpu.memory_space<vmem_shared>> -> memref<40x144xf32, #tpu.memory_space<vmem_shared>>
        %dma_start3A_275 = arith.constant 0 : i32
        %dma_start3A_276 = arith.constant 0 : i32
        %dma_start3A_277 = tpu.memref_slice %arg13[%dma_start3A_275, %dma_start3A_276] : memref<40x144xf32, #tpu.memory_space<vmem>> -> memref<40x144xf32, #tpu.memory_space<vmem>>
        tpu.enqueue_dma source(%dma_start3A_277 : memref<40x144xf32, #tpu.memory_space<vmem>>) target(%dma_start3A_274 : memref<40x144xf32, #tpu.memory_space<vmem_shared>>) target_semaphore(%run_scoped3A : memref<!tpu.dma_semaphore, #tpu.memory_space<semaphore_mem>>)
        %dma_wait3A = arith.constant 0 : i32
        %dma_wait3A_278 = arith.constant 0 : i32
        %dma_wait3A_279 = tpu.memref_slice %arg13[%dma_wait3A, %dma_wait3A_278] : memref<40x144xf32, #tpu.memory_space<vmem>> -> memref<40x144xf32, #tpu.memory_space<vmem>>
        %dma_wait3A_280 = arith.constant 0 : i32
        %dma_wait3A_281 = tpu.memref_slice %arg15[%mul3A_268, %dma_wait3A_280] : memref<10000x144xf32, #tpu.memory_space<vmem_shared>> -> memref<40x144xf32, #tpu.memory_space<vmem_shared>>
        %dma_wait3A_282 = arith.constant 0 : i32
        %dma_wait3A_283 = tpu.memref_slice %arg15[%mul3A_268, %dma_wait3A_282] : memref<10000x144xf32, #tpu.memory_space<vmem_shared>> -> memref<40x144xf32, #tpu.memory_space<vmem_shared>>
        %dma_wait3A_284 = arith.constant 0 : i32
        %dma_wait3A_285 = arith.constant 0 : i32
        %dma_wait3A_286 = tpu.memref_slice %arg13[%dma_wait3A_284, %dma_wait3A_285] : memref<40x144xf32, #tpu.memory_space<vmem>> -> memref<40x144xf32, #tpu.memory_space<vmem>>
        tpu.wait_dma2 semaphore(%run_scoped3A : memref<!tpu.dma_semaphore, #tpu.memory_space<semaphore_mem>>) src(%dma_wait3A_286 : memref<40x144xf32, #tpu.memory_space<vmem>>) dst(%dma_wait3A_283 : memref<40x144xf32, #tpu.memory_space<vmem_shared>>)
        tpu.yield
      }) : () -> ()
    } else {
    }
    %add3A_101 = arith.constant 224 : i32
    %add3A_102 = arith.addi %arg1, %add3A_101 : i32
    %lt3A_103 = arith.constant 250 : i32
    %lt3A_104 = arith.cmpi slt, %add3A_102, %lt3A_103 : i32
    %convert_element_type3A_105 = arith.extui %lt3A_104 : i1 to i32
    %cond3A_106 = arith.constant 0 : i32
    %cond3A_107 = arith.cmpi ne, %convert_element_type3A_105, %cond3A_106 : i32
    scf.if %cond3A_107 {
      %mul3A_267 = arith.constant 40 : i32
      %mul3A_268 = arith.muli %add3A_102, %mul3A_267 : i32
      "tpu.region"() ({
        %run_scoped3A = tpu.sem_alloc : memref<!tpu.dma_semaphore, #tpu.memory_space<semaphore_mem>>
        %dma_start3A = arith.constant 0 : i32
        %dma_start3A_269 = arith.constant 0 : i32
        %dma_start3A_270 = tpu.memref_slice %arg13[%dma_start3A, %dma_start3A_269] : memref<40x144xf32, #tpu.memory_space<vmem>> -> memref<40x144xf32, #tpu.memory_space<vmem>>
        %dma_start3A_271 = arith.constant 0 : i32
        %dma_start3A_272 = tpu.memref_slice %arg15[%mul3A_268, %dma_start3A_271] : memref<10000x144xf32, #tpu.memory_space<vmem_shared>> -> memref<40x144xf32, #tpu.memory_space<vmem_shared>>
        %dma_start3A_273 = arith.constant 0 : i32
        %dma_start3A_274 = tpu.memref_slice %arg15[%mul3A_268, %dma_start3A_273] : memref<10000x144xf32, #tpu.memory_space<vmem_shared>> -> memref<40x144xf32, #tpu.memory_space<vmem_shared>>
        %dma_start3A_275 = arith.constant 0 : i32
        %dma_start3A_276 = arith.constant 0 : i32
        %dma_start3A_277 = tpu.memref_slice %arg13[%dma_start3A_275, %dma_start3A_276] : memref<40x144xf32, #tpu.memory_space<vmem>> -> memref<40x144xf32, #tpu.memory_space<vmem>>
        tpu.enqueue_dma source(%dma_start3A_277 : memref<40x144xf32, #tpu.memory_space<vmem>>) target(%dma_start3A_274 : memref<40x144xf32, #tpu.memory_space<vmem_shared>>) target_semaphore(%run_scoped3A : memref<!tpu.dma_semaphore, #tpu.memory_space<semaphore_mem>>)
        %dma_wait3A = arith.constant 0 : i32
        %dma_wait3A_278 = arith.constant 0 : i32
        %dma_wait3A_279 = tpu.memref_slice %arg13[%dma_wait3A, %dma_wait3A_278] : memref<40x144xf32, #tpu.memory_space<vmem>> -> memref<40x144xf32, #tpu.memory_space<vmem>>
        %dma_wait3A_280 = arith.constant 0 : i32
        %dma_wait3A_281 = tpu.memref_slice %arg15[%mul3A_268, %dma_wait3A_280] : memref<10000x144xf32, #tpu.memory_space<vmem_shared>> -> memref<40x144xf32, #tpu.memory_space<vmem_shared>>
        %dma_wait3A_282 = arith.constant 0 : i32
        %dma_wait3A_283 = tpu.memref_slice %arg15[%mul3A_268, %dma_wait3A_282] : memref<10000x144xf32, #tpu.memory_space<vmem_shared>> -> memref<40x144xf32, #tpu.memory_space<vmem_shared>>
        %dma_wait3A_284 = arith.constant 0 : i32
        %dma_wait3A_285 = arith.constant 0 : i32
        %dma_wait3A_286 = tpu.memref_slice %arg13[%dma_wait3A_284, %dma_wait3A_285] : memref<40x144xf32, #tpu.memory_space<vmem>> -> memref<40x144xf32, #tpu.memory_space<vmem>>
        tpu.wait_dma2 semaphore(%run_scoped3A : memref<!tpu.dma_semaphore, #tpu.memory_space<semaphore_mem>>) src(%dma_wait3A_286 : memref<40x144xf32, #tpu.memory_space<vmem>>) dst(%dma_wait3A_283 : memref<40x144xf32, #tpu.memory_space<vmem_shared>>)
        tpu.yield
      }) : () -> ()
    } else {
    }
    %add3A_108 = arith.constant 240 : i32
    %add3A_109 = arith.addi %arg1, %add3A_108 : i32
    %lt3A_110 = arith.constant 250 : i32
    %lt3A_111 = arith.cmpi slt, %add3A_109, %lt3A_110 : i32
    %convert_element_type3A_112 = arith.extui %lt3A_111 : i1 to i32
    %cond3A_113 = arith.constant 0 : i32
    %cond3A_114 = arith.cmpi ne, %convert_element_type3A_112, %cond3A_113 : i32
    scf.if %cond3A_114 {
      %mul3A_267 = arith.constant 40 : i32
      %mul3A_268 = arith.muli %add3A_109, %mul3A_267 : i32
      "tpu.region"() ({
        %run_scoped3A = tpu.sem_alloc : memref<!tpu.dma_semaphore, #tpu.memory_space<semaphore_mem>>
        %dma_start3A = arith.constant 0 : i32
        %dma_start3A_269 = arith.constant 0 : i32
        %dma_start3A_270 = tpu.memref_slice %arg13[%dma_start3A, %dma_start3A_269] : memref<40x144xf32, #tpu.memory_space<vmem>> -> memref<40x144xf32, #tpu.memory_space<vmem>>
        %dma_start3A_271 = arith.constant 0 : i32
        %dma_start3A_272 = tpu.memref_slice %arg15[%mul3A_268, %dma_start3A_271] : memref<10000x144xf32, #tpu.memory_space<vmem_shared>> -> memref<40x144xf32, #tpu.memory_space<vmem_shared>>
        %dma_start3A_273 = arith.constant 0 : i32
        %dma_start3A_274 = tpu.memref_slice %arg15[%mul3A_268, %dma_start3A_273] : memref<10000x144xf32, #tpu.memory_space<vmem_shared>> -> memref<40x144xf32, #tpu.memory_space<vmem_shared>>
        %dma_start3A_275 = arith.constant 0 : i32
        %dma_start3A_276 = arith.constant 0 : i32
        %dma_start3A_277 = tpu.memref_slice %arg13[%dma_start3A_275, %dma_start3A_276] : memref<40x144xf32, #tpu.memory_space<vmem>> -> memref<40x144xf32, #tpu.memory_space<vmem>>
        tpu.enqueue_dma source(%dma_start3A_277 : memref<40x144xf32, #tpu.memory_space<vmem>>) target(%dma_start3A_274 : memref<40x144xf32, #tpu.memory_space<vmem_shared>>) target_semaphore(%run_scoped3A : memref<!tpu.dma_semaphore, #tpu.memory_space<semaphore_mem>>)
        %dma_wait3A = arith.constant 0 : i32
        %dma_wait3A_278 = arith.constant 0 : i32
        %dma_wait3A_279 = tpu.memref_slice %arg13[%dma_wait3A, %dma_wait3A_278] : memref<40x144xf32, #tpu.memory_space<vmem>> -> memref<40x144xf32, #tpu.memory_space<vmem>>
        %dma_wait3A_280 = arith.constant 0 : i32
        %dma_wait3A_281 = tpu.memref_slice %arg15[%mul3A_268, %dma_wait3A_280] : memref<10000x144xf32, #tpu.memory_space<vmem_shared>> -> memref<40x144xf32, #tpu.memory_space<vmem_shared>>
        %dma_wait3A_282 = arith.constant 0 : i32
        %dma_wait3A_283 = tpu.memref_slice %arg15[%mul3A_268, %dma_wait3A_282] : memref<10000x144xf32, #tpu.memory_space<vmem_shared>> -> memref<40x144xf32, #tpu.memory_space<vmem_shared>>
        %dma_wait3A_284 = arith.constant 0 : i32
        %dma_wait3A_285 = arith.constant 0 : i32
        %dma_wait3A_286 = tpu.memref_slice %arg13[%dma_wait3A_284, %dma_wait3A_285] : memref<40x144xf32, #tpu.memory_space<vmem>> -> memref<40x144xf32, #tpu.memory_space<vmem>>
        tpu.wait_dma2 semaphore(%run_scoped3A : memref<!tpu.dma_semaphore, #tpu.memory_space<semaphore_mem>>) src(%dma_wait3A_286 : memref<40x144xf32, #tpu.memory_space<vmem>>) dst(%dma_wait3A_283 : memref<40x144xf32, #tpu.memory_space<vmem_shared>>)
        tpu.yield
      }) : () -> ()
    } else {
    }
    %barrier3A = arith.constant 0 : index
    tpu.barrier barrier_id(%barrier3A)
    %iota3A = tpu.iota {dimensions = array<i32: 0>} : vector<16xi32>
    %get3A = arith.constant 0 : index
    %get3A_115 = tpu.vector_load %arg14[%get3A] {strides = array<i32>} : memref<128xf32, #tpu.memory_space<vmem>>, vector<16xf32>,
    %get3A_116 = arith.constant 16 : index
    %get3A_117 = tpu.vector_load %arg14[%get3A_116] {strides = array<i32>} : memref<128xf32, #tpu.memory_space<vmem>>, vector<16xf32>,
    %get3A_118 = arith.constant 32 : index
    %get3A_119 = tpu.vector_load %arg14[%get3A_118] {strides = array<i32>} : memref<128xf32, #tpu.memory_space<vmem>>, vector<16xf32>,
    %get3A_120 = arith.constant 48 : index
    %get3A_121 = tpu.vector_load %arg14[%get3A_120] {strides = array<i32>} : memref<128xf32, #tpu.memory_space<vmem>>, vector<16xf32>,
    %get3A_122 = arith.constant 64 : index
    %get3A_123 = tpu.vector_load %arg14[%get3A_122] {strides = array<i32>} : memref<128xf32, #tpu.memory_space<vmem>>, vector<16xf32>,
    %get3A_124 = arith.constant 80 : index
    %get3A_125 = tpu.vector_load %arg14[%get3A_124] {strides = array<i32>} : memref<128xf32, #tpu.memory_space<vmem>>, vector<16xf32>,
    %get3A_126 = arith.constant 96 : index
    %get3A_127 = tpu.vector_load %arg14[%get3A_126] {strides = array<i32>} : memref<128xf32, #tpu.memory_space<vmem>>, vector<16xf32>,
    %get3A_128 = arith.constant 112 : index
    %get3A_129 = tpu.vector_load %arg14[%get3A_128] {strides = array<i32>} : memref<128xf32, #tpu.memory_space<vmem>>, vector<16xf32>,
    %eq3A = arith.constant 0 : i32
    %eq3A_130 = vector.broadcast %eq3A : i32 to vector<16xi32>
    %eq3A_131 = arith.cmpi eq, %iota3A, %eq3A_130 : vector<16xi32>
    %convert_element_type3A_132 = arith.extui %eq3A_131 : vector<16xi1> to vector<16xi32>
    %convert_element_type3A_133 = arith.sitofp %convert_element_type3A_132 : vector<16xi32> to vector<16xf32>
    %eq3A_134 = arith.constant 1 : i32
    %eq3A_135 = vector.broadcast %eq3A_134 : i32 to vector<16xi32>
    %eq3A_136 = arith.cmpi eq, %iota3A, %eq3A_135 : vector<16xi32>
    %convert_element_type3A_137 = arith.extui %eq3A_136 : vector<16xi1> to vector<16xi32>
    %convert_element_type3A_138 = arith.sitofp %convert_element_type3A_137 : vector<16xi32> to vector<16xf32>
    %eq3A_139 = arith.constant 2 : i32
    %eq3A_140 = vector.broadcast %eq3A_139 : i32 to vector<16xi32>
    %eq3A_141 = arith.cmpi eq, %iota3A, %eq3A_140 : vector<16xi32>
    %convert_element_type3A_142 = arith.extui %eq3A_141 : vector<16xi1> to vector<16xi32>
    %convert_element_type3A_143 = arith.sitofp %convert_element_type3A_142 : vector<16xi32> to vector<16xf32>
    %eq3A_144 = arith.constant 3 : i32
    %eq3A_145 = vector.broadcast %eq3A_144 : i32 to vector<16xi32>
    %eq3A_146 = arith.cmpi eq, %iota3A, %eq3A_145 : vector<16xi32>
    %convert_element_type3A_147 = arith.extui %eq3A_146 : vector<16xi1> to vector<16xi32>
    %convert_element_type3A_148 = arith.sitofp %convert_element_type3A_147 : vector<16xi32> to vector<16xf32>
    %scan3A_149 = arith.constant 0 : i32
    %scan3A_150 = arith.constant 25 : i32
    %scan3A_151 = arith.addi %scan3A_149, %scan3A_150 : i32
    %scan3A_152 = arith.constant 1 : i32
    scf.for %scan3A_267 = %scan3A_149 to %scan3A_151 step %scan3A_152  : i32 {
      %mul3A_268 = arith.constant 1 : i32
      %mul3A_269 = arith.muli %scan3A_267, %mul3A_268 : i32
      %add3A_270 = arith.constant 0 : i32
      %add3A_271 = arith.addi %add3A_270, %mul3A_269 : i32
      %mul3A_272 = arith.constant 250 : i32
      %mul3A_273 = arith.muli %add3A, %mul3A_272 : i32
      %mul3A_274 = arith.constant 10 : i32
      %mul3A_275 = arith.muli %add3A_271, %mul3A_274 : i32
      %add3A_276 = arith.addi %mul3A_273, %mul3A_275 : i32
      "tpu.region"() ({
        %run_scoped3A = tpu.sem_alloc : memref<!tpu.dma_semaphore, #tpu.memory_space<semaphore_mem>>
        %dma_start3A_295 = arith.constant 0 : i32
        %dma_start3A_296 = tpu.memref_slice %arg3[%add3A_276, %dma_start3A_295] : memref<8000x40xi32, #tpu.memory_space<hbm>> -> memref<10x40xi32, #tpu.memory_space<hbm>>
        %dma_start3A_297 = arith.constant 0 : i32
        %dma_start3A_298 = tpu.memref_slice %arg3[%add3A_276, %dma_start3A_297] : memref<8000x40xi32, #tpu.memory_space<hbm>> -> memref<10x40xi32, #tpu.memory_space<hbm>>
        tpu.enqueue_dma source(%dma_start3A_298 : memref<10x40xi32, #tpu.memory_space<hbm>>) target(%arg7 : memref<10x40xi32, #tpu.memory_space<vmem>>) target_semaphore(%run_scoped3A : memref<!tpu.dma_semaphore, #tpu.memory_space<semaphore_mem>>)
        %dma_wait3A = arith.constant 0 : i32
        %dma_wait3A_299 = tpu.memref_slice %arg3[%add3A_276, %dma_wait3A] : memref<8000x40xi32, #tpu.memory_space<hbm>> -> memref<10x40xi32, #tpu.memory_space<hbm>>
        %dma_wait3A_300 = arith.constant 0 : i32
        %dma_wait3A_301 = tpu.memref_slice %arg3[%add3A_276, %dma_wait3A_300] : memref<8000x40xi32, #tpu.memory_space<hbm>> -> memref<10x40xi32, #tpu.memory_space<hbm>>
        tpu.wait_dma2 semaphore(%run_scoped3A : memref<!tpu.dma_semaphore, #tpu.memory_space<semaphore_mem>>) src(%dma_wait3A_301 : memref<10x40xi32, #tpu.memory_space<hbm>>) dst(%arg7 : memref<10x40xi32, #tpu.memory_space<vmem>>)
        tpu.yield
      }) : () -> ()
      "tpu.region"() ({
        %run_scoped3A = tpu.sem_alloc : memref<!tpu.dma_semaphore, #tpu.memory_space<semaphore_mem>>
        %dma_start3A_295 = arith.constant 0 : i32
        %dma_start3A_296 = tpu.memref_slice %arg4[%add3A_276, %dma_start3A_295] : memref<8000x40xi32, #tpu.memory_space<hbm>> -> memref<10x40xi32, #tpu.memory_space<hbm>>
        %dma_start3A_297 = arith.constant 0 : i32
        %dma_start3A_298 = tpu.memref_slice %arg4[%add3A_276, %dma_start3A_297] : memref<8000x40xi32, #tpu.memory_space<hbm>> -> memref<10x40xi32, #tpu.memory_space<hbm>>
        tpu.enqueue_dma source(%dma_start3A_298 : memref<10x40xi32, #tpu.memory_space<hbm>>) target(%arg8 : memref<10x40xi32, #tpu.memory_space<vmem>>) target_semaphore(%run_scoped3A : memref<!tpu.dma_semaphore, #tpu.memory_space<semaphore_mem>>)
        %dma_wait3A = arith.constant 0 : i32
        %dma_wait3A_299 = tpu.memref_slice %arg4[%add3A_276, %dma_wait3A] : memref<8000x40xi32, #tpu.memory_space<hbm>> -> memref<10x40xi32, #tpu.memory_space<hbm>>
        %dma_wait3A_300 = arith.constant 0 : i32
        %dma_wait3A_301 = tpu.memref_slice %arg4[%add3A_276, %dma_wait3A_300] : memref<8000x40xi32, #tpu.memory_space<hbm>> -> memref<10x40xi32, #tpu.memory_space<hbm>>
        tpu.wait_dma2 semaphore(%run_scoped3A : memref<!tpu.dma_semaphore, #tpu.memory_space<semaphore_mem>>) src(%dma_wait3A_301 : memref<10x40xi32, #tpu.memory_space<hbm>>) dst(%arg8 : memref<10x40xi32, #tpu.memory_space<vmem>>)
        tpu.yield
      }) : () -> ()
      %dma_start3A = arith.constant 0 : i32
      %dma_start3A_277 = arith.constant 0 : i32
      %dma_start3A_278 = tpu.memref_slice %arg7[%dma_start3A, %dma_start3A_277] : memref<10x40xi32, #tpu.memory_space<vmem>> -> memref<1x40xi32, #tpu.memory_space<vmem>>
      %dma_start3A_279 = tpu.memref_squeeze %dma_start3A_278 : memref<1x40xi32, #tpu.memory_space<vmem>> -> memref<40xi32, #tpu.memory_space<vmem>>
      %dma_start3A_280 = arith.constant 0 : i32
      %dma_start3A_281 = arith.constant 0 : i32
      %dma_start3A_282 = tpu.memref_slice %arg2[%dma_start3A_280, %dma_start3A_281] : memref<10000x128xf32, #tpu.memory_space<hbm>> -> memref<10000x128xf32, #tpu.memory_space<hbm>>
      tpu.enqueue_indirect_dma source(%dma_start3A_282 : memref<10000x128xf32, #tpu.memory_space<hbm>>) target(%arg9 : memref<40x128xf32, #tpu.memory_space<vmem>>) offsets(%dma_start3A_279 : memref<40xi32, #tpu.memory_space<vmem>>) semaphore(%arg16 : memref<!tpu.dma_semaphore, #tpu.memory_space<semaphore_mem>>)
      %dma_start3A_283 = arith.constant 0 : i32
      %dma_start3A_284 = arith.constant 0 : i32
      %dma_start3A_285 = tpu.memref_slice %arg8[%dma_start3A_283, %dma_start3A_284] : memref<10x40xi32, #tpu.memory_space<vmem>> -> memref<1x40xi32, #tpu.memory_space<vmem>>
      %dma_start3A_286 = tpu.memref_squeeze %dma_start3A_285 : memref<1x40xi32, #tpu.memory_space<vmem>> -> memref<40xi32, #tpu.memory_space<vmem>>
      %dma_start3A_287 = arith.constant 0 : i32
      %dma_start3A_288 = arith.constant 0 : i32
      %dma_start3A_289 = tpu.memref_slice %arg2[%dma_start3A_287, %dma_start3A_288] : memref<10000x128xf32, #tpu.memory_space<hbm>> -> memref<10000x128xf32, #tpu.memory_space<hbm>>
      tpu.enqueue_indirect_dma source(%dma_start3A_289 : memref<10000x128xf32, #tpu.memory_space<hbm>>) target(%arg10 : memref<40x128xf32, #tpu.memory_space<vmem>>) offsets(%dma_start3A_286 : memref<40xi32, #tpu.memory_space<vmem>>) semaphore(%arg16 : memref<!tpu.dma_semaphore, #tpu.memory_space<semaphore_mem>>)
      %scan3A_290 = arith.constant 0 : i32
      %scan3A_291 = arith.constant 5 : i32
      %scan3A_292 = arith.addi %scan3A_290, %scan3A_291 : i32
      %scan3A_293 = arith.constant 1 : i32
      scf.for %scan3A_295 = %scan3A_290 to %scan3A_292 step %scan3A_293  : i32 {
        %mul3A_296 = arith.constant 1 : i32
        %mul3A_297 = arith.muli %scan3A_295, %mul3A_296 : i32
        %add3A_298 = arith.constant 0 : i32
        %add3A_299 = arith.addi %add3A_298, %mul3A_297 : i32
        %mul3A_300 = arith.constant 2 : i32
        %mul3A_301 = arith.muli %mul3A_300, %add3A_299 : i32
        %add3A_302 = arith.constant 1 : i32
        %add3A_303 = arith.addi %mul3A_301, %add3A_302 : i32
        %dma_start3A_304 = arith.constant 0 : i32
        %dma_start3A_305 = tpu.memref_slice %arg7[%add3A_303, %dma_start3A_304] : memref<10x40xi32, #tpu.memory_space<vmem>> -> memref<1x40xi32, #tpu.memory_space<vmem>>
        %dma_start3A_306 = tpu.memref_squeeze %dma_start3A_305 : memref<1x40xi32, #tpu.memory_space<vmem>> -> memref<40xi32, #tpu.memory_space<vmem>>
        %dma_start3A_307 = arith.constant 0 : i32
        %dma_start3A_308 = arith.constant 0 : i32
        %dma_start3A_309 = tpu.memref_slice %arg2[%dma_start3A_307, %dma_start3A_308] : memref<10000x128xf32, #tpu.memory_space<hbm>> -> memref<10000x128xf32, #tpu.memory_space<hbm>>
        tpu.enqueue_indirect_dma source(%dma_start3A_309 : memref<10000x128xf32, #tpu.memory_space<hbm>>) target(%arg11 : memref<40x128xf32, #tpu.memory_space<vmem>>) offsets(%dma_start3A_306 : memref<40xi32, #tpu.memory_space<vmem>>) semaphore(%arg17 : memref<!tpu.dma_semaphore, #tpu.memory_space<semaphore_mem>>)
        %dma_start3A_310 = arith.constant 0 : i32
        %dma_start3A_311 = tpu.memref_slice %arg8[%add3A_303, %dma_start3A_310] : memref<10x40xi32, #tpu.memory_space<vmem>> -> memref<1x40xi32, #tpu.memory_space<vmem>>
        %dma_start3A_312 = tpu.memref_squeeze %dma_start3A_311 : memref<1x40xi32, #tpu.memory_space<vmem>> -> memref<40xi32, #tpu.memory_space<vmem>>
        %dma_start3A_313 = arith.constant 0 : i32
        %dma_start3A_314 = arith.constant 0 : i32
        %dma_start3A_315 = tpu.memref_slice %arg2[%dma_start3A_313, %dma_start3A_314] : memref<10000x128xf32, #tpu.memory_space<hbm>> -> memref<10000x128xf32, #tpu.memory_space<hbm>>
        tpu.enqueue_indirect_dma source(%dma_start3A_315 : memref<10000x128xf32, #tpu.memory_space<hbm>>) target(%arg12 : memref<40x128xf32, #tpu.memory_space<vmem>>) offsets(%dma_start3A_312 : memref<40xi32, #tpu.memory_space<vmem>>) semaphore(%arg17 : memref<!tpu.dma_semaphore, #tpu.memory_space<semaphore_mem>>)
        %mul3A_316 = arith.constant 2 : i32
        %mul3A_317 = arith.muli %mul3A_316, %add3A_299 : i32
        %dma_wait3A = arith.constant 0 : i32
        %dma_wait3A_318 = tpu.memref_slice %arg7[%mul3A_317, %dma_wait3A] : memref<10x40xi32, #tpu.memory_space<vmem>> -> memref<1x40xi32, #tpu.memory_space<vmem>>
        %dma_wait3A_319 = tpu.memref_squeeze %dma_wait3A_318 : memref<1x40xi32, #tpu.memory_space<vmem>> -> memref<40xi32, #tpu.memory_space<vmem>>
        %dma_wait3A_320 = arith.constant 0 : i32
        %dma_wait3A_321 = arith.constant 0 : i32
        %dma_wait3A_322 = tpu.memref_slice %arg2[%dma_wait3A_320, %dma_wait3A_321] : memref<10000x128xf32, #tpu.memory_space<hbm>> -> memref<10000x128xf32, #tpu.memory_space<hbm>>
        tpu.wait_indirect_dma semaphore(%arg16 : memref<!tpu.dma_semaphore, #tpu.memory_space<semaphore_mem>>) src(%dma_wait3A_322 : memref<10000x128xf32, #tpu.memory_space<hbm>>) dst(%arg9 : memref<40x128xf32, #tpu.memory_space<vmem>>)
        %mul3A_323 = arith.constant 2 : i32
        %mul3A_324 = arith.muli %mul3A_323, %add3A_299 : i32
        %dma_wait3A_325 = arith.constant 0 : i32
        %dma_wait3A_326 = tpu.memref_slice %arg8[%mul3A_324, %dma_wait3A_325] : memref<10x40xi32, #tpu.memory_space<vmem>> -> memref<1x40xi32, #tpu.memory_space<vmem>>
        %dma_wait3A_327 = tpu.memref_squeeze %dma_wait3A_326 : memref<1x40xi32, #tpu.memory_space<vmem>> -> memref<40xi32, #tpu.memory_space<vmem>>
        %dma_wait3A_328 = arith.constant 0 : i32
        %dma_wait3A_329 = arith.constant 0 : i32
        %dma_wait3A_330 = tpu.memref_slice %arg2[%dma_wait3A_328, %dma_wait3A_329] : memref<10000x128xf32, #tpu.memory_space<hbm>> -> memref<10000x128xf32, #tpu.memory_space<hbm>>
        tpu.wait_indirect_dma semaphore(%arg16 : memref<!tpu.dma_semaphore, #tpu.memory_space<semaphore_mem>>) src(%dma_wait3A_330 : memref<10000x128xf32, #tpu.memory_space<hbm>>) dst(%arg10 : memref<40x128xf32, #tpu.memory_space<vmem>>)
        %mul3A_331 = arith.constant 2 : i32
        %mul3A_332 = arith.muli %mul3A_331, %add3A_299 : i32
        %scan3A_333 = arith.constant 0 : i32
        %scan3A_334 = arith.constant 40 : i32
        %scan3A_335 = arith.addi %scan3A_333, %scan3A_334 : i32
        %scan3A_336 = arith.constant 1 : i32
        scf.for %scan3A_364 = %scan3A_333 to %scan3A_335 step %scan3A_336  : i32 {
          %mul3A_365 = arith.constant 1 : i32
          %mul3A_366 = arith.muli %scan3A_364, %mul3A_365 : i32
          %add3A_367 = arith.constant 0 : i32
          %add3A_368 = arith.addi %add3A_367, %mul3A_366 : i32
          %get3A_369 = arith.index_cast %add3A_368 : i32 to index
          %get3A_370 = arith.constant 0 : index
          %get3A_371 = tpu.vector_load %arg9[%get3A_369, %get3A_370] {strides = array<i32>} : memref<40x128xf32, #tpu.memory_space<vmem>>, vector<16xf32>,
          %get3A_372 = arith.index_cast %add3A_368 : i32 to index
          %get3A_373 = arith.constant 16 : index
          %get3A_374 = tpu.vector_load %arg9[%get3A_372, %get3A_373] {strides = array<i32>} : memref<40x128xf32, #tpu.memory_space<vmem>>, vector<16xf32>,
          %get3A_375 = arith.index_cast %add3A_368 : i32 to index
          %get3A_376 = arith.constant 32 : index
          %get3A_377 = tpu.vector_load %arg9[%get3A_375, %get3A_376] {strides = array<i32>} : memref<40x128xf32, #tpu.memory_space<vmem>>, vector<16xf32>,
          %get3A_378 = arith.index_cast %add3A_368 : i32 to index
          %get3A_379 = arith.constant 48 : index
          %get3A_380 = tpu.vector_load %arg9[%get3A_378, %get3A_379] {strides = array<i32>} : memref<40x128xf32, #tpu.memory_space<vmem>>, vector<16xf32>,
          %get3A_381 = arith.index_cast %add3A_368 : i32 to index
          %get3A_382 = arith.constant 64 : index
          %get3A_383 = tpu.vector_load %arg9[%get3A_381, %get3A_382] {strides = array<i32>} : memref<40x128xf32, #tpu.memory_space<vmem>>, vector<16xf32>,
          %get3A_384 = arith.index_cast %add3A_368 : i32 to index
          %get3A_385 = arith.constant 80 : index
          %get3A_386 = tpu.vector_load %arg9[%get3A_384, %get3A_385] {strides = array<i32>} : memref<40x128xf32, #tpu.memory_space<vmem>>, vector<16xf32>,
          %get3A_387 = arith.index_cast %add3A_368 : i32 to index
          %get3A_388 = arith.constant 96 : index
          %get3A_389 = tpu.vector_load %arg9[%get3A_387, %get3A_388] {strides = array<i32>} : memref<40x128xf32, #tpu.memory_space<vmem>>, vector<16xf32>,
          %get3A_390 = arith.index_cast %add3A_368 : i32 to index
          %get3A_391 = arith.constant 112 : index
          %get3A_392 = tpu.vector_load %arg9[%get3A_390, %get3A_391] {strides = array<i32>} : memref<40x128xf32, #tpu.memory_space<vmem>>, vector<16xf32>,
          %get3A_393 = arith.index_cast %add3A_368 : i32 to index
          %get3A_394 = arith.constant 0 : index
          %get3A_395 = tpu.vector_load %arg10[%get3A_393, %get3A_394] {strides = array<i32>} : memref<40x128xf32, #tpu.memory_space<vmem>>, vector<16xf32>,
          %add3A_396 = arith.addf %get3A_371, %get3A_395 : vector<16xf32>
          %add3A_397 = arith.addf %add3A_396, %add3A_396 : vector<16xf32>
          %exp3A = math.exp %add3A_397 : vector<16xf32>
          %sub3A = arith.constant 1.000000e+00 : f32
          %sub3A_398 = vector.broadcast %sub3A : f32 to vector<16xf32>
          %sub3A_399 = arith.subf %exp3A, %sub3A_398 : vector<16xf32>
          %add3A_400 = arith.constant 1.000000e+00 : f32
          %add3A_401 = vector.broadcast %add3A_400 : f32 to vector<16xf32>
          %add3A_402 = arith.addf %exp3A, %add3A_401 : vector<16xf32>
          %div3A = arith.divf %sub3A_399, %add3A_402 : vector<16xf32>
          %mul3A_403 = arith.mulf %div3A, %get3A_115 : vector<16xf32>
          %get3A_404 = arith.index_cast %add3A_368 : i32 to index
          %get3A_405 = arith.constant 16 : index
          %get3A_406 = tpu.vector_load %arg10[%get3A_404, %get3A_405] {strides = array<i32>} : memref<40x128xf32, #tpu.memory_space<vmem>>, vector<16xf32>,
          %add3A_407 = arith.addf %get3A_374, %get3A_406 : vector<16xf32>
          %add3A_408 = arith.addf %add3A_407, %add3A_407 : vector<16xf32>
          %exp3A_409 = math.exp %add3A_408 : vector<16xf32>
          %sub3A_410 = arith.constant 1.000000e+00 : f32
          %sub3A_411 = vector.broadcast %sub3A_410 : f32 to vector<16xf32>
          %sub3A_412 = arith.subf %exp3A_409, %sub3A_411 : vector<16xf32>
          %add3A_413 = arith.constant 1.000000e+00 : f32
          %add3A_414 = vector.broadcast %add3A_413 : f32 to vector<16xf32>
          %add3A_415 = arith.addf %exp3A_409, %add3A_414 : vector<16xf32>
          %div3A_416 = arith.divf %sub3A_412, %add3A_415 : vector<16xf32>
          %mul3A_417 = arith.mulf %div3A_416, %get3A_117 : vector<16xf32>
          %get3A_418 = arith.index_cast %add3A_368 : i32 to index
          %get3A_419 = arith.constant 32 : index
          %get3A_420 = tpu.vector_load %arg10[%get3A_418, %get3A_419] {strides = array<i32>} : memref<40x128xf32, #tpu.memory_space<vmem>>, vector<16xf32>,
          %add3A_421 = arith.addf %get3A_377, %get3A_420 : vector<16xf32>
          %add3A_422 = arith.addf %add3A_421, %add3A_421 : vector<16xf32>
          %exp3A_423 = math.exp %add3A_422 : vector<16xf32>
          %sub3A_424 = arith.constant 1.000000e+00 : f32
          %sub3A_425 = vector.broadcast %sub3A_424 : f32 to vector<16xf32>
          %sub3A_426 = arith.subf %exp3A_423, %sub3A_425 : vector<16xf32>
          %add3A_427 = arith.constant 1.000000e+00 : f32
          %add3A_428 = vector.broadcast %add3A_427 : f32 to vector<16xf32>
          %add3A_429 = arith.addf %exp3A_423, %add3A_428 : vector<16xf32>
          %div3A_430 = arith.divf %sub3A_426, %add3A_429 : vector<16xf32>
          %mul3A_431 = arith.mulf %div3A_430, %get3A_119 : vector<16xf32>
          %get3A_432 = arith.index_cast %add3A_368 : i32 to index
          %get3A_433 = arith.constant 48 : index
          %get3A_434 = tpu.vector_load %arg10[%get3A_432, %get3A_433] {strides = array<i32>} : memref<40x128xf32, #tpu.memory_space<vmem>>, vector<16xf32>,
          %add3A_435 = arith.addf %get3A_380, %get3A_434 : vector<16xf32>
          %add3A_436 = arith.addf %add3A_435, %add3A_435 : vector<16xf32>
          %exp3A_437 = math.exp %add3A_436 : vector<16xf32>
          %sub3A_438 = arith.constant 1.000000e+00 : f32
          %sub3A_439 = vector.broadcast %sub3A_438 : f32 to vector<16xf32>
          %sub3A_440 = arith.subf %exp3A_437, %sub3A_439 : vector<16xf32>
          %add3A_441 = arith.constant 1.000000e+00 : f32
          %add3A_442 = vector.broadcast %add3A_441 : f32 to vector<16xf32>
          %add3A_443 = arith.addf %exp3A_437, %add3A_442 : vector<16xf32>
          %div3A_444 = arith.divf %sub3A_440, %add3A_443 : vector<16xf32>
          %mul3A_445 = arith.mulf %div3A_444, %get3A_121 : vector<16xf32>
          %get3A_446 = arith.index_cast %add3A_368 : i32 to index
          %get3A_447 = arith.constant 64 : index
          %get3A_448 = tpu.vector_load %arg10[%get3A_446, %get3A_447] {strides = array<i32>} : memref<40x128xf32, #tpu.memory_space<vmem>>, vector<16xf32>,
          %add3A_449 = arith.addf %get3A_383, %get3A_448 : vector<16xf32>
          %add3A_450 = arith.addf %add3A_449, %add3A_449 : vector<16xf32>
          %exp3A_451 = math.exp %add3A_450 : vector<16xf32>
          %sub3A_452 = arith.constant 1.000000e+00 : f32
          %sub3A_453 = vector.broadcast %sub3A_452 : f32 to vector<16xf32>
          %sub3A_454 = arith.subf %exp3A_451, %sub3A_453 : vector<16xf32>
          %add3A_455 = arith.constant 1.000000e+00 : f32
          %add3A_456 = vector.broadcast %add3A_455 : f32 to vector<16xf32>
          %add3A_457 = arith.addf %exp3A_451, %add3A_456 : vector<16xf32>
          %div3A_458 = arith.divf %sub3A_454, %add3A_457 : vector<16xf32>
          %mul3A_459 = arith.mulf %div3A_458, %get3A_123 : vector<16xf32>
          %get3A_460 = arith.index_cast %add3A_368 : i32 to index
          %get3A_461 = arith.constant 80 : index
          %get3A_462 = tpu.vector_load %arg10[%get3A_460, %get3A_461] {strides = array<i32>} : memref<40x128xf32, #tpu.memory_space<vmem>>, vector<16xf32>,
          %add3A_463 = arith.addf %get3A_386, %get3A_462 : vector<16xf32>
          %add3A_464 = arith.addf %add3A_463, %add3A_463 : vector<16xf32>
          %exp3A_465 = math.exp %add3A_464 : vector<16xf32>
          %sub3A_466 = arith.constant 1.000000e+00 : f32
          %sub3A_467 = vector.broadcast %sub3A_466 : f32 to vector<16xf32>
          %sub3A_468 = arith.subf %exp3A_465, %sub3A_467 : vector<16xf32>
          %add3A_469 = arith.constant 1.000000e+00 : f32
          %add3A_470 = vector.broadcast %add3A_469 : f32 to vector<16xf32>
          %add3A_471 = arith.addf %exp3A_465, %add3A_470 : vector<16xf32>
          %div3A_472 = arith.divf %sub3A_468, %add3A_471 : vector<16xf32>
          %mul3A_473 = arith.mulf %div3A_472, %get3A_125 : vector<16xf32>
          %get3A_474 = arith.index_cast %add3A_368 : i32 to index
          %get3A_475 = arith.constant 96 : index
          %get3A_476 = tpu.vector_load %arg10[%get3A_474, %get3A_475] {strides = array<i32>} : memref<40x128xf32, #tpu.memory_space<vmem>>, vector<16xf32>,
          %add3A_477 = arith.addf %get3A_389, %get3A_476 : vector<16xf32>
          %add3A_478 = arith.addf %add3A_477, %add3A_477 : vector<16xf32>
          %exp3A_479 = math.exp %add3A_478 : vector<16xf32>
          %sub3A_480 = arith.constant 1.000000e+00 : f32
          %sub3A_481 = vector.broadcast %sub3A_480 : f32 to vector<16xf32>
          %sub3A_482 = arith.subf %exp3A_479, %sub3A_481 : vector<16xf32>
          %add3A_483 = arith.constant 1.000000e+00 : f32
          %add3A_484 = vector.broadcast %add3A_483 : f32 to vector<16xf32>
          %add3A_485 = arith.addf %exp3A_479, %add3A_484 : vector<16xf32>
          %div3A_486 = arith.divf %sub3A_482, %add3A_485 : vector<16xf32>
          %mul3A_487 = arith.mulf %div3A_486, %get3A_127 : vector<16xf32>
          %get3A_488 = arith.index_cast %add3A_368 : i32 to index
          %get3A_489 = arith.constant 112 : index
          %get3A_490 = tpu.vector_load %arg10[%get3A_488, %get3A_489] {strides = array<i32>} : memref<40x128xf32, #tpu.memory_space<vmem>>, vector<16xf32>,
          %add3A_491 = arith.addf %get3A_392, %get3A_490 : vector<16xf32>
          %add3A_492 = arith.addf %add3A_491, %add3A_491 : vector<16xf32>
          %exp3A_493 = math.exp %add3A_492 : vector<16xf32>
          %sub3A_494 = arith.constant 1.000000e+00 : f32
          %sub3A_495 = vector.broadcast %sub3A_494 : f32 to vector<16xf32>
          %sub3A_496 = arith.subf %exp3A_493, %sub3A_495 : vector<16xf32>
          %add3A_497 = arith.constant 1.000000e+00 : f32
          %add3A_498 = vector.broadcast %add3A_497 : f32 to vector<16xf32>
          %add3A_499 = arith.addf %exp3A_493, %add3A_498 : vector<16xf32>
          %div3A_500 = arith.divf %sub3A_496, %add3A_499 : vector<16xf32>
          %mul3A_501 = arith.mulf %div3A_500, %get3A_129 : vector<16xf32>
          %broadcast_in_dim3A_502 = arith.constant 0.000000e+00 : f32
          %broadcast_in_dim3A_503 = vector.broadcast %broadcast_in_dim3A_502 : f32 to vector<16xf32>
          %add3A_504 = arith.addf %mul3A_403, %mul3A_417 : vector<16xf32>
          %reduce_sum3A = arith.constant true
          %reduce_sum3A_505 = vector.broadcast %reduce_sum3A : i1 to vector<16xi1>
          %reduce_sum3A_506 = tpu.scan <sum>, %add3A_504 masked %reduce_sum3A_505 : vector<16xf32>, vector<16xi1> -> vector<16xf32>
          %reduce_sum3A_507 = vector.extract %reduce_sum3A_506[15] : f32 from vector<16xf32>
          %broadcast_in_dim3A_508 = vector.broadcast %reduce_sum3A_507 : f32 to vector<16xf32>
          %exp3A_509 = math.exp %broadcast_in_dim3A_508 : vector<16xf32>
          %mul3A_510 = arith.mulf %exp3A_509, %convert_element_type3A_133 : vector<16xf32>
          %add3A_511 = arith.addf %broadcast_in_dim3A_503, %mul3A_510 : vector<16xf32>
          %add3A_512 = arith.addf %mul3A_431, %mul3A_445 : vector<16xf32>
          %reduce_sum3A_513 = arith.constant true
          %reduce_sum3A_514 = vector.broadcast %reduce_sum3A_513 : i1 to vector<16xi1>
          %reduce_sum3A_515 = tpu.scan <sum>, %add3A_512 masked %reduce_sum3A_514 : vector<16xf32>, vector<16xi1> -> vector<16xf32>
          %reduce_sum3A_516 = vector.extract %reduce_sum3A_515[15] : f32 from vector<16xf32>
          %broadcast_in_dim3A_517 = vector.broadcast %reduce_sum3A_516 : f32 to vector<16xf32>
          %exp3A_518 = math.exp %broadcast_in_dim3A_517 : vector<16xf32>
          %mul3A_519 = arith.mulf %exp3A_518, %convert_element_type3A_138 : vector<16xf32>
          %add3A_520 = arith.addf %add3A_511, %mul3A_519 : vector<16xf32>
          %add3A_521 = arith.addf %mul3A_459, %mul3A_473 : vector<16xf32>
          %reduce_sum3A_522 = arith.constant true
          %reduce_sum3A_523 = vector.broadcast %reduce_sum3A_522 : i1 to vector<16xi1>
          %reduce_sum3A_524 = tpu.scan <sum>, %add3A_521 masked %reduce_sum3A_523 : vector<16xf32>, vector<16xi1> -> vector<16xf32>
          %reduce_sum3A_525 = vector.extract %reduce_sum3A_524[15] : f32 from vector<16xf32>
          %broadcast_in_dim3A_526 = vector.broadcast %reduce_sum3A_525 : f32 to vector<16xf32>
          %exp3A_527 = math.exp %broadcast_in_dim3A_526 : vector<16xf32>
          %mul3A_528 = arith.mulf %exp3A_527, %convert_element_type3A_143 : vector<16xf32>
          %add3A_529 = arith.addf %add3A_520, %mul3A_528 : vector<16xf32>
          %add3A_530 = arith.addf %mul3A_487, %mul3A_501 : vector<16xf32>
          %reduce_sum3A_531 = arith.constant true
          %reduce_sum3A_532 = vector.broadcast %reduce_sum3A_531 : i1 to vector<16xi1>
          %reduce_sum3A_533 = tpu.scan <sum>, %add3A_530 masked %reduce_sum3A_532 : vector<16xf32>, vector<16xi1> -> vector<16xf32>
          %reduce_sum3A_534 = vector.extract %reduce_sum3A_533[15] : f32 from vector<16xf32>
          %broadcast_in_dim3A_535 = vector.broadcast %reduce_sum3A_534 : f32 to vector<16xf32>
          %exp3A_536 = math.exp %broadcast_in_dim3A_535 : vector<16xf32>
          %mul3A_537 = arith.mulf %exp3A_536, %convert_element_type3A_148 : vector<16xf32>
          %add3A_538 = arith.addf %add3A_529, %mul3A_537 : vector<16xf32>
          %mul3A_539 = arith.mulf %get3A_371, %exp3A_509 : vector<16xf32>
          %swap3A = arith.index_cast %add3A_368 : i32 to index
          %swap3A_540 = arith.constant 0 : index
          %swap3A_541 = tpu.vector_load %arg13[%swap3A, %swap3A_540] {strides = array<i32>} : memref<40x144xf32, #tpu.memory_space<vmem>>, vector<16xf32>,
          tpu.vector_store %arg13[%swap3A, %swap3A_540], %mul3A_539 {strides = array<i32>} : memref<40x144xf32, #tpu.memory_space<vmem>>, vector<16xf32>,
          %mul3A_542 = arith.mulf %get3A_374, %exp3A_509 : vector<16xf32>
          %swap3A_543 = arith.index_cast %add3A_368 : i32 to index
          %swap3A_544 = arith.constant 16 : index
          %swap3A_545 = tpu.vector_load %arg13[%swap3A_543, %swap3A_544] {strides = array<i32>} : memref<40x144xf32, #tpu.memory_space<vmem>>, vector<16xf32>,
          tpu.vector_store %arg13[%swap3A_543, %swap3A_544], %mul3A_542 {strides = array<i32>} : memref<40x144xf32, #tpu.memory_space<vmem>>, vector<16xf32>,
          %mul3A_546 = arith.mulf %get3A_377, %exp3A_518 : vector<16xf32>
          %swap3A_547 = arith.index_cast %add3A_368 : i32 to index
          %swap3A_548 = arith.constant 32 : index
          %swap3A_549 = tpu.vector_load %arg13[%swap3A_547, %swap3A_548] {strides = array<i32>} : memref<40x144xf32, #tpu.memory_space<vmem>>, vector<16xf32>,
          tpu.vector_store %arg13[%swap3A_547, %swap3A_548], %mul3A_546 {strides = array<i32>} : memref<40x144xf32, #tpu.memory_space<vmem>>, vector<16xf32>,
          %mul3A_550 = arith.mulf %get3A_380, %exp3A_518 : vector<16xf32>
          %swap3A_551 = arith.index_cast %add3A_368 : i32 to index
          %swap3A_552 = arith.constant 48 : index
          %swap3A_553 = tpu.vector_load %arg13[%swap3A_551, %swap3A_552] {strides = array<i32>} : memref<40x144xf32, #tpu.memory_space<vmem>>, vector<16xf32>,
          tpu.vector_store %arg13[%swap3A_551, %swap3A_552], %mul3A_550 {strides = array<i32>} : memref<40x144xf32, #tpu.memory_space<vmem>>, vector<16xf32>,
          %mul3A_554 = arith.mulf %get3A_383, %exp3A_527 : vector<16xf32>
          %swap3A_555 = arith.index_cast %add3A_368 : i32 to index
          %swap3A_556 = arith.constant 64 : index
          %swap3A_557 = tpu.vector_load %arg13[%swap3A_555, %swap3A_556] {strides = array<i32>} : memref<40x144xf32, #tpu.memory_space<vmem>>, vector<16xf32>,
          tpu.vector_store %arg13[%swap3A_555, %swap3A_556], %mul3A_554 {strides = array<i32>} : memref<40x144xf32, #tpu.memory_space<vmem>>, vector<16xf32>,
          %mul3A_558 = arith.mulf %get3A_386, %exp3A_527 : vector<16xf32>
          %swap3A_559 = arith.index_cast %add3A_368 : i32 to index
          %swap3A_560 = arith.constant 80 : index
          %swap3A_561 = tpu.vector_load %arg13[%swap3A_559, %swap3A_560] {strides = array<i32>} : memref<40x144xf32, #tpu.memory_space<vmem>>, vector<16xf32>,
          tpu.vector_store %arg13[%swap3A_559, %swap3A_560], %mul3A_558 {strides = array<i32>} : memref<40x144xf32, #tpu.memory_space<vmem>>, vector<16xf32>,
          %mul3A_562 = arith.mulf %get3A_389, %exp3A_536 : vector<16xf32>
          %swap3A_563 = arith.index_cast %add3A_368 : i32 to index
          %swap3A_564 = arith.constant 96 : index
          %swap3A_565 = tpu.vector_load %arg13[%swap3A_563, %swap3A_564] {strides = array<i32>} : memref<40x144xf32, #tpu.memory_space<vmem>>, vector<16xf32>,
          tpu.vector_store %arg13[%swap3A_563, %swap3A_564], %mul3A_562 {strides = array<i32>} : memref<40x144xf32, #tpu.memory_space<vmem>>, vector<16xf32>,
          %mul3A_566 = arith.mulf %get3A_392, %exp3A_536 : vector<16xf32>
          %swap3A_567 = arith.index_cast %add3A_368 : i32 to index
          %swap3A_568 = arith.constant 112 : index
          %swap3A_569 = tpu.vector_load %arg13[%swap3A_567, %swap3A_568] {strides = array<i32>} : memref<40x144xf32, #tpu.memory_space<vmem>>, vector<16xf32>,
          tpu.vector_store %arg13[%swap3A_567, %swap3A_568], %mul3A_566 {strides = array<i32>} : memref<40x144xf32, #tpu.memory_space<vmem>>, vector<16xf32>,
          %swap3A_570 = arith.index_cast %add3A_368 : i32 to index
          %swap3A_571 = arith.constant 128 : index
          %swap3A_572 = tpu.vector_load %arg13[%swap3A_570, %swap3A_571] {strides = array<i32>} : memref<40x144xf32, #tpu.memory_space<vmem>>, vector<16xf32>,
          tpu.vector_store %arg13[%swap3A_570, %swap3A_571], %add3A_538 {strides = array<i32>} : memref<40x144xf32, #tpu.memory_space<vmem>>, vector<16xf32>,
        }
        %scan3A_337 = arith.constant 40 : i32
        "tpu.region"() ({
          %run_scoped3A = tpu.sem_alloc : memref<!tpu.dma_semaphore, #tpu.memory_space<semaphore_mem>>
          %dma_start3A_364 = arith.constant 0 : i32
          %dma_start3A_365 = tpu.memref_slice %arg8[%mul3A_332, %dma_start3A_364] : memref<10x40xi32, #tpu.memory_space<vmem>> -> memref<1x40xi32, #tpu.memory_space<vmem>>
          %dma_start3A_366 = tpu.memref_squeeze %dma_start3A_365 : memref<1x40xi32, #tpu.memory_space<vmem>> -> memref<40xi32, #tpu.memory_space<vmem>>
          %dma_start3A_367 = arith.constant 0 : i32
          %dma_start3A_368 = arith.constant 0 : i32
          %dma_start3A_369 = tpu.memref_slice %arg15[%dma_start3A_367, %dma_start3A_368] : memref<10000x144xf32, #tpu.memory_space<vmem_shared>> -> memref<10000x144xf32, #tpu.memory_space<vmem_shared>>
          tpu.enqueue_indirect_dma source(%arg13 : memref<40x144xf32, #tpu.memory_space<vmem>>) target(%dma_start3A_369 : memref<10000x144xf32, #tpu.memory_space<vmem_shared>>) offsets(%dma_start3A_366 : memref<40xi32, #tpu.memory_space<vmem>>) semaphore(%run_scoped3A : memref<!tpu.dma_semaphore, #tpu.memory_space<semaphore_mem>>) {add = true}
          %dma_wait3A_370 = arith.constant 0 : i32
          %dma_wait3A_371 = tpu.memref_slice %arg8[%mul3A_332, %dma_wait3A_370] : memref<10x40xi32, #tpu.memory_space<vmem>> -> memref<1x40xi32, #tpu.memory_space<vmem>>
          %dma_wait3A_372 = tpu.memref_squeeze %dma_wait3A_371 : memref<1x40xi32, #tpu.memory_space<vmem>> -> memref<40xi32, #tpu.memory_space<vmem>>
          %dma_wait3A_373 = arith.constant 0 : i32
          %dma_wait3A_374 = arith.constant 0 : i32
          %dma_wait3A_375 = tpu.memref_slice %arg15[%dma_wait3A_373, %dma_wait3A_374] : memref<10000x144xf32, #tpu.memory_space<vmem_shared>> -> memref<10000x144xf32, #tpu.memory_space<vmem_shared>>
          tpu.wait_indirect_dma semaphore(%run_scoped3A : memref<!tpu.dma_semaphore, #tpu.memory_space<semaphore_mem>>) src(%arg13 : memref<40x144xf32, #tpu.memory_space<vmem>>) dst(%dma_wait3A_375 : memref<10000x144xf32, #tpu.memory_space<vmem_shared>>)
          tpu.yield
        }) : () -> ()
        %lt3A_338 = arith.constant 4 : i32
        %lt3A_339 = arith.cmpi slt, %add3A_299, %lt3A_338 : i32
        %convert_element_type3A_340 = arith.extui %lt3A_339 : i1 to i32
        %cond3A_341 = arith.constant 0 : i32
        %cond3A_342 = arith.cmpi ne, %convert_element_type3A_340, %cond3A_341 : i32
        scf.if %cond3A_342 {
          %mul3A_364 = arith.constant 2 : i32
          %mul3A_365 = arith.muli %mul3A_364, %add3A_299 : i32
          %add3A_366 = arith.constant 2 : i32
          %add3A_367 = arith.addi %mul3A_365, %add3A_366 : i32
          %dma_start3A_368 = arith.constant 0 : i32
          %dma_start3A_369 = tpu.memref_slice %arg7[%add3A_367, %dma_start3A_368] : memref<10x40xi32, #tpu.memory_space<vmem>> -> memref<1x40xi32, #tpu.memory_space<vmem>>
          %dma_start3A_370 = tpu.memref_squeeze %dma_start3A_369 : memref<1x40xi32, #tpu.memory_space<vmem>> -> memref<40xi32, #tpu.memory_space<vmem>>
          %dma_start3A_371 = arith.constant 0 : i32
          %dma_start3A_372 = arith.constant 0 : i32
          %dma_start3A_373 = tpu.memref_slice %arg2[%dma_start3A_371, %dma_start3A_372] : memref<10000x128xf32, #tpu.memory_space<hbm>> -> memref<10000x128xf32, #tpu.memory_space<hbm>>
          tpu.enqueue_indirect_dma source(%dma_start3A_373 : memref<10000x128xf32, #tpu.memory_space<hbm>>) target(%arg9 : memref<40x128xf32, #tpu.memory_space<vmem>>) offsets(%dma_start3A_370 : memref<40xi32, #tpu.memory_space<vmem>>) semaphore(%arg16 : memref<!tpu.dma_semaphore, #tpu.memory_space<semaphore_mem>>)
          %dma_start3A_374 = arith.constant 0 : i32
          %dma_start3A_375 = tpu.memref_slice %arg8[%add3A_367, %dma_start3A_374] : memref<10x40xi32, #tpu.memory_space<vmem>> -> memref<1x40xi32, #tpu.memory_space<vmem>>
          %dma_start3A_376 = tpu.memref_squeeze %dma_start3A_375 : memref<1x40xi32, #tpu.memory_space<vmem>> -> memref<40xi32, #tpu.memory_space<vmem>>
          %dma_start3A_377 = arith.constant 0 : i32
          %dma_start3A_378 = arith.constant 0 : i32
          %dma_start3A_379 = tpu.memref_slice %arg2[%dma_start3A_377, %dma_start3A_378] : memref<10000x128xf32, #tpu.memory_space<hbm>> -> memref<10000x128xf32, #tpu.memory_space<hbm>>
          tpu.enqueue_indirect_dma source(%dma_start3A_379 : memref<10000x128xf32, #tpu.memory_space<hbm>>) target(%arg10 : memref<40x128xf32, #tpu.memory_space<vmem>>) offsets(%dma_start3A_376 : memref<40xi32, #tpu.memory_space<vmem>>) semaphore(%arg16 : memref<!tpu.dma_semaphore, #tpu.memory_space<semaphore_mem>>)
        } else {
        }
        %dma_wait3A_343 = arith.constant 0 : i32
        %dma_wait3A_344 = tpu.memref_slice %arg7[%add3A_303, %dma_wait3A_343] : memref<10x40xi32, #tpu.memory_space<vmem>> -> memref<1x40xi32, #tpu.memory_space<vmem>>
        %dma_wait3A_345 = tpu.memref_squeeze %dma_wait3A_344 : memref<1x40xi32, #tpu.memory_space<vmem>> -> memref<40xi32, #tpu.memory_space<vmem>>
        %dma_wait3A_346 = arith.constant 0 : i32
        %dma_wait3A_347 = arith.constant 0 : i32
        %dma_wait3A_348 = tpu.memref_slice %arg2[%dma_wait3A_346, %dma_wait3A_347] : memref<10000x128xf32, #tpu.memory_space<hbm>> -> memref<10000x128xf32, #tpu.memory_space<hbm>>
        tpu.wait_indirect_dma semaphore(%arg17 : memref<!tpu.dma_semaphore, #tpu.memory_space<semaphore_mem>>) src(%dma_wait3A_348 : memref<10000x128xf32, #tpu.memory_space<hbm>>) dst(%arg11 : memref<40x128xf32, #tpu.memory_space<vmem>>)
        %dma_wait3A_349 = arith.constant 0 : i32
        %dma_wait3A_350 = tpu.memref_slice %arg8[%add3A_303, %dma_wait3A_349] : memref<10x40xi32, #tpu.memory_space<vmem>> -> memref<1x40xi32, #tpu.memory_space<vmem>>
        %dma_wait3A_351 = tpu.memref_squeeze %dma_wait3A_350 : memref<1x40xi32, #tpu.memory_space<vmem>> -> memref<40xi32, #tpu.memory_space<vmem>>
        %dma_wait3A_352 = arith.constant 0 : i32
        %dma_wait3A_353 = arith.constant 0 : i32
        %dma_wait3A_354 = tpu.memref_slice %arg2[%dma_wait3A_352, %dma_wait3A_353] : memref<10000x128xf32, #tpu.memory_space<hbm>> -> memref<10000x128xf32, #tpu.memory_space<hbm>>
        tpu.wait_indirect_dma semaphore(%arg17 : memref<!tpu.dma_semaphore, #tpu.memory_space<semaphore_mem>>) src(%dma_wait3A_354 : memref<10000x128xf32, #tpu.memory_space<hbm>>) dst(%arg12 : memref<40x128xf32, #tpu.memory_space<vmem>>)
        %mul3A_355 = arith.constant 2 : i32
        %mul3A_356 = arith.muli %mul3A_355, %add3A_299 : i32
        %add3A_357 = arith.constant 1 : i32
        %add3A_358 = arith.addi %mul3A_356, %add3A_357 : i32
        %scan3A_359 = arith.constant 0 : i32
        %scan3A_360 = arith.constant 40 : i32
        %scan3A_361 = arith.addi %scan3A_359, %scan3A_360 : i32
        %scan3A_362 = arith.constant 1 : i32
        scf.for %scan3A_364 = %scan3A_359 to %scan3A_361 step %scan3A_362  : i32 {
          %mul3A_365 = arith.constant 1 : i32
          %mul3A_366 = arith.muli %scan3A_364, %mul3A_365 : i32
          %add3A_367 = arith.constant 0 : i32
          %add3A_368 = arith.addi %add3A_367, %mul3A_366 : i32
          %get3A_369 = arith.index_cast %add3A_368 : i32 to index
          %get3A_370 = arith.constant 0 : index
          %get3A_371 = tpu.vector_load %arg11[%get3A_369, %get3A_370] {strides = array<i32>} : memref<40x128xf32, #tpu.memory_space<vmem>>, vector<16xf32>,
          %get3A_372 = arith.index_cast %add3A_368 : i32 to index
          %get3A_373 = arith.constant 16 : index
          %get3A_374 = tpu.vector_load %arg11[%get3A_372, %get3A_373] {strides = array<i32>} : memref<40x128xf32, #tpu.memory_space<vmem>>, vector<16xf32>,
          %get3A_375 = arith.index_cast %add3A_368 : i32 to index
          %get3A_376 = arith.constant 32 : index
          %get3A_377 = tpu.vector_load %arg11[%get3A_375, %get3A_376] {strides = array<i32>} : memref<40x128xf32, #tpu.memory_space<vmem>>, vector<16xf32>,
          %get3A_378 = arith.index_cast %add3A_368 : i32 to index
          %get3A_379 = arith.constant 48 : index
          %get3A_380 = tpu.vector_load %arg11[%get3A_378, %get3A_379] {strides = array<i32>} : memref<40x128xf32, #tpu.memory_space<vmem>>, vector<16xf32>,
          %get3A_381 = arith.index_cast %add3A_368 : i32 to index
          %get3A_382 = arith.constant 64 : index
          %get3A_383 = tpu.vector_load %arg11[%get3A_381, %get3A_382] {strides = array<i32>} : memref<40x128xf32, #tpu.memory_space<vmem>>, vector<16xf32>,
          %get3A_384 = arith.index_cast %add3A_368 : i32 to index
          %get3A_385 = arith.constant 80 : index
          %get3A_386 = tpu.vector_load %arg11[%get3A_384, %get3A_385] {strides = array<i32>} : memref<40x128xf32, #tpu.memory_space<vmem>>, vector<16xf32>,
          %get3A_387 = arith.index_cast %add3A_368 : i32 to index
          %get3A_388 = arith.constant 96 : index
          %get3A_389 = tpu.vector_load %arg11[%get3A_387, %get3A_388] {strides = array<i32>} : memref<40x128xf32, #tpu.memory_space<vmem>>, vector<16xf32>,
          %get3A_390 = arith.index_cast %add3A_368 : i32 to index
          %get3A_391 = arith.constant 112 : index
          %get3A_392 = tpu.vector_load %arg11[%get3A_390, %get3A_391] {strides = array<i32>} : memref<40x128xf32, #tpu.memory_space<vmem>>, vector<16xf32>,
          %get3A_393 = arith.index_cast %add3A_368 : i32 to index
          %get3A_394 = arith.constant 0 : index
          %get3A_395 = tpu.vector_load %arg12[%get3A_393, %get3A_394] {strides = array<i32>} : memref<40x128xf32, #tpu.memory_space<vmem>>, vector<16xf32>,
          %add3A_396 = arith.addf %get3A_371, %get3A_395 : vector<16xf32>
          %add3A_397 = arith.addf %add3A_396, %add3A_396 : vector<16xf32>
          %exp3A = math.exp %add3A_397 : vector<16xf32>
          %sub3A = arith.constant 1.000000e+00 : f32
          %sub3A_398 = vector.broadcast %sub3A : f32 to vector<16xf32>
          %sub3A_399 = arith.subf %exp3A, %sub3A_398 : vector<16xf32>
          %add3A_400 = arith.constant 1.000000e+00 : f32
          %add3A_401 = vector.broadcast %add3A_400 : f32 to vector<16xf32>
          %add3A_402 = arith.addf %exp3A, %add3A_401 : vector<16xf32>
          %div3A = arith.divf %sub3A_399, %add3A_402 : vector<16xf32>
          %mul3A_403 = arith.mulf %div3A, %get3A_115 : vector<16xf32>
          %get3A_404 = arith.index_cast %add3A_368 : i32 to index
          %get3A_405 = arith.constant 16 : index
          %get3A_406 = tpu.vector_load %arg12[%get3A_404, %get3A_405] {strides = array<i32>} : memref<40x128xf32, #tpu.memory_space<vmem>>, vector<16xf32>,
          %add3A_407 = arith.addf %get3A_374, %get3A_406 : vector<16xf32>
          %add3A_408 = arith.addf %add3A_407, %add3A_407 : vector<16xf32>
          %exp3A_409 = math.exp %add3A_408 : vector<16xf32>
          %sub3A_410 = arith.constant 1.000000e+00 : f32
          %sub3A_411 = vector.broadcast %sub3A_410 : f32 to vector<16xf32>
          %sub3A_412 = arith.subf %exp3A_409, %sub3A_411 : vector<16xf32>
          %add3A_413 = arith.constant 1.000000e+00 : f32
          %add3A_414 = vector.broadcast %add3A_413 : f32 to vector<16xf32>
          %add3A_415 = arith.addf %exp3A_409, %add3A_414 : vector<16xf32>
          %div3A_416 = arith.divf %sub3A_412, %add3A_415 : vector<16xf32>
          %mul3A_417 = arith.mulf %div3A_416, %get3A_117 : vector<16xf32>
          %get3A_418 = arith.index_cast %add3A_368 : i32 to index
          %get3A_419 = arith.constant 32 : index
          %get3A_420 = tpu.vector_load %arg12[%get3A_418, %get3A_419] {strides = array<i32>} : memref<40x128xf32, #tpu.memory_space<vmem>>, vector<16xf32>,
          %add3A_421 = arith.addf %get3A_377, %get3A_420 : vector<16xf32>
          %add3A_422 = arith.addf %add3A_421, %add3A_421 : vector<16xf32>
          %exp3A_423 = math.exp %add3A_422 : vector<16xf32>
          %sub3A_424 = arith.constant 1.000000e+00 : f32
          %sub3A_425 = vector.broadcast %sub3A_424 : f32 to vector<16xf32>
          %sub3A_426 = arith.subf %exp3A_423, %sub3A_425 : vector<16xf32>
          %add3A_427 = arith.constant 1.000000e+00 : f32
          %add3A_428 = vector.broadcast %add3A_427 : f32 to vector<16xf32>
          %add3A_429 = arith.addf %exp3A_423, %add3A_428 : vector<16xf32>
          %div3A_430 = arith.divf %sub3A_426, %add3A_429 : vector<16xf32>
          %mul3A_431 = arith.mulf %div3A_430, %get3A_119 : vector<16xf32>
          %get3A_432 = arith.index_cast %add3A_368 : i32 to index
          %get3A_433 = arith.constant 48 : index
          %get3A_434 = tpu.vector_load %arg12[%get3A_432, %get3A_433] {strides = array<i32>} : memref<40x128xf32, #tpu.memory_space<vmem>>, vector<16xf32>,
          %add3A_435 = arith.addf %get3A_380, %get3A_434 : vector<16xf32>
          %add3A_436 = arith.addf %add3A_435, %add3A_435 : vector<16xf32>
          %exp3A_437 = math.exp %add3A_436 : vector<16xf32>
          %sub3A_438 = arith.constant 1.000000e+00 : f32
          %sub3A_439 = vector.broadcast %sub3A_438 : f32 to vector<16xf32>
          %sub3A_440 = arith.subf %exp3A_437, %sub3A_439 : vector<16xf32>
          %add3A_441 = arith.constant 1.000000e+00 : f32
          %add3A_442 = vector.broadcast %add3A_441 : f32 to vector<16xf32>
          %add3A_443 = arith.addf %exp3A_437, %add3A_442 : vector<16xf32>
          %div3A_444 = arith.divf %sub3A_440, %add3A_443 : vector<16xf32>
          %mul3A_445 = arith.mulf %div3A_444, %get3A_121 : vector<16xf32>
          %get3A_446 = arith.index_cast %add3A_368 : i32 to index
          %get3A_447 = arith.constant 64 : index
          %get3A_448 = tpu.vector_load %arg12[%get3A_446, %get3A_447] {strides = array<i32>} : memref<40x128xf32, #tpu.memory_space<vmem>>, vector<16xf32>,
          %add3A_449 = arith.addf %get3A_383, %get3A_448 : vector<16xf32>
          %add3A_450 = arith.addf %add3A_449, %add3A_449 : vector<16xf32>
          %exp3A_451 = math.exp %add3A_450 : vector<16xf32>
          %sub3A_452 = arith.constant 1.000000e+00 : f32
          %sub3A_453 = vector.broadcast %sub3A_452 : f32 to vector<16xf32>
          %sub3A_454 = arith.subf %exp3A_451, %sub3A_453 : vector<16xf32>
          %add3A_455 = arith.constant 1.000000e+00 : f32
          %add3A_456 = vector.broadcast %add3A_455 : f32 to vector<16xf32>
          %add3A_457 = arith.addf %exp3A_451, %add3A_456 : vector<16xf32>
          %div3A_458 = arith.divf %sub3A_454, %add3A_457 : vector<16xf32>
          %mul3A_459 = arith.mulf %div3A_458, %get3A_123 : vector<16xf32>
          %get3A_460 = arith.index_cast %add3A_368 : i32 to index
          %get3A_461 = arith.constant 80 : index
          %get3A_462 = tpu.vector_load %arg12[%get3A_460, %get3A_461] {strides = array<i32>} : memref<40x128xf32, #tpu.memory_space<vmem>>, vector<16xf32>,
          %add3A_463 = arith.addf %get3A_386, %get3A_462 : vector<16xf32>
          %add3A_464 = arith.addf %add3A_463, %add3A_463 : vector<16xf32>
          %exp3A_465 = math.exp %add3A_464 : vector<16xf32>
          %sub3A_466 = arith.constant 1.000000e+00 : f32
          %sub3A_467 = vector.broadcast %sub3A_466 : f32 to vector<16xf32>
          %sub3A_468 = arith.subf %exp3A_465, %sub3A_467 : vector<16xf32>
          %add3A_469 = arith.constant 1.000000e+00 : f32
          %add3A_470 = vector.broadcast %add3A_469 : f32 to vector<16xf32>
          %add3A_471 = arith.addf %exp3A_465, %add3A_470 : vector<16xf32>
          %div3A_472 = arith.divf %sub3A_468, %add3A_471 : vector<16xf32>
          %mul3A_473 = arith.mulf %div3A_472, %get3A_125 : vector<16xf32>
          %get3A_474 = arith.index_cast %add3A_368 : i32 to index
          %get3A_475 = arith.constant 96 : index
          %get3A_476 = tpu.vector_load %arg12[%get3A_474, %get3A_475] {strides = array<i32>} : memref<40x128xf32, #tpu.memory_space<vmem>>, vector<16xf32>,
          %add3A_477 = arith.addf %get3A_389, %get3A_476 : vector<16xf32>
          %add3A_478 = arith.addf %add3A_477, %add3A_477 : vector<16xf32>
          %exp3A_479 = math.exp %add3A_478 : vector<16xf32>
          %sub3A_480 = arith.constant 1.000000e+00 : f32
          %sub3A_481 = vector.broadcast %sub3A_480 : f32 to vector<16xf32>
          %sub3A_482 = arith.subf %exp3A_479, %sub3A_481 : vector<16xf32>
          %add3A_483 = arith.constant 1.000000e+00 : f32
          %add3A_484 = vector.broadcast %add3A_483 : f32 to vector<16xf32>
          %add3A_485 = arith.addf %exp3A_479, %add3A_484 : vector<16xf32>
          %div3A_486 = arith.divf %sub3A_482, %add3A_485 : vector<16xf32>
          %mul3A_487 = arith.mulf %div3A_486, %get3A_127 : vector<16xf32>
          %get3A_488 = arith.index_cast %add3A_368 : i32 to index
          %get3A_489 = arith.constant 112 : index
          %get3A_490 = tpu.vector_load %arg12[%get3A_488, %get3A_489] {strides = array<i32>} : memref<40x128xf32, #tpu.memory_space<vmem>>, vector<16xf32>,
          %add3A_491 = arith.addf %get3A_392, %get3A_490 : vector<16xf32>
          %add3A_492 = arith.addf %add3A_491, %add3A_491 : vector<16xf32>
          %exp3A_493 = math.exp %add3A_492 : vector<16xf32>
          %sub3A_494 = arith.constant 1.000000e+00 : f32
          %sub3A_495 = vector.broadcast %sub3A_494 : f32 to vector<16xf32>
          %sub3A_496 = arith.subf %exp3A_493, %sub3A_495 : vector<16xf32>
          %add3A_497 = arith.constant 1.000000e+00 : f32
          %add3A_498 = vector.broadcast %add3A_497 : f32 to vector<16xf32>
          %add3A_499 = arith.addf %exp3A_493, %add3A_498 : vector<16xf32>
          %div3A_500 = arith.divf %sub3A_496, %add3A_499 : vector<16xf32>
          %mul3A_501 = arith.mulf %div3A_500, %get3A_129 : vector<16xf32>
          %broadcast_in_dim3A_502 = arith.constant 0.000000e+00 : f32
          %broadcast_in_dim3A_503 = vector.broadcast %broadcast_in_dim3A_502 : f32 to vector<16xf32>
          %add3A_504 = arith.addf %mul3A_403, %mul3A_417 : vector<16xf32>
          %reduce_sum3A = arith.constant true
          %reduce_sum3A_505 = vector.broadcast %reduce_sum3A : i1 to vector<16xi1>
          %reduce_sum3A_506 = tpu.scan <sum>, %add3A_504 masked %reduce_sum3A_505 : vector<16xf32>, vector<16xi1> -> vector<16xf32>
          %reduce_sum3A_507 = vector.extract %reduce_sum3A_506[15] : f32 from vector<16xf32>
          %broadcast_in_dim3A_508 = vector.broadcast %reduce_sum3A_507 : f32 to vector<16xf32>
          %exp3A_509 = math.exp %broadcast_in_dim3A_508 : vector<16xf32>
          %mul3A_510 = arith.mulf %exp3A_509, %convert_element_type3A_133 : vector<16xf32>
          %add3A_511 = arith.addf %broadcast_in_dim3A_503, %mul3A_510 : vector<16xf32>
          %add3A_512 = arith.addf %mul3A_431, %mul3A_445 : vector<16xf32>
          %reduce_sum3A_513 = arith.constant true
          %reduce_sum3A_514 = vector.broadcast %reduce_sum3A_513 : i1 to vector<16xi1>
          %reduce_sum3A_515 = tpu.scan <sum>, %add3A_512 masked %reduce_sum3A_514 : vector<16xf32>, vector<16xi1> -> vector<16xf32>
          %reduce_sum3A_516 = vector.extract %reduce_sum3A_515[15] : f32 from vector<16xf32>
          %broadcast_in_dim3A_517 = vector.broadcast %reduce_sum3A_516 : f32 to vector<16xf32>
          %exp3A_518 = math.exp %broadcast_in_dim3A_517 : vector<16xf32>
          %mul3A_519 = arith.mulf %exp3A_518, %convert_element_type3A_138 : vector<16xf32>
          %add3A_520 = arith.addf %add3A_511, %mul3A_519 : vector<16xf32>
          %add3A_521 = arith.addf %mul3A_459, %mul3A_473 : vector<16xf32>
          %reduce_sum3A_522 = arith.constant true
          %reduce_sum3A_523 = vector.broadcast %reduce_sum3A_522 : i1 to vector<16xi1>
          %reduce_sum3A_524 = tpu.scan <sum>, %add3A_521 masked %reduce_sum3A_523 : vector<16xf32>, vector<16xi1> -> vector<16xf32>
          %reduce_sum3A_525 = vector.extract %reduce_sum3A_524[15] : f32 from vector<16xf32>
          %broadcast_in_dim3A_526 = vector.broadcast %reduce_sum3A_525 : f32 to vector<16xf32>
          %exp3A_527 = math.exp %broadcast_in_dim3A_526 : vector<16xf32>
          %mul3A_528 = arith.mulf %exp3A_527, %convert_element_type3A_143 : vector<16xf32>
          %add3A_529 = arith.addf %add3A_520, %mul3A_528 : vector<16xf32>
          %add3A_530 = arith.addf %mul3A_487, %mul3A_501 : vector<16xf32>
          %reduce_sum3A_531 = arith.constant true
          %reduce_sum3A_532 = vector.broadcast %reduce_sum3A_531 : i1 to vector<16xi1>
          %reduce_sum3A_533 = tpu.scan <sum>, %add3A_530 masked %reduce_sum3A_532 : vector<16xf32>, vector<16xi1> -> vector<16xf32>
          %reduce_sum3A_534 = vector.extract %reduce_sum3A_533[15] : f32 from vector<16xf32>
          %broadcast_in_dim3A_535 = vector.broadcast %reduce_sum3A_534 : f32 to vector<16xf32>
          %exp3A_536 = math.exp %broadcast_in_dim3A_535 : vector<16xf32>
          %mul3A_537 = arith.mulf %exp3A_536, %convert_element_type3A_148 : vector<16xf32>
          %add3A_538 = arith.addf %add3A_529, %mul3A_537 : vector<16xf32>
          %mul3A_539 = arith.mulf %get3A_371, %exp3A_509 : vector<16xf32>
          %swap3A = arith.index_cast %add3A_368 : i32 to index
          %swap3A_540 = arith.constant 0 : index
          %swap3A_541 = tpu.vector_load %arg13[%swap3A, %swap3A_540] {strides = array<i32>} : memref<40x144xf32, #tpu.memory_space<vmem>>, vector<16xf32>,
          tpu.vector_store %arg13[%swap3A, %swap3A_540], %mul3A_539 {strides = array<i32>} : memref<40x144xf32, #tpu.memory_space<vmem>>, vector<16xf32>,
          %mul3A_542 = arith.mulf %get3A_374, %exp3A_509 : vector<16xf32>
          %swap3A_543 = arith.index_cast %add3A_368 : i32 to index
          %swap3A_544 = arith.constant 16 : index
          %swap3A_545 = tpu.vector_load %arg13[%swap3A_543, %swap3A_544] {strides = array<i32>} : memref<40x144xf32, #tpu.memory_space<vmem>>, vector<16xf32>,
          tpu.vector_store %arg13[%swap3A_543, %swap3A_544], %mul3A_542 {strides = array<i32>} : memref<40x144xf32, #tpu.memory_space<vmem>>, vector<16xf32>,
          %mul3A_546 = arith.mulf %get3A_377, %exp3A_518 : vector<16xf32>
          %swap3A_547 = arith.index_cast %add3A_368 : i32 to index
          %swap3A_548 = arith.constant 32 : index
          %swap3A_549 = tpu.vector_load %arg13[%swap3A_547, %swap3A_548] {strides = array<i32>} : memref<40x144xf32, #tpu.memory_space<vmem>>, vector<16xf32>,
          tpu.vector_store %arg13[%swap3A_547, %swap3A_548], %mul3A_546 {strides = array<i32>} : memref<40x144xf32, #tpu.memory_space<vmem>>, vector<16xf32>,
          %mul3A_550 = arith.mulf %get3A_380, %exp3A_518 : vector<16xf32>
          %swap3A_551 = arith.index_cast %add3A_368 : i32 to index
          %swap3A_552 = arith.constant 48 : index
          %swap3A_553 = tpu.vector_load %arg13[%swap3A_551, %swap3A_552] {strides = array<i32>} : memref<40x144xf32, #tpu.memory_space<vmem>>, vector<16xf32>,
          tpu.vector_store %arg13[%swap3A_551, %swap3A_552], %mul3A_550 {strides = array<i32>} : memref<40x144xf32, #tpu.memory_space<vmem>>, vector<16xf32>,
          %mul3A_554 = arith.mulf %get3A_383, %exp3A_527 : vector<16xf32>
          %swap3A_555 = arith.index_cast %add3A_368 : i32 to index
          %swap3A_556 = arith.constant 64 : index
          %swap3A_557 = tpu.vector_load %arg13[%swap3A_555, %swap3A_556] {strides = array<i32>} : memref<40x144xf32, #tpu.memory_space<vmem>>, vector<16xf32>,
          tpu.vector_store %arg13[%swap3A_555, %swap3A_556], %mul3A_554 {strides = array<i32>} : memref<40x144xf32, #tpu.memory_space<vmem>>, vector<16xf32>,
          %mul3A_558 = arith.mulf %get3A_386, %exp3A_527 : vector<16xf32>
          %swap3A_559 = arith.index_cast %add3A_368 : i32 to index
          %swap3A_560 = arith.constant 80 : index
          %swap3A_561 = tpu.vector_load %arg13[%swap3A_559, %swap3A_560] {strides = array<i32>} : memref<40x144xf32, #tpu.memory_space<vmem>>, vector<16xf32>,
          tpu.vector_store %arg13[%swap3A_559, %swap3A_560], %mul3A_558 {strides = array<i32>} : memref<40x144xf32, #tpu.memory_space<vmem>>, vector<16xf32>,
          %mul3A_562 = arith.mulf %get3A_389, %exp3A_536 : vector<16xf32>
          %swap3A_563 = arith.index_cast %add3A_368 : i32 to index
          %swap3A_564 = arith.constant 96 : index
          %swap3A_565 = tpu.vector_load %arg13[%swap3A_563, %swap3A_564] {strides = array<i32>} : memref<40x144xf32, #tpu.memory_space<vmem>>, vector<16xf32>,
          tpu.vector_store %arg13[%swap3A_563, %swap3A_564], %mul3A_562 {strides = array<i32>} : memref<40x144xf32, #tpu.memory_space<vmem>>, vector<16xf32>,
          %mul3A_566 = arith.mulf %get3A_392, %exp3A_536 : vector<16xf32>
          %swap3A_567 = arith.index_cast %add3A_368 : i32 to index
          %swap3A_568 = arith.constant 112 : index
          %swap3A_569 = tpu.vector_load %arg13[%swap3A_567, %swap3A_568] {strides = array<i32>} : memref<40x144xf32, #tpu.memory_space<vmem>>, vector<16xf32>,
          tpu.vector_store %arg13[%swap3A_567, %swap3A_568], %mul3A_566 {strides = array<i32>} : memref<40x144xf32, #tpu.memory_space<vmem>>, vector<16xf32>,
          %swap3A_570 = arith.index_cast %add3A_368 : i32 to index
          %swap3A_571 = arith.constant 128 : index
          %swap3A_572 = tpu.vector_load %arg13[%swap3A_570, %swap3A_571] {strides = array<i32>} : memref<40x144xf32, #tpu.memory_space<vmem>>, vector<16xf32>,
          tpu.vector_store %arg13[%swap3A_570, %swap3A_571], %add3A_538 {strides = array<i32>} : memref<40x144xf32, #tpu.memory_space<vmem>>, vector<16xf32>,
        }
        %scan3A_363 = arith.constant 40 : i32
        "tpu.region"() ({
          %run_scoped3A = tpu.sem_alloc : memref<!tpu.dma_semaphore, #tpu.memory_space<semaphore_mem>>
          %dma_start3A_364 = arith.constant 0 : i32
          %dma_start3A_365 = tpu.memref_slice %arg8[%add3A_358, %dma_start3A_364] : memref<10x40xi32, #tpu.memory_space<vmem>> -> memref<1x40xi32, #tpu.memory_space<vmem>>
          %dma_start3A_366 = tpu.memref_squeeze %dma_start3A_365 : memref<1x40xi32, #tpu.memory_space<vmem>> -> memref<40xi32, #tpu.memory_space<vmem>>
          %dma_start3A_367 = arith.constant 0 : i32
          %dma_start3A_368 = arith.constant 0 : i32
          %dma_start3A_369 = tpu.memref_slice %arg15[%dma_start3A_367, %dma_start3A_368] : memref<10000x144xf32, #tpu.memory_space<vmem_shared>> -> memref<10000x144xf32, #tpu.memory_space<vmem_shared>>
          tpu.enqueue_indirect_dma source(%arg13 : memref<40x144xf32, #tpu.memory_space<vmem>>) target(%dma_start3A_369 : memref<10000x144xf32, #tpu.memory_space<vmem_shared>>) offsets(%dma_start3A_366 : memref<40xi32, #tpu.memory_space<vmem>>) semaphore(%run_scoped3A : memref<!tpu.dma_semaphore, #tpu.memory_space<semaphore_mem>>) {add = true}
          %dma_wait3A_370 = arith.constant 0 : i32
          %dma_wait3A_371 = tpu.memref_slice %arg8[%add3A_358, %dma_wait3A_370] : memref<10x40xi32, #tpu.memory_space<vmem>> -> memref<1x40xi32, #tpu.memory_space<vmem>>
          %dma_wait3A_372 = tpu.memref_squeeze %dma_wait3A_371 : memref<1x40xi32, #tpu.memory_space<vmem>> -> memref<40xi32, #tpu.memory_space<vmem>>
          %dma_wait3A_373 = arith.constant 0 : i32
          %dma_wait3A_374 = arith.constant 0 : i32
          %dma_wait3A_375 = tpu.memref_slice %arg15[%dma_wait3A_373, %dma_wait3A_374] : memref<10000x144xf32, #tpu.memory_space<vmem_shared>> -> memref<10000x144xf32, #tpu.memory_space<vmem_shared>>
          tpu.wait_indirect_dma semaphore(%run_scoped3A : memref<!tpu.dma_semaphore, #tpu.memory_space<semaphore_mem>>) src(%arg13 : memref<40x144xf32, #tpu.memory_space<vmem>>) dst(%dma_wait3A_375 : memref<10000x144xf32, #tpu.memory_space<vmem_shared>>)
          tpu.yield
        }) : () -> ()
      }
      %scan3A_294 = arith.constant 5 : i32
    }
    %scan3A_153 = arith.constant 25 : i32
    %barrier3A_154 = arith.constant 0 : index
    tpu.barrier barrier_id(%barrier3A_154)
    %add3A_155 = arith.constant 0 : i32
    %add3A_156 = arith.addi %arg1, %add3A_155 : i32
    %lt3A_157 = arith.constant 250 : i32
    %lt3A_158 = arith.cmpi slt, %add3A_156, %lt3A_157 : i32
    %convert_element_type3A_159 = arith.extui %lt3A_158 : i1 to i32
    %cond3A_160 = arith.constant 0 : i32
    %cond3A_161 = arith.cmpi ne, %convert_element_type3A_159, %cond3A_160 : i32
    scf.if %cond3A_161 {
      %mul3A_267 = arith.constant 40 : i32
      %mul3A_268 = arith.muli %add3A_156, %mul3A_267 : i32
      "tpu.region"() ({
        %run_scoped3A = tpu.sem_alloc : memref<!tpu.dma_semaphore, #tpu.memory_space<semaphore_mem>>
        %dma_start3A = arith.constant 0 : i32
        %dma_start3A_271 = arith.constant 0 : i32
        %dma_start3A_272 = tpu.memref_slice %arg13[%dma_start3A, %dma_start3A_271] : memref<40x144xf32, #tpu.memory_space<vmem>> -> memref<40x144xf32, #tpu.memory_space<vmem>>
        %dma_start3A_273 = arith.constant 0 : i32
        %dma_start3A_274 = tpu.memref_slice %arg15[%mul3A_268, %dma_start3A_273] : memref<10000x144xf32, #tpu.memory_space<vmem_shared>> -> memref<40x144xf32, #tpu.memory_space<vmem_shared>>
        %dma_start3A_275 = arith.constant 0 : i32
        %dma_start3A_276 = arith.constant 0 : i32
        %dma_start3A_277 = tpu.memref_slice %arg13[%dma_start3A_275, %dma_start3A_276] : memref<40x144xf32, #tpu.memory_space<vmem>> -> memref<40x144xf32, #tpu.memory_space<vmem>>
        %dma_start3A_278 = arith.constant 0 : i32
        %dma_start3A_279 = tpu.memref_slice %arg15[%mul3A_268, %dma_start3A_278] : memref<10000x144xf32, #tpu.memory_space<vmem_shared>> -> memref<40x144xf32, #tpu.memory_space<vmem_shared>>
        tpu.enqueue_dma source(%dma_start3A_279 : memref<40x144xf32, #tpu.memory_space<vmem_shared>>) target(%dma_start3A_277 : memref<40x144xf32, #tpu.memory_space<vmem>>) target_semaphore(%run_scoped3A : memref<!tpu.dma_semaphore, #tpu.memory_space<semaphore_mem>>)
        %dma_wait3A = arith.constant 0 : i32
        %dma_wait3A_280 = arith.constant 0 : i32
        %dma_wait3A_281 = tpu.memref_slice %arg13[%dma_wait3A, %dma_wait3A_280] : memref<40x144xf32, #tpu.memory_space<vmem>> -> memref<40x144xf32, #tpu.memory_space<vmem>>
        %dma_wait3A_282 = arith.constant 0 : i32
        %dma_wait3A_283 = tpu.memref_slice %arg15[%mul3A_268, %dma_wait3A_282] : memref<10000x144xf32, #tpu.memory_space<vmem_shared>> -> memref<40x144xf32, #tpu.memory_space<vmem_shared>>
        %dma_wait3A_284 = arith.constant 0 : i32
        %dma_wait3A_285 = arith.constant 0 : i32
        %dma_wait3A_286 = tpu.memref_slice %arg13[%dma_wait3A_284, %dma_wait3A_285] : memref<40x144xf32, #tpu.memory_space<vmem>> -> memref<40x144xf32, #tpu.memory_space<vmem>>
        %dma_wait3A_287 = arith.constant 0 : i32
        %dma_wait3A_288 = tpu.memref_slice %arg15[%mul3A_268, %dma_wait3A_287] : memref<10000x144xf32, #tpu.memory_space<vmem_shared>> -> memref<40x144xf32, #tpu.memory_space<vmem_shared>>
        tpu.wait_dma2 semaphore(%run_scoped3A : memref<!tpu.dma_semaphore, #tpu.memory_space<semaphore_mem>>) src(%dma_wait3A_288 : memref<40x144xf32, #tpu.memory_space<vmem_shared>>) dst(%dma_wait3A_286 : memref<40x144xf32, #tpu.memory_space<vmem>>)
        tpu.yield
      }) : () -> ()
      %mul3A_269 = arith.constant 40 : i32
      %mul3A_270 = arith.muli %add3A_156, %mul3A_269 : i32
      "tpu.region"() ({
        %run_scoped3A = tpu.sem_alloc : memref<!tpu.dma_semaphore, #tpu.memory_space<semaphore_mem>>
        %dma_start3A = arith.constant 0 : i32
        %dma_start3A_271 = arith.constant 0 : i32
        %dma_start3A_272 = tpu.memref_slice %arg13[%dma_start3A, %dma_start3A_271] : memref<40x144xf32, #tpu.memory_space<vmem>> -> memref<40x144xf32, #tpu.memory_space<vmem>>
        %dma_start3A_273 = arith.constant 0 : i32
        %dma_start3A_274 = tpu.memref_slice %arg6[%arg0, %mul3A_270, %dma_start3A_273] : memref<2x10000x144xf32, #tpu.memory_space<hbm>> -> memref<1x40x144xf32, #tpu.memory_space<hbm>>
        %dma_start3A_275 = tpu.memref_squeeze %dma_start3A_274 : memref<1x40x144xf32, #tpu.memory_space<hbm>> -> memref<40x144xf32, #tpu.memory_space<hbm>>
        %dma_start3A_276 = arith.constant 0 : i32
        %dma_start3A_277 = tpu.memref_slice %arg6[%arg0, %mul3A_270, %dma_start3A_276] : memref<2x10000x144xf32, #tpu.memory_space<hbm>> -> memref<1x40x144xf32, #tpu.memory_space<hbm>>
        %dma_start3A_278 = tpu.memref_squeeze %dma_start3A_277 : memref<1x40x144xf32, #tpu.memory_space<hbm>> -> memref<40x144xf32, #tpu.memory_space<hbm>>
        %dma_start3A_279 = arith.constant 0 : i32
        %dma_start3A_280 = arith.constant 0 : i32
        %dma_start3A_281 = tpu.memref_slice %arg13[%dma_start3A_279, %dma_start3A_280] : memref<40x144xf32, #tpu.memory_space<vmem>> -> memref<40x144xf32, #tpu.memory_space<vmem>>
        tpu.enqueue_dma source(%dma_start3A_281 : memref<40x144xf32, #tpu.memory_space<vmem>>) target(%dma_start3A_278 : memref<40x144xf32, #tpu.memory_space<hbm>>) target_semaphore(%run_scoped3A : memref<!tpu.dma_semaphore, #tpu.memory_space<semaphore_mem>>)
        %dma_wait3A = arith.constant 0 : i32
        %dma_wait3A_282 = arith.constant 0 : i32
        %dma_wait3A_283 = tpu.memref_slice %arg13[%dma_wait3A, %dma_wait3A_282] : memref<40x144xf32, #tpu.memory_space<vmem>> -> memref<40x144xf32, #tpu.memory_space<vmem>>
        %dma_wait3A_284 = arith.constant 0 : i32
        %dma_wait3A_285 = tpu.memref_slice %arg6[%arg0, %mul3A_270, %dma_wait3A_284] : memref<2x10000x144xf32, #tpu.memory_space<hbm>> -> memref<1x40x144xf32, #tpu.memory_space<hbm>>
        %dma_wait3A_286 = tpu.memref_squeeze %dma_wait3A_285 : memref<1x40x144xf32, #tpu.memory_space<hbm>> -> memref<40x144xf32, #tpu.memory_space<hbm>>
        %dma_wait3A_287 = arith.constant 0 : i32
        %dma_wait3A_288 = tpu.memref_slice %arg6[%arg0, %mul3A_270, %dma_wait3A_287] : memref<2x10000x144xf32, #tpu.memory_space<hbm>> -> memref<1x40x144xf32, #tpu.memory_space<hbm>>
        %dma_wait3A_289 = tpu.memref_squeeze %dma_wait3A_288 : memref<1x40x144xf32, #tpu.memory_space<hbm>> -> memref<40x144xf32, #tpu.memory_space<hbm>>
        %dma_wait3A_290 = arith.constant 0 : i32
        %dma_wait3A_291 = arith.constant 0 : i32
        %dma_wait3A_292 = tpu.memref_slice %arg13[%dma_wait3A_290, %dma_wait3A_291] : memref<40x144xf32, #tpu.memory_space<vmem>> -> memref<40x144xf32, #tpu.memory_space<vmem>>
        tpu.wait_dma2 semaphore(%run_scoped3A : memref<!tpu.dma_semaphore, #tpu.memory_space<semaphore_mem>>) src(%dma_wait3A_292 : memref<40x144xf32, #tpu.memory_space<vmem>>) dst(%dma_wait3A_289 : memref<40x144xf32, #tpu.memory_space<hbm>>)
        tpu.yield
      }) : () -> ()
    } else {
    }
    %add3A_162 = arith.constant 16 : i32
    %add3A_163 = arith.addi %arg1, %add3A_162 : i32
    %lt3A_164 = arith.constant 250 : i32
    %lt3A_165 = arith.cmpi slt, %add3A_163, %lt3A_164 : i32
    %convert_element_type3A_166 = arith.extui %lt3A_165 : i1 to i32
    %cond3A_167 = arith.constant 0 : i32
    %cond3A_168 = arith.cmpi ne, %convert_element_type3A_166, %cond3A_167 : i32
    scf.if %cond3A_168 {
      %mul3A_267 = arith.constant 40 : i32
      %mul3A_268 = arith.muli %add3A_163, %mul3A_267 : i32
      "tpu.region"() ({
        %run_scoped3A = tpu.sem_alloc : memref<!tpu.dma_semaphore, #tpu.memory_space<semaphore_mem>>
        %dma_start3A = arith.constant 0 : i32
        %dma_start3A_271 = arith.constant 0 : i32
        %dma_start3A_272 = tpu.memref_slice %arg13[%dma_start3A, %dma_start3A_271] : memref<40x144xf32, #tpu.memory_space<vmem>> -> memref<40x144xf32, #tpu.memory_space<vmem>>
        %dma_start3A_273 = arith.constant 0 : i32
        %dma_start3A_274 = tpu.memref_slice %arg15[%mul3A_268, %dma_start3A_273] : memref<10000x144xf32, #tpu.memory_space<vmem_shared>> -> memref<40x144xf32, #tpu.memory_space<vmem_shared>>
        %dma_start3A_275 = arith.constant 0 : i32
        %dma_start3A_276 = arith.constant 0 : i32
        %dma_start3A_277 = tpu.memref_slice %arg13[%dma_start3A_275, %dma_start3A_276] : memref<40x144xf32, #tpu.memory_space<vmem>> -> memref<40x144xf32, #tpu.memory_space<vmem>>
        %dma_start3A_278 = arith.constant 0 : i32
        %dma_start3A_279 = tpu.memref_slice %arg15[%mul3A_268, %dma_start3A_278] : memref<10000x144xf32, #tpu.memory_space<vmem_shared>> -> memref<40x144xf32, #tpu.memory_space<vmem_shared>>
        tpu.enqueue_dma source(%dma_start3A_279 : memref<40x144xf32, #tpu.memory_space<vmem_shared>>) target(%dma_start3A_277 : memref<40x144xf32, #tpu.memory_space<vmem>>) target_semaphore(%run_scoped3A : memref<!tpu.dma_semaphore, #tpu.memory_space<semaphore_mem>>)
        %dma_wait3A = arith.constant 0 : i32
        %dma_wait3A_280 = arith.constant 0 : i32
        %dma_wait3A_281 = tpu.memref_slice %arg13[%dma_wait3A, %dma_wait3A_280] : memref<40x144xf32, #tpu.memory_space<vmem>> -> memref<40x144xf32, #tpu.memory_space<vmem>>
        %dma_wait3A_282 = arith.constant 0 : i32
        %dma_wait3A_283 = tpu.memref_slice %arg15[%mul3A_268, %dma_wait3A_282] : memref<10000x144xf32, #tpu.memory_space<vmem_shared>> -> memref<40x144xf32, #tpu.memory_space<vmem_shared>>
        %dma_wait3A_284 = arith.constant 0 : i32
        %dma_wait3A_285 = arith.constant 0 : i32
        %dma_wait3A_286 = tpu.memref_slice %arg13[%dma_wait3A_284, %dma_wait3A_285] : memref<40x144xf32, #tpu.memory_space<vmem>> -> memref<40x144xf32, #tpu.memory_space<vmem>>
        %dma_wait3A_287 = arith.constant 0 : i32
        %dma_wait3A_288 = tpu.memref_slice %arg15[%mul3A_268, %dma_wait3A_287] : memref<10000x144xf32, #tpu.memory_space<vmem_shared>> -> memref<40x144xf32, #tpu.memory_space<vmem_shared>>
        tpu.wait_dma2 semaphore(%run_scoped3A : memref<!tpu.dma_semaphore, #tpu.memory_space<semaphore_mem>>) src(%dma_wait3A_288 : memref<40x144xf32, #tpu.memory_space<vmem_shared>>) dst(%dma_wait3A_286 : memref<40x144xf32, #tpu.memory_space<vmem>>)
        tpu.yield
      }) : () -> ()
      %mul3A_269 = arith.constant 40 : i32
      %mul3A_270 = arith.muli %add3A_163, %mul3A_269 : i32
      "tpu.region"() ({
        %run_scoped3A = tpu.sem_alloc : memref<!tpu.dma_semaphore, #tpu.memory_space<semaphore_mem>>
        %dma_start3A = arith.constant 0 : i32
        %dma_start3A_271 = arith.constant 0 : i32
        %dma_start3A_272 = tpu.memref_slice %arg13[%dma_start3A, %dma_start3A_271] : memref<40x144xf32, #tpu.memory_space<vmem>> -> memref<40x144xf32, #tpu.memory_space<vmem>>
        %dma_start3A_273 = arith.constant 0 : i32
        %dma_start3A_274 = tpu.memref_slice %arg6[%arg0, %mul3A_270, %dma_start3A_273] : memref<2x10000x144xf32, #tpu.memory_space<hbm>> -> memref<1x40x144xf32, #tpu.memory_space<hbm>>
        %dma_start3A_275 = tpu.memref_squeeze %dma_start3A_274 : memref<1x40x144xf32, #tpu.memory_space<hbm>> -> memref<40x144xf32, #tpu.memory_space<hbm>>
        %dma_start3A_276 = arith.constant 0 : i32
        %dma_start3A_277 = tpu.memref_slice %arg6[%arg0, %mul3A_270, %dma_start3A_276] : memref<2x10000x144xf32, #tpu.memory_space<hbm>> -> memref<1x40x144xf32, #tpu.memory_space<hbm>>
        %dma_start3A_278 = tpu.memref_squeeze %dma_start3A_277 : memref<1x40x144xf32, #tpu.memory_space<hbm>> -> memref<40x144xf32, #tpu.memory_space<hbm>>
        %dma_start3A_279 = arith.constant 0 : i32
        %dma_start3A_280 = arith.constant 0 : i32
        %dma_start3A_281 = tpu.memref_slice %arg13[%dma_start3A_279, %dma_start3A_280] : memref<40x144xf32, #tpu.memory_space<vmem>> -> memref<40x144xf32, #tpu.memory_space<vmem>>
        tpu.enqueue_dma source(%dma_start3A_281 : memref<40x144xf32, #tpu.memory_space<vmem>>) target(%dma_start3A_278 : memref<40x144xf32, #tpu.memory_space<hbm>>) target_semaphore(%run_scoped3A : memref<!tpu.dma_semaphore, #tpu.memory_space<semaphore_mem>>)
        %dma_wait3A = arith.constant 0 : i32
        %dma_wait3A_282 = arith.constant 0 : i32
        %dma_wait3A_283 = tpu.memref_slice %arg13[%dma_wait3A, %dma_wait3A_282] : memref<40x144xf32, #tpu.memory_space<vmem>> -> memref<40x144xf32, #tpu.memory_space<vmem>>
        %dma_wait3A_284 = arith.constant 0 : i32
        %dma_wait3A_285 = tpu.memref_slice %arg6[%arg0, %mul3A_270, %dma_wait3A_284] : memref<2x10000x144xf32, #tpu.memory_space<hbm>> -> memref<1x40x144xf32, #tpu.memory_space<hbm>>
        %dma_wait3A_286 = tpu.memref_squeeze %dma_wait3A_285 : memref<1x40x144xf32, #tpu.memory_space<hbm>> -> memref<40x144xf32, #tpu.memory_space<hbm>>
        %dma_wait3A_287 = arith.constant 0 : i32
        %dma_wait3A_288 = tpu.memref_slice %arg6[%arg0, %mul3A_270, %dma_wait3A_287] : memref<2x10000x144xf32, #tpu.memory_space<hbm>> -> memref<1x40x144xf32, #tpu.memory_space<hbm>>
        %dma_wait3A_289 = tpu.memref_squeeze %dma_wait3A_288 : memref<1x40x144xf32, #tpu.memory_space<hbm>> -> memref<40x144xf32, #tpu.memory_space<hbm>>
        %dma_wait3A_290 = arith.constant 0 : i32
        %dma_wait3A_291 = arith.constant 0 : i32
        %dma_wait3A_292 = tpu.memref_slice %arg13[%dma_wait3A_290, %dma_wait3A_291] : memref<40x144xf32, #tpu.memory_space<vmem>> -> memref<40x144xf32, #tpu.memory_space<vmem>>
        tpu.wait_dma2 semaphore(%run_scoped3A : memref<!tpu.dma_semaphore, #tpu.memory_space<semaphore_mem>>) src(%dma_wait3A_292 : memref<40x144xf32, #tpu.memory_space<vmem>>) dst(%dma_wait3A_289 : memref<40x144xf32, #tpu.memory_space<hbm>>)
        tpu.yield
      }) : () -> ()
    } else {
    }
    %add3A_169 = arith.constant 32 : i32
    %add3A_170 = arith.addi %arg1, %add3A_169 : i32
    %lt3A_171 = arith.constant 250 : i32
    %lt3A_172 = arith.cmpi slt, %add3A_170, %lt3A_171 : i32
    %convert_element_type3A_173 = arith.extui %lt3A_172 : i1 to i32
    %cond3A_174 = arith.constant 0 : i32
    %cond3A_175 = arith.cmpi ne, %convert_element_type3A_173, %cond3A_174 : i32
    scf.if %cond3A_175 {
      %mul3A_267 = arith.constant 40 : i32
      %mul3A_268 = arith.muli %add3A_170, %mul3A_267 : i32
      "tpu.region"() ({
        %run_scoped3A = tpu.sem_alloc : memref<!tpu.dma_semaphore, #tpu.memory_space<semaphore_mem>>
        %dma_start3A = arith.constant 0 : i32
        %dma_start3A_271 = arith.constant 0 : i32
        %dma_start3A_272 = tpu.memref_slice %arg13[%dma_start3A, %dma_start3A_271] : memref<40x144xf32, #tpu.memory_space<vmem>> -> memref<40x144xf32, #tpu.memory_space<vmem>>
        %dma_start3A_273 = arith.constant 0 : i32
        %dma_start3A_274 = tpu.memref_slice %arg15[%mul3A_268, %dma_start3A_273] : memref<10000x144xf32, #tpu.memory_space<vmem_shared>> -> memref<40x144xf32, #tpu.memory_space<vmem_shared>>
        %dma_start3A_275 = arith.constant 0 : i32
        %dma_start3A_276 = arith.constant 0 : i32
        %dma_start3A_277 = tpu.memref_slice %arg13[%dma_start3A_275, %dma_start3A_276] : memref<40x144xf32, #tpu.memory_space<vmem>> -> memref<40x144xf32, #tpu.memory_space<vmem>>
        %dma_start3A_278 = arith.constant 0 : i32
        %dma_start3A_279 = tpu.memref_slice %arg15[%mul3A_268, %dma_start3A_278] : memref<10000x144xf32, #tpu.memory_space<vmem_shared>> -> memref<40x144xf32, #tpu.memory_space<vmem_shared>>
        tpu.enqueue_dma source(%dma_start3A_279 : memref<40x144xf32, #tpu.memory_space<vmem_shared>>) target(%dma_start3A_277 : memref<40x144xf32, #tpu.memory_space<vmem>>) target_semaphore(%run_scoped3A : memref<!tpu.dma_semaphore, #tpu.memory_space<semaphore_mem>>)
        %dma_wait3A = arith.constant 0 : i32
        %dma_wait3A_280 = arith.constant 0 : i32
        %dma_wait3A_281 = tpu.memref_slice %arg13[%dma_wait3A, %dma_wait3A_280] : memref<40x144xf32, #tpu.memory_space<vmem>> -> memref<40x144xf32, #tpu.memory_space<vmem>>
        %dma_wait3A_282 = arith.constant 0 : i32
        %dma_wait3A_283 = tpu.memref_slice %arg15[%mul3A_268, %dma_wait3A_282] : memref<10000x144xf32, #tpu.memory_space<vmem_shared>> -> memref<40x144xf32, #tpu.memory_space<vmem_shared>>
        %dma_wait3A_284 = arith.constant 0 : i32
        %dma_wait3A_285 = arith.constant 0 : i32
        %dma_wait3A_286 = tpu.memref_slice %arg13[%dma_wait3A_284, %dma_wait3A_285] : memref<40x144xf32, #tpu.memory_space<vmem>> -> memref<40x144xf32, #tpu.memory_space<vmem>>
        %dma_wait3A_287 = arith.constant 0 : i32
        %dma_wait3A_288 = tpu.memref_slice %arg15[%mul3A_268, %dma_wait3A_287] : memref<10000x144xf32, #tpu.memory_space<vmem_shared>> -> memref<40x144xf32, #tpu.memory_space<vmem_shared>>
        tpu.wait_dma2 semaphore(%run_scoped3A : memref<!tpu.dma_semaphore, #tpu.memory_space<semaphore_mem>>) src(%dma_wait3A_288 : memref<40x144xf32, #tpu.memory_space<vmem_shared>>) dst(%dma_wait3A_286 : memref<40x144xf32, #tpu.memory_space<vmem>>)
        tpu.yield
      }) : () -> ()
      %mul3A_269 = arith.constant 40 : i32
      %mul3A_270 = arith.muli %add3A_170, %mul3A_269 : i32
      "tpu.region"() ({
        %run_scoped3A = tpu.sem_alloc : memref<!tpu.dma_semaphore, #tpu.memory_space<semaphore_mem>>
        %dma_start3A = arith.constant 0 : i32
        %dma_start3A_271 = arith.constant 0 : i32
        %dma_start3A_272 = tpu.memref_slice %arg13[%dma_start3A, %dma_start3A_271] : memref<40x144xf32, #tpu.memory_space<vmem>> -> memref<40x144xf32, #tpu.memory_space<vmem>>
        %dma_start3A_273 = arith.constant 0 : i32
        %dma_start3A_274 = tpu.memref_slice %arg6[%arg0, %mul3A_270, %dma_start3A_273] : memref<2x10000x144xf32, #tpu.memory_space<hbm>> -> memref<1x40x144xf32, #tpu.memory_space<hbm>>
        %dma_start3A_275 = tpu.memref_squeeze %dma_start3A_274 : memref<1x40x144xf32, #tpu.memory_space<hbm>> -> memref<40x144xf32, #tpu.memory_space<hbm>>
        %dma_start3A_276 = arith.constant 0 : i32
        %dma_start3A_277 = tpu.memref_slice %arg6[%arg0, %mul3A_270, %dma_start3A_276] : memref<2x10000x144xf32, #tpu.memory_space<hbm>> -> memref<1x40x144xf32, #tpu.memory_space<hbm>>
        %dma_start3A_278 = tpu.memref_squeeze %dma_start3A_277 : memref<1x40x144xf32, #tpu.memory_space<hbm>> -> memref<40x144xf32, #tpu.memory_space<hbm>>
        %dma_start3A_279 = arith.constant 0 : i32
        %dma_start3A_280 = arith.constant 0 : i32
        %dma_start3A_281 = tpu.memref_slice %arg13[%dma_start3A_279, %dma_start3A_280] : memref<40x144xf32, #tpu.memory_space<vmem>> -> memref<40x144xf32, #tpu.memory_space<vmem>>
        tpu.enqueue_dma source(%dma_start3A_281 : memref<40x144xf32, #tpu.memory_space<vmem>>) target(%dma_start3A_278 : memref<40x144xf32, #tpu.memory_space<hbm>>) target_semaphore(%run_scoped3A : memref<!tpu.dma_semaphore, #tpu.memory_space<semaphore_mem>>)
        %dma_wait3A = arith.constant 0 : i32
        %dma_wait3A_282 = arith.constant 0 : i32
        %dma_wait3A_283 = tpu.memref_slice %arg13[%dma_wait3A, %dma_wait3A_282] : memref<40x144xf32, #tpu.memory_space<vmem>> -> memref<40x144xf32, #tpu.memory_space<vmem>>
        %dma_wait3A_284 = arith.constant 0 : i32
        %dma_wait3A_285 = tpu.memref_slice %arg6[%arg0, %mul3A_270, %dma_wait3A_284] : memref<2x10000x144xf32, #tpu.memory_space<hbm>> -> memref<1x40x144xf32, #tpu.memory_space<hbm>>
        %dma_wait3A_286 = tpu.memref_squeeze %dma_wait3A_285 : memref<1x40x144xf32, #tpu.memory_space<hbm>> -> memref<40x144xf32, #tpu.memory_space<hbm>>
        %dma_wait3A_287 = arith.constant 0 : i32
        %dma_wait3A_288 = tpu.memref_slice %arg6[%arg0, %mul3A_270, %dma_wait3A_287] : memref<2x10000x144xf32, #tpu.memory_space<hbm>> -> memref<1x40x144xf32, #tpu.memory_space<hbm>>
        %dma_wait3A_289 = tpu.memref_squeeze %dma_wait3A_288 : memref<1x40x144xf32, #tpu.memory_space<hbm>> -> memref<40x144xf32, #tpu.memory_space<hbm>>
        %dma_wait3A_290 = arith.constant 0 : i32
        %dma_wait3A_291 = arith.constant 0 : i32
        %dma_wait3A_292 = tpu.memref_slice %arg13[%dma_wait3A_290, %dma_wait3A_291] : memref<40x144xf32, #tpu.memory_space<vmem>> -> memref<40x144xf32, #tpu.memory_space<vmem>>
        tpu.wait_dma2 semaphore(%run_scoped3A : memref<!tpu.dma_semaphore, #tpu.memory_space<semaphore_mem>>) src(%dma_wait3A_292 : memref<40x144xf32, #tpu.memory_space<vmem>>) dst(%dma_wait3A_289 : memref<40x144xf32, #tpu.memory_space<hbm>>)
        tpu.yield
      }) : () -> ()
    } else {
    }
    %add3A_176 = arith.constant 48 : i32
    %add3A_177 = arith.addi %arg1, %add3A_176 : i32
    %lt3A_178 = arith.constant 250 : i32
    %lt3A_179 = arith.cmpi slt, %add3A_177, %lt3A_178 : i32
    %convert_element_type3A_180 = arith.extui %lt3A_179 : i1 to i32
    %cond3A_181 = arith.constant 0 : i32
    %cond3A_182 = arith.cmpi ne, %convert_element_type3A_180, %cond3A_181 : i32
    scf.if %cond3A_182 {
      %mul3A_267 = arith.constant 40 : i32
      %mul3A_268 = arith.muli %add3A_177, %mul3A_267 : i32
      "tpu.region"() ({
        %run_scoped3A = tpu.sem_alloc : memref<!tpu.dma_semaphore, #tpu.memory_space<semaphore_mem>>
        %dma_start3A = arith.constant 0 : i32
        %dma_start3A_271 = arith.constant 0 : i32
        %dma_start3A_272 = tpu.memref_slice %arg13[%dma_start3A, %dma_start3A_271] : memref<40x144xf32, #tpu.memory_space<vmem>> -> memref<40x144xf32, #tpu.memory_space<vmem>>
        %dma_start3A_273 = arith.constant 0 : i32
        %dma_start3A_274 = tpu.memref_slice %arg15[%mul3A_268, %dma_start3A_273] : memref<10000x144xf32, #tpu.memory_space<vmem_shared>> -> memref<40x144xf32, #tpu.memory_space<vmem_shared>>
        %dma_start3A_275 = arith.constant 0 : i32
        %dma_start3A_276 = arith.constant 0 : i32
        %dma_start3A_277 = tpu.memref_slice %arg13[%dma_start3A_275, %dma_start3A_276] : memref<40x144xf32, #tpu.memory_space<vmem>> -> memref<40x144xf32, #tpu.memory_space<vmem>>
        %dma_start3A_278 = arith.constant 0 : i32
        %dma_start3A_279 = tpu.memref_slice %arg15[%mul3A_268, %dma_start3A_278] : memref<10000x144xf32, #tpu.memory_space<vmem_shared>> -> memref<40x144xf32, #tpu.memory_space<vmem_shared>>
        tpu.enqueue_dma source(%dma_start3A_279 : memref<40x144xf32, #tpu.memory_space<vmem_shared>>) target(%dma_start3A_277 : memref<40x144xf32, #tpu.memory_space<vmem>>) target_semaphore(%run_scoped3A : memref<!tpu.dma_semaphore, #tpu.memory_space<semaphore_mem>>)
        %dma_wait3A = arith.constant 0 : i32
        %dma_wait3A_280 = arith.constant 0 : i32
        %dma_wait3A_281 = tpu.memref_slice %arg13[%dma_wait3A, %dma_wait3A_280] : memref<40x144xf32, #tpu.memory_space<vmem>> -> memref<40x144xf32, #tpu.memory_space<vmem>>
        %dma_wait3A_282 = arith.constant 0 : i32
        %dma_wait3A_283 = tpu.memref_slice %arg15[%mul3A_268, %dma_wait3A_282] : memref<10000x144xf32, #tpu.memory_space<vmem_shared>> -> memref<40x144xf32, #tpu.memory_space<vmem_shared>>
        %dma_wait3A_284 = arith.constant 0 : i32
        %dma_wait3A_285 = arith.constant 0 : i32
        %dma_wait3A_286 = tpu.memref_slice %arg13[%dma_wait3A_284, %dma_wait3A_285] : memref<40x144xf32, #tpu.memory_space<vmem>> -> memref<40x144xf32, #tpu.memory_space<vmem>>
        %dma_wait3A_287 = arith.constant 0 : i32
        %dma_wait3A_288 = tpu.memref_slice %arg15[%mul3A_268, %dma_wait3A_287] : memref<10000x144xf32, #tpu.memory_space<vmem_shared>> -> memref<40x144xf32, #tpu.memory_space<vmem_shared>>
        tpu.wait_dma2 semaphore(%run_scoped3A : memref<!tpu.dma_semaphore, #tpu.memory_space<semaphore_mem>>) src(%dma_wait3A_288 : memref<40x144xf32, #tpu.memory_space<vmem_shared>>) dst(%dma_wait3A_286 : memref<40x144xf32, #tpu.memory_space<vmem>>)
        tpu.yield
      }) : () -> ()
      %mul3A_269 = arith.constant 40 : i32
      %mul3A_270 = arith.muli %add3A_177, %mul3A_269 : i32
      "tpu.region"() ({
        %run_scoped3A = tpu.sem_alloc : memref<!tpu.dma_semaphore, #tpu.memory_space<semaphore_mem>>
        %dma_start3A = arith.constant 0 : i32
        %dma_start3A_271 = arith.constant 0 : i32
        %dma_start3A_272 = tpu.memref_slice %arg13[%dma_start3A, %dma_start3A_271] : memref<40x144xf32, #tpu.memory_space<vmem>> -> memref<40x144xf32, #tpu.memory_space<vmem>>
        %dma_start3A_273 = arith.constant 0 : i32
        %dma_start3A_274 = tpu.memref_slice %arg6[%arg0, %mul3A_270, %dma_start3A_273] : memref<2x10000x144xf32, #tpu.memory_space<hbm>> -> memref<1x40x144xf32, #tpu.memory_space<hbm>>
        %dma_start3A_275 = tpu.memref_squeeze %dma_start3A_274 : memref<1x40x144xf32, #tpu.memory_space<hbm>> -> memref<40x144xf32, #tpu.memory_space<hbm>>
        %dma_start3A_276 = arith.constant 0 : i32
        %dma_start3A_277 = tpu.memref_slice %arg6[%arg0, %mul3A_270, %dma_start3A_276] : memref<2x10000x144xf32, #tpu.memory_space<hbm>> -> memref<1x40x144xf32, #tpu.memory_space<hbm>>
        %dma_start3A_278 = tpu.memref_squeeze %dma_start3A_277 : memref<1x40x144xf32, #tpu.memory_space<hbm>> -> memref<40x144xf32, #tpu.memory_space<hbm>>
        %dma_start3A_279 = arith.constant 0 : i32
        %dma_start3A_280 = arith.constant 0 : i32
        %dma_start3A_281 = tpu.memref_slice %arg13[%dma_start3A_279, %dma_start3A_280] : memref<40x144xf32, #tpu.memory_space<vmem>> -> memref<40x144xf32, #tpu.memory_space<vmem>>
        tpu.enqueue_dma source(%dma_start3A_281 : memref<40x144xf32, #tpu.memory_space<vmem>>) target(%dma_start3A_278 : memref<40x144xf32, #tpu.memory_space<hbm>>) target_semaphore(%run_scoped3A : memref<!tpu.dma_semaphore, #tpu.memory_space<semaphore_mem>>)
        %dma_wait3A = arith.constant 0 : i32
        %dma_wait3A_282 = arith.constant 0 : i32
        %dma_wait3A_283 = tpu.memref_slice %arg13[%dma_wait3A, %dma_wait3A_282] : memref<40x144xf32, #tpu.memory_space<vmem>> -> memref<40x144xf32, #tpu.memory_space<vmem>>
        %dma_wait3A_284 = arith.constant 0 : i32
        %dma_wait3A_285 = tpu.memref_slice %arg6[%arg0, %mul3A_270, %dma_wait3A_284] : memref<2x10000x144xf32, #tpu.memory_space<hbm>> -> memref<1x40x144xf32, #tpu.memory_space<hbm>>
        %dma_wait3A_286 = tpu.memref_squeeze %dma_wait3A_285 : memref<1x40x144xf32, #tpu.memory_space<hbm>> -> memref<40x144xf32, #tpu.memory_space<hbm>>
        %dma_wait3A_287 = arith.constant 0 : i32
        %dma_wait3A_288 = tpu.memref_slice %arg6[%arg0, %mul3A_270, %dma_wait3A_287] : memref<2x10000x144xf32, #tpu.memory_space<hbm>> -> memref<1x40x144xf32, #tpu.memory_space<hbm>>
        %dma_wait3A_289 = tpu.memref_squeeze %dma_wait3A_288 : memref<1x40x144xf32, #tpu.memory_space<hbm>> -> memref<40x144xf32, #tpu.memory_space<hbm>>
        %dma_wait3A_290 = arith.constant 0 : i32
        %dma_wait3A_291 = arith.constant 0 : i32
        %dma_wait3A_292 = tpu.memref_slice %arg13[%dma_wait3A_290, %dma_wait3A_291] : memref<40x144xf32, #tpu.memory_space<vmem>> -> memref<40x144xf32, #tpu.memory_space<vmem>>
        tpu.wait_dma2 semaphore(%run_scoped3A : memref<!tpu.dma_semaphore, #tpu.memory_space<semaphore_mem>>) src(%dma_wait3A_292 : memref<40x144xf32, #tpu.memory_space<vmem>>) dst(%dma_wait3A_289 : memref<40x144xf32, #tpu.memory_space<hbm>>)
        tpu.yield
      }) : () -> ()
    } else {
    }
    %add3A_183 = arith.constant 64 : i32
    %add3A_184 = arith.addi %arg1, %add3A_183 : i32
    %lt3A_185 = arith.constant 250 : i32
    %lt3A_186 = arith.cmpi slt, %add3A_184, %lt3A_185 : i32
    %convert_element_type3A_187 = arith.extui %lt3A_186 : i1 to i32
    %cond3A_188 = arith.constant 0 : i32
    %cond3A_189 = arith.cmpi ne, %convert_element_type3A_187, %cond3A_188 : i32
    scf.if %cond3A_189 {
      %mul3A_267 = arith.constant 40 : i32
      %mul3A_268 = arith.muli %add3A_184, %mul3A_267 : i32
      "tpu.region"() ({
        %run_scoped3A = tpu.sem_alloc : memref<!tpu.dma_semaphore, #tpu.memory_space<semaphore_mem>>
        %dma_start3A = arith.constant 0 : i32
        %dma_start3A_271 = arith.constant 0 : i32
        %dma_start3A_272 = tpu.memref_slice %arg13[%dma_start3A, %dma_start3A_271] : memref<40x144xf32, #tpu.memory_space<vmem>> -> memref<40x144xf32, #tpu.memory_space<vmem>>
        %dma_start3A_273 = arith.constant 0 : i32
        %dma_start3A_274 = tpu.memref_slice %arg15[%mul3A_268, %dma_start3A_273] : memref<10000x144xf32, #tpu.memory_space<vmem_shared>> -> memref<40x144xf32, #tpu.memory_space<vmem_shared>>
        %dma_start3A_275 = arith.constant 0 : i32
        %dma_start3A_276 = arith.constant 0 : i32
        %dma_start3A_277 = tpu.memref_slice %arg13[%dma_start3A_275, %dma_start3A_276] : memref<40x144xf32, #tpu.memory_space<vmem>> -> memref<40x144xf32, #tpu.memory_space<vmem>>
        %dma_start3A_278 = arith.constant 0 : i32
        %dma_start3A_279 = tpu.memref_slice %arg15[%mul3A_268, %dma_start3A_278] : memref<10000x144xf32, #tpu.memory_space<vmem_shared>> -> memref<40x144xf32, #tpu.memory_space<vmem_shared>>
        tpu.enqueue_dma source(%dma_start3A_279 : memref<40x144xf32, #tpu.memory_space<vmem_shared>>) target(%dma_start3A_277 : memref<40x144xf32, #tpu.memory_space<vmem>>) target_semaphore(%run_scoped3A : memref<!tpu.dma_semaphore, #tpu.memory_space<semaphore_mem>>)
        %dma_wait3A = arith.constant 0 : i32
        %dma_wait3A_280 = arith.constant 0 : i32
        %dma_wait3A_281 = tpu.memref_slice %arg13[%dma_wait3A, %dma_wait3A_280] : memref<40x144xf32, #tpu.memory_space<vmem>> -> memref<40x144xf32, #tpu.memory_space<vmem>>
        %dma_wait3A_282 = arith.constant 0 : i32
        %dma_wait3A_283 = tpu.memref_slice %arg15[%mul3A_268, %dma_wait3A_282] : memref<10000x144xf32, #tpu.memory_space<vmem_shared>> -> memref<40x144xf32, #tpu.memory_space<vmem_shared>>
        %dma_wait3A_284 = arith.constant 0 : i32
        %dma_wait3A_285 = arith.constant 0 : i32
        %dma_wait3A_286 = tpu.memref_slice %arg13[%dma_wait3A_284, %dma_wait3A_285] : memref<40x144xf32, #tpu.memory_space<vmem>> -> memref<40x144xf32, #tpu.memory_space<vmem>>
        %dma_wait3A_287 = arith.constant 0 : i32
        %dma_wait3A_288 = tpu.memref_slice %arg15[%mul3A_268, %dma_wait3A_287] : memref<10000x144xf32, #tpu.memory_space<vmem_shared>> -> memref<40x144xf32, #tpu.memory_space<vmem_shared>>
        tpu.wait_dma2 semaphore(%run_scoped3A : memref<!tpu.dma_semaphore, #tpu.memory_space<semaphore_mem>>) src(%dma_wait3A_288 : memref<40x144xf32, #tpu.memory_space<vmem_shared>>) dst(%dma_wait3A_286 : memref<40x144xf32, #tpu.memory_space<vmem>>)
        tpu.yield
      }) : () -> ()
      %mul3A_269 = arith.constant 40 : i32
      %mul3A_270 = arith.muli %add3A_184, %mul3A_269 : i32
      "tpu.region"() ({
        %run_scoped3A = tpu.sem_alloc : memref<!tpu.dma_semaphore, #tpu.memory_space<semaphore_mem>>
        %dma_start3A = arith.constant 0 : i32
        %dma_start3A_271 = arith.constant 0 : i32
        %dma_start3A_272 = tpu.memref_slice %arg13[%dma_start3A, %dma_start3A_271] : memref<40x144xf32, #tpu.memory_space<vmem>> -> memref<40x144xf32, #tpu.memory_space<vmem>>
        %dma_start3A_273 = arith.constant 0 : i32
        %dma_start3A_274 = tpu.memref_slice %arg6[%arg0, %mul3A_270, %dma_start3A_273] : memref<2x10000x144xf32, #tpu.memory_space<hbm>> -> memref<1x40x144xf32, #tpu.memory_space<hbm>>
        %dma_start3A_275 = tpu.memref_squeeze %dma_start3A_274 : memref<1x40x144xf32, #tpu.memory_space<hbm>> -> memref<40x144xf32, #tpu.memory_space<hbm>>
        %dma_start3A_276 = arith.constant 0 : i32
        %dma_start3A_277 = tpu.memref_slice %arg6[%arg0, %mul3A_270, %dma_start3A_276] : memref<2x10000x144xf32, #tpu.memory_space<hbm>> -> memref<1x40x144xf32, #tpu.memory_space<hbm>>
        %dma_start3A_278 = tpu.memref_squeeze %dma_start3A_277 : memref<1x40x144xf32, #tpu.memory_space<hbm>> -> memref<40x144xf32, #tpu.memory_space<hbm>>
        %dma_start3A_279 = arith.constant 0 : i32
        %dma_start3A_280 = arith.constant 0 : i32
        %dma_start3A_281 = tpu.memref_slice %arg13[%dma_start3A_279, %dma_start3A_280] : memref<40x144xf32, #tpu.memory_space<vmem>> -> memref<40x144xf32, #tpu.memory_space<vmem>>
        tpu.enqueue_dma source(%dma_start3A_281 : memref<40x144xf32, #tpu.memory_space<vmem>>) target(%dma_start3A_278 : memref<40x144xf32, #tpu.memory_space<hbm>>) target_semaphore(%run_scoped3A : memref<!tpu.dma_semaphore, #tpu.memory_space<semaphore_mem>>)
        %dma_wait3A = arith.constant 0 : i32
        %dma_wait3A_282 = arith.constant 0 : i32
        %dma_wait3A_283 = tpu.memref_slice %arg13[%dma_wait3A, %dma_wait3A_282] : memref<40x144xf32, #tpu.memory_space<vmem>> -> memref<40x144xf32, #tpu.memory_space<vmem>>
        %dma_wait3A_284 = arith.constant 0 : i32
        %dma_wait3A_285 = tpu.memref_slice %arg6[%arg0, %mul3A_270, %dma_wait3A_284] : memref<2x10000x144xf32, #tpu.memory_space<hbm>> -> memref<1x40x144xf32, #tpu.memory_space<hbm>>
        %dma_wait3A_286 = tpu.memref_squeeze %dma_wait3A_285 : memref<1x40x144xf32, #tpu.memory_space<hbm>> -> memref<40x144xf32, #tpu.memory_space<hbm>>
        %dma_wait3A_287 = arith.constant 0 : i32
        %dma_wait3A_288 = tpu.memref_slice %arg6[%arg0, %mul3A_270, %dma_wait3A_287] : memref<2x10000x144xf32, #tpu.memory_space<hbm>> -> memref<1x40x144xf32, #tpu.memory_space<hbm>>
        %dma_wait3A_289 = tpu.memref_squeeze %dma_wait3A_288 : memref<1x40x144xf32, #tpu.memory_space<hbm>> -> memref<40x144xf32, #tpu.memory_space<hbm>>
        %dma_wait3A_290 = arith.constant 0 : i32
        %dma_wait3A_291 = arith.constant 0 : i32
        %dma_wait3A_292 = tpu.memref_slice %arg13[%dma_wait3A_290, %dma_wait3A_291] : memref<40x144xf32, #tpu.memory_space<vmem>> -> memref<40x144xf32, #tpu.memory_space<vmem>>
        tpu.wait_dma2 semaphore(%run_scoped3A : memref<!tpu.dma_semaphore, #tpu.memory_space<semaphore_mem>>) src(%dma_wait3A_292 : memref<40x144xf32, #tpu.memory_space<vmem>>) dst(%dma_wait3A_289 : memref<40x144xf32, #tpu.memory_space<hbm>>)
        tpu.yield
      }) : () -> ()
    } else {
    }
    %add3A_190 = arith.constant 80 : i32
    %add3A_191 = arith.addi %arg1, %add3A_190 : i32
    %lt3A_192 = arith.constant 250 : i32
    %lt3A_193 = arith.cmpi slt, %add3A_191, %lt3A_192 : i32
    %convert_element_type3A_194 = arith.extui %lt3A_193 : i1 to i32
    %cond3A_195 = arith.constant 0 : i32
    %cond3A_196 = arith.cmpi ne, %convert_element_type3A_194, %cond3A_195 : i32
    scf.if %cond3A_196 {
      %mul3A_267 = arith.constant 40 : i32
      %mul3A_268 = arith.muli %add3A_191, %mul3A_267 : i32
      "tpu.region"() ({
        %run_scoped3A = tpu.sem_alloc : memref<!tpu.dma_semaphore, #tpu.memory_space<semaphore_mem>>
        %dma_start3A = arith.constant 0 : i32
        %dma_start3A_271 = arith.constant 0 : i32
        %dma_start3A_272 = tpu.memref_slice %arg13[%dma_start3A, %dma_start3A_271] : memref<40x144xf32, #tpu.memory_space<vmem>> -> memref<40x144xf32, #tpu.memory_space<vmem>>
        %dma_start3A_273 = arith.constant 0 : i32
        %dma_start3A_274 = tpu.memref_slice %arg15[%mul3A_268, %dma_start3A_273] : memref<10000x144xf32, #tpu.memory_space<vmem_shared>> -> memref<40x144xf32, #tpu.memory_space<vmem_shared>>
        %dma_start3A_275 = arith.constant 0 : i32
        %dma_start3A_276 = arith.constant 0 : i32
        %dma_start3A_277 = tpu.memref_slice %arg13[%dma_start3A_275, %dma_start3A_276] : memref<40x144xf32, #tpu.memory_space<vmem>> -> memref<40x144xf32, #tpu.memory_space<vmem>>
        %dma_start3A_278 = arith.constant 0 : i32
        %dma_start3A_279 = tpu.memref_slice %arg15[%mul3A_268, %dma_start3A_278] : memref<10000x144xf32, #tpu.memory_space<vmem_shared>> -> memref<40x144xf32, #tpu.memory_space<vmem_shared>>
        tpu.enqueue_dma source(%dma_start3A_279 : memref<40x144xf32, #tpu.memory_space<vmem_shared>>) target(%dma_start3A_277 : memref<40x144xf32, #tpu.memory_space<vmem>>) target_semaphore(%run_scoped3A : memref<!tpu.dma_semaphore, #tpu.memory_space<semaphore_mem>>)
        %dma_wait3A = arith.constant 0 : i32
        %dma_wait3A_280 = arith.constant 0 : i32
        %dma_wait3A_281 = tpu.memref_slice %arg13[%dma_wait3A, %dma_wait3A_280] : memref<40x144xf32, #tpu.memory_space<vmem>> -> memref<40x144xf32, #tpu.memory_space<vmem>>
        %dma_wait3A_282 = arith.constant 0 : i32
        %dma_wait3A_283 = tpu.memref_slice %arg15[%mul3A_268, %dma_wait3A_282] : memref<10000x144xf32, #tpu.memory_space<vmem_shared>> -> memref<40x144xf32, #tpu.memory_space<vmem_shared>>
        %dma_wait3A_284 = arith.constant 0 : i32
        %dma_wait3A_285 = arith.constant 0 : i32
        %dma_wait3A_286 = tpu.memref_slice %arg13[%dma_wait3A_284, %dma_wait3A_285] : memref<40x144xf32, #tpu.memory_space<vmem>> -> memref<40x144xf32, #tpu.memory_space<vmem>>
        %dma_wait3A_287 = arith.constant 0 : i32
        %dma_wait3A_288 = tpu.memref_slice %arg15[%mul3A_268, %dma_wait3A_287] : memref<10000x144xf32, #tpu.memory_space<vmem_shared>> -> memref<40x144xf32, #tpu.memory_space<vmem_shared>>
        tpu.wait_dma2 semaphore(%run_scoped3A : memref<!tpu.dma_semaphore, #tpu.memory_space<semaphore_mem>>) src(%dma_wait3A_288 : memref<40x144xf32, #tpu.memory_space<vmem_shared>>) dst(%dma_wait3A_286 : memref<40x144xf32, #tpu.memory_space<vmem>>)
        tpu.yield
      }) : () -> ()
      %mul3A_269 = arith.constant 40 : i32
      %mul3A_270 = arith.muli %add3A_191, %mul3A_269 : i32
      "tpu.region"() ({
        %run_scoped3A = tpu.sem_alloc : memref<!tpu.dma_semaphore, #tpu.memory_space<semaphore_mem>>
        %dma_start3A = arith.constant 0 : i32
        %dma_start3A_271 = arith.constant 0 : i32
        %dma_start3A_272 = tpu.memref_slice %arg13[%dma_start3A, %dma_start3A_271] : memref<40x144xf32, #tpu.memory_space<vmem>> -> memref<40x144xf32, #tpu.memory_space<vmem>>
        %dma_start3A_273 = arith.constant 0 : i32
        %dma_start3A_274 = tpu.memref_slice %arg6[%arg0, %mul3A_270, %dma_start3A_273] : memref<2x10000x144xf32, #tpu.memory_space<hbm>> -> memref<1x40x144xf32, #tpu.memory_space<hbm>>
        %dma_start3A_275 = tpu.memref_squeeze %dma_start3A_274 : memref<1x40x144xf32, #tpu.memory_space<hbm>> -> memref<40x144xf32, #tpu.memory_space<hbm>>
        %dma_start3A_276 = arith.constant 0 : i32
        %dma_start3A_277 = tpu.memref_slice %arg6[%arg0, %mul3A_270, %dma_start3A_276] : memref<2x10000x144xf32, #tpu.memory_space<hbm>> -> memref<1x40x144xf32, #tpu.memory_space<hbm>>
        %dma_start3A_278 = tpu.memref_squeeze %dma_start3A_277 : memref<1x40x144xf32, #tpu.memory_space<hbm>> -> memref<40x144xf32, #tpu.memory_space<hbm>>
        %dma_start3A_279 = arith.constant 0 : i32
        %dma_start3A_280 = arith.constant 0 : i32
        %dma_start3A_281 = tpu.memref_slice %arg13[%dma_start3A_279, %dma_start3A_280] : memref<40x144xf32, #tpu.memory_space<vmem>> -> memref<40x144xf32, #tpu.memory_space<vmem>>
        tpu.enqueue_dma source(%dma_start3A_281 : memref<40x144xf32, #tpu.memory_space<vmem>>) target(%dma_start3A_278 : memref<40x144xf32, #tpu.memory_space<hbm>>) target_semaphore(%run_scoped3A : memref<!tpu.dma_semaphore, #tpu.memory_space<semaphore_mem>>)
        %dma_wait3A = arith.constant 0 : i32
        %dma_wait3A_282 = arith.constant 0 : i32
        %dma_wait3A_283 = tpu.memref_slice %arg13[%dma_wait3A, %dma_wait3A_282] : memref<40x144xf32, #tpu.memory_space<vmem>> -> memref<40x144xf32, #tpu.memory_space<vmem>>
        %dma_wait3A_284 = arith.constant 0 : i32
        %dma_wait3A_285 = tpu.memref_slice %arg6[%arg0, %mul3A_270, %dma_wait3A_284] : memref<2x10000x144xf32, #tpu.memory_space<hbm>> -> memref<1x40x144xf32, #tpu.memory_space<hbm>>
        %dma_wait3A_286 = tpu.memref_squeeze %dma_wait3A_285 : memref<1x40x144xf32, #tpu.memory_space<hbm>> -> memref<40x144xf32, #tpu.memory_space<hbm>>
        %dma_wait3A_287 = arith.constant 0 : i32
        %dma_wait3A_288 = tpu.memref_slice %arg6[%arg0, %mul3A_270, %dma_wait3A_287] : memref<2x10000x144xf32, #tpu.memory_space<hbm>> -> memref<1x40x144xf32, #tpu.memory_space<hbm>>
        %dma_wait3A_289 = tpu.memref_squeeze %dma_wait3A_288 : memref<1x40x144xf32, #tpu.memory_space<hbm>> -> memref<40x144xf32, #tpu.memory_space<hbm>>
        %dma_wait3A_290 = arith.constant 0 : i32
        %dma_wait3A_291 = arith.constant 0 : i32
        %dma_wait3A_292 = tpu.memref_slice %arg13[%dma_wait3A_290, %dma_wait3A_291] : memref<40x144xf32, #tpu.memory_space<vmem>> -> memref<40x144xf32, #tpu.memory_space<vmem>>
        tpu.wait_dma2 semaphore(%run_scoped3A : memref<!tpu.dma_semaphore, #tpu.memory_space<semaphore_mem>>) src(%dma_wait3A_292 : memref<40x144xf32, #tpu.memory_space<vmem>>) dst(%dma_wait3A_289 : memref<40x144xf32, #tpu.memory_space<hbm>>)
        tpu.yield
      }) : () -> ()
    } else {
    }
    %add3A_197 = arith.constant 96 : i32
    %add3A_198 = arith.addi %arg1, %add3A_197 : i32
    %lt3A_199 = arith.constant 250 : i32
    %lt3A_200 = arith.cmpi slt, %add3A_198, %lt3A_199 : i32
    %convert_element_type3A_201 = arith.extui %lt3A_200 : i1 to i32
    %cond3A_202 = arith.constant 0 : i32
    %cond3A_203 = arith.cmpi ne, %convert_element_type3A_201, %cond3A_202 : i32
    scf.if %cond3A_203 {
      %mul3A_267 = arith.constant 40 : i32
      %mul3A_268 = arith.muli %add3A_198, %mul3A_267 : i32
      "tpu.region"() ({
        %run_scoped3A = tpu.sem_alloc : memref<!tpu.dma_semaphore, #tpu.memory_space<semaphore_mem>>
        %dma_start3A = arith.constant 0 : i32
        %dma_start3A_271 = arith.constant 0 : i32
        %dma_start3A_272 = tpu.memref_slice %arg13[%dma_start3A, %dma_start3A_271] : memref<40x144xf32, #tpu.memory_space<vmem>> -> memref<40x144xf32, #tpu.memory_space<vmem>>
        %dma_start3A_273 = arith.constant 0 : i32
        %dma_start3A_274 = tpu.memref_slice %arg15[%mul3A_268, %dma_start3A_273] : memref<10000x144xf32, #tpu.memory_space<vmem_shared>> -> memref<40x144xf32, #tpu.memory_space<vmem_shared>>
        %dma_start3A_275 = arith.constant 0 : i32
        %dma_start3A_276 = arith.constant 0 : i32
        %dma_start3A_277 = tpu.memref_slice %arg13[%dma_start3A_275, %dma_start3A_276] : memref<40x144xf32, #tpu.memory_space<vmem>> -> memref<40x144xf32, #tpu.memory_space<vmem>>
        %dma_start3A_278 = arith.constant 0 : i32
        %dma_start3A_279 = tpu.memref_slice %arg15[%mul3A_268, %dma_start3A_278] : memref<10000x144xf32, #tpu.memory_space<vmem_shared>> -> memref<40x144xf32, #tpu.memory_space<vmem_shared>>
        tpu.enqueue_dma source(%dma_start3A_279 : memref<40x144xf32, #tpu.memory_space<vmem_shared>>) target(%dma_start3A_277 : memref<40x144xf32, #tpu.memory_space<vmem>>) target_semaphore(%run_scoped3A : memref<!tpu.dma_semaphore, #tpu.memory_space<semaphore_mem>>)
        %dma_wait3A = arith.constant 0 : i32
        %dma_wait3A_280 = arith.constant 0 : i32
        %dma_wait3A_281 = tpu.memref_slice %arg13[%dma_wait3A, %dma_wait3A_280] : memref<40x144xf32, #tpu.memory_space<vmem>> -> memref<40x144xf32, #tpu.memory_space<vmem>>
        %dma_wait3A_282 = arith.constant 0 : i32
        %dma_wait3A_283 = tpu.memref_slice %arg15[%mul3A_268, %dma_wait3A_282] : memref<10000x144xf32, #tpu.memory_space<vmem_shared>> -> memref<40x144xf32, #tpu.memory_space<vmem_shared>>
        %dma_wait3A_284 = arith.constant 0 : i32
        %dma_wait3A_285 = arith.constant 0 : i32
        %dma_wait3A_286 = tpu.memref_slice %arg13[%dma_wait3A_284, %dma_wait3A_285] : memref<40x144xf32, #tpu.memory_space<vmem>> -> memref<40x144xf32, #tpu.memory_space<vmem>>
        %dma_wait3A_287 = arith.constant 0 : i32
        %dma_wait3A_288 = tpu.memref_slice %arg15[%mul3A_268, %dma_wait3A_287] : memref<10000x144xf32, #tpu.memory_space<vmem_shared>> -> memref<40x144xf32, #tpu.memory_space<vmem_shared>>
        tpu.wait_dma2 semaphore(%run_scoped3A : memref<!tpu.dma_semaphore, #tpu.memory_space<semaphore_mem>>) src(%dma_wait3A_288 : memref<40x144xf32, #tpu.memory_space<vmem_shared>>) dst(%dma_wait3A_286 : memref<40x144xf32, #tpu.memory_space<vmem>>)
        tpu.yield
      }) : () -> ()
      %mul3A_269 = arith.constant 40 : i32
      %mul3A_270 = arith.muli %add3A_198, %mul3A_269 : i32
      "tpu.region"() ({
        %run_scoped3A = tpu.sem_alloc : memref<!tpu.dma_semaphore, #tpu.memory_space<semaphore_mem>>
        %dma_start3A = arith.constant 0 : i32
        %dma_start3A_271 = arith.constant 0 : i32
        %dma_start3A_272 = tpu.memref_slice %arg13[%dma_start3A, %dma_start3A_271] : memref<40x144xf32, #tpu.memory_space<vmem>> -> memref<40x144xf32, #tpu.memory_space<vmem>>
        %dma_start3A_273 = arith.constant 0 : i32
        %dma_start3A_274 = tpu.memref_slice %arg6[%arg0, %mul3A_270, %dma_start3A_273] : memref<2x10000x144xf32, #tpu.memory_space<hbm>> -> memref<1x40x144xf32, #tpu.memory_space<hbm>>
        %dma_start3A_275 = tpu.memref_squeeze %dma_start3A_274 : memref<1x40x144xf32, #tpu.memory_space<hbm>> -> memref<40x144xf32, #tpu.memory_space<hbm>>
        %dma_start3A_276 = arith.constant 0 : i32
        %dma_start3A_277 = tpu.memref_slice %arg6[%arg0, %mul3A_270, %dma_start3A_276] : memref<2x10000x144xf32, #tpu.memory_space<hbm>> -> memref<1x40x144xf32, #tpu.memory_space<hbm>>
        %dma_start3A_278 = tpu.memref_squeeze %dma_start3A_277 : memref<1x40x144xf32, #tpu.memory_space<hbm>> -> memref<40x144xf32, #tpu.memory_space<hbm>>
        %dma_start3A_279 = arith.constant 0 : i32
        %dma_start3A_280 = arith.constant 0 : i32
        %dma_start3A_281 = tpu.memref_slice %arg13[%dma_start3A_279, %dma_start3A_280] : memref<40x144xf32, #tpu.memory_space<vmem>> -> memref<40x144xf32, #tpu.memory_space<vmem>>
        tpu.enqueue_dma source(%dma_start3A_281 : memref<40x144xf32, #tpu.memory_space<vmem>>) target(%dma_start3A_278 : memref<40x144xf32, #tpu.memory_space<hbm>>) target_semaphore(%run_scoped3A : memref<!tpu.dma_semaphore, #tpu.memory_space<semaphore_mem>>)
        %dma_wait3A = arith.constant 0 : i32
        %dma_wait3A_282 = arith.constant 0 : i32
        %dma_wait3A_283 = tpu.memref_slice %arg13[%dma_wait3A, %dma_wait3A_282] : memref<40x144xf32, #tpu.memory_space<vmem>> -> memref<40x144xf32, #tpu.memory_space<vmem>>
        %dma_wait3A_284 = arith.constant 0 : i32
        %dma_wait3A_285 = tpu.memref_slice %arg6[%arg0, %mul3A_270, %dma_wait3A_284] : memref<2x10000x144xf32, #tpu.memory_space<hbm>> -> memref<1x40x144xf32, #tpu.memory_space<hbm>>
        %dma_wait3A_286 = tpu.memref_squeeze %dma_wait3A_285 : memref<1x40x144xf32, #tpu.memory_space<hbm>> -> memref<40x144xf32, #tpu.memory_space<hbm>>
        %dma_wait3A_287 = arith.constant 0 : i32
        %dma_wait3A_288 = tpu.memref_slice %arg6[%arg0, %mul3A_270, %dma_wait3A_287] : memref<2x10000x144xf32, #tpu.memory_space<hbm>> -> memref<1x40x144xf32, #tpu.memory_space<hbm>>
        %dma_wait3A_289 = tpu.memref_squeeze %dma_wait3A_288 : memref<1x40x144xf32, #tpu.memory_space<hbm>> -> memref<40x144xf32, #tpu.memory_space<hbm>>
        %dma_wait3A_290 = arith.constant 0 : i32
        %dma_wait3A_291 = arith.constant 0 : i32
        %dma_wait3A_292 = tpu.memref_slice %arg13[%dma_wait3A_290, %dma_wait3A_291] : memref<40x144xf32, #tpu.memory_space<vmem>> -> memref<40x144xf32, #tpu.memory_space<vmem>>
        tpu.wait_dma2 semaphore(%run_scoped3A : memref<!tpu.dma_semaphore, #tpu.memory_space<semaphore_mem>>) src(%dma_wait3A_292 : memref<40x144xf32, #tpu.memory_space<vmem>>) dst(%dma_wait3A_289 : memref<40x144xf32, #tpu.memory_space<hbm>>)
        tpu.yield
      }) : () -> ()
    } else {
    }
    %add3A_204 = arith.constant 112 : i32
    %add3A_205 = arith.addi %arg1, %add3A_204 : i32
    %lt3A_206 = arith.constant 250 : i32
    %lt3A_207 = arith.cmpi slt, %add3A_205, %lt3A_206 : i32
    %convert_element_type3A_208 = arith.extui %lt3A_207 : i1 to i32
    %cond3A_209 = arith.constant 0 : i32
    %cond3A_210 = arith.cmpi ne, %convert_element_type3A_208, %cond3A_209 : i32
    scf.if %cond3A_210 {
      %mul3A_267 = arith.constant 40 : i32
      %mul3A_268 = arith.muli %add3A_205, %mul3A_267 : i32
      "tpu.region"() ({
        %run_scoped3A = tpu.sem_alloc : memref<!tpu.dma_semaphore, #tpu.memory_space<semaphore_mem>>
        %dma_start3A = arith.constant 0 : i32
        %dma_start3A_271 = arith.constant 0 : i32
        %dma_start3A_272 = tpu.memref_slice %arg13[%dma_start3A, %dma_start3A_271] : memref<40x144xf32, #tpu.memory_space<vmem>> -> memref<40x144xf32, #tpu.memory_space<vmem>>
        %dma_start3A_273 = arith.constant 0 : i32
        %dma_start3A_274 = tpu.memref_slice %arg15[%mul3A_268, %dma_start3A_273] : memref<10000x144xf32, #tpu.memory_space<vmem_shared>> -> memref<40x144xf32, #tpu.memory_space<vmem_shared>>
        %dma_start3A_275 = arith.constant 0 : i32
        %dma_start3A_276 = arith.constant 0 : i32
        %dma_start3A_277 = tpu.memref_slice %arg13[%dma_start3A_275, %dma_start3A_276] : memref<40x144xf32, #tpu.memory_space<vmem>> -> memref<40x144xf32, #tpu.memory_space<vmem>>
        %dma_start3A_278 = arith.constant 0 : i32
        %dma_start3A_279 = tpu.memref_slice %arg15[%mul3A_268, %dma_start3A_278] : memref<10000x144xf32, #tpu.memory_space<vmem_shared>> -> memref<40x144xf32, #tpu.memory_space<vmem_shared>>
        tpu.enqueue_dma source(%dma_start3A_279 : memref<40x144xf32, #tpu.memory_space<vmem_shared>>) target(%dma_start3A_277 : memref<40x144xf32, #tpu.memory_space<vmem>>) target_semaphore(%run_scoped3A : memref<!tpu.dma_semaphore, #tpu.memory_space<semaphore_mem>>)
        %dma_wait3A = arith.constant 0 : i32
        %dma_wait3A_280 = arith.constant 0 : i32
        %dma_wait3A_281 = tpu.memref_slice %arg13[%dma_wait3A, %dma_wait3A_280] : memref<40x144xf32, #tpu.memory_space<vmem>> -> memref<40x144xf32, #tpu.memory_space<vmem>>
        %dma_wait3A_282 = arith.constant 0 : i32
        %dma_wait3A_283 = tpu.memref_slice %arg15[%mul3A_268, %dma_wait3A_282] : memref<10000x144xf32, #tpu.memory_space<vmem_shared>> -> memref<40x144xf32, #tpu.memory_space<vmem_shared>>
        %dma_wait3A_284 = arith.constant 0 : i32
        %dma_wait3A_285 = arith.constant 0 : i32
        %dma_wait3A_286 = tpu.memref_slice %arg13[%dma_wait3A_284, %dma_wait3A_285] : memref<40x144xf32, #tpu.memory_space<vmem>> -> memref<40x144xf32, #tpu.memory_space<vmem>>
        %dma_wait3A_287 = arith.constant 0 : i32
        %dma_wait3A_288 = tpu.memref_slice %arg15[%mul3A_268, %dma_wait3A_287] : memref<10000x144xf32, #tpu.memory_space<vmem_shared>> -> memref<40x144xf32, #tpu.memory_space<vmem_shared>>
        tpu.wait_dma2 semaphore(%run_scoped3A : memref<!tpu.dma_semaphore, #tpu.memory_space<semaphore_mem>>) src(%dma_wait3A_288 : memref<40x144xf32, #tpu.memory_space<vmem_shared>>) dst(%dma_wait3A_286 : memref<40x144xf32, #tpu.memory_space<vmem>>)
        tpu.yield
      }) : () -> ()
      %mul3A_269 = arith.constant 40 : i32
      %mul3A_270 = arith.muli %add3A_205, %mul3A_269 : i32
      "tpu.region"() ({
        %run_scoped3A = tpu.sem_alloc : memref<!tpu.dma_semaphore, #tpu.memory_space<semaphore_mem>>
        %dma_start3A = arith.constant 0 : i32
        %dma_start3A_271 = arith.constant 0 : i32
        %dma_start3A_272 = tpu.memref_slice %arg13[%dma_start3A, %dma_start3A_271] : memref<40x144xf32, #tpu.memory_space<vmem>> -> memref<40x144xf32, #tpu.memory_space<vmem>>
        %dma_start3A_273 = arith.constant 0 : i32
        %dma_start3A_274 = tpu.memref_slice %arg6[%arg0, %mul3A_270, %dma_start3A_273] : memref<2x10000x144xf32, #tpu.memory_space<hbm>> -> memref<1x40x144xf32, #tpu.memory_space<hbm>>
        %dma_start3A_275 = tpu.memref_squeeze %dma_start3A_274 : memref<1x40x144xf32, #tpu.memory_space<hbm>> -> memref<40x144xf32, #tpu.memory_space<hbm>>
        %dma_start3A_276 = arith.constant 0 : i32
        %dma_start3A_277 = tpu.memref_slice %arg6[%arg0, %mul3A_270, %dma_start3A_276] : memref<2x10000x144xf32, #tpu.memory_space<hbm>> -> memref<1x40x144xf32, #tpu.memory_space<hbm>>
        %dma_start3A_278 = tpu.memref_squeeze %dma_start3A_277 : memref<1x40x144xf32, #tpu.memory_space<hbm>> -> memref<40x144xf32, #tpu.memory_space<hbm>>
        %dma_start3A_279 = arith.constant 0 : i32
        %dma_start3A_280 = arith.constant 0 : i32
        %dma_start3A_281 = tpu.memref_slice %arg13[%dma_start3A_279, %dma_start3A_280] : memref<40x144xf32, #tpu.memory_space<vmem>> -> memref<40x144xf32, #tpu.memory_space<vmem>>
        tpu.enqueue_dma source(%dma_start3A_281 : memref<40x144xf32, #tpu.memory_space<vmem>>) target(%dma_start3A_278 : memref<40x144xf32, #tpu.memory_space<hbm>>) target_semaphore(%run_scoped3A : memref<!tpu.dma_semaphore, #tpu.memory_space<semaphore_mem>>)
        %dma_wait3A = arith.constant 0 : i32
        %dma_wait3A_282 = arith.constant 0 : i32
        %dma_wait3A_283 = tpu.memref_slice %arg13[%dma_wait3A, %dma_wait3A_282] : memref<40x144xf32, #tpu.memory_space<vmem>> -> memref<40x144xf32, #tpu.memory_space<vmem>>
        %dma_wait3A_284 = arith.constant 0 : i32
        %dma_wait3A_285 = tpu.memref_slice %arg6[%arg0, %mul3A_270, %dma_wait3A_284] : memref<2x10000x144xf32, #tpu.memory_space<hbm>> -> memref<1x40x144xf32, #tpu.memory_space<hbm>>
        %dma_wait3A_286 = tpu.memref_squeeze %dma_wait3A_285 : memref<1x40x144xf32, #tpu.memory_space<hbm>> -> memref<40x144xf32, #tpu.memory_space<hbm>>
        %dma_wait3A_287 = arith.constant 0 : i32
        %dma_wait3A_288 = tpu.memref_slice %arg6[%arg0, %mul3A_270, %dma_wait3A_287] : memref<2x10000x144xf32, #tpu.memory_space<hbm>> -> memref<1x40x144xf32, #tpu.memory_space<hbm>>
        %dma_wait3A_289 = tpu.memref_squeeze %dma_wait3A_288 : memref<1x40x144xf32, #tpu.memory_space<hbm>> -> memref<40x144xf32, #tpu.memory_space<hbm>>
        %dma_wait3A_290 = arith.constant 0 : i32
        %dma_wait3A_291 = arith.constant 0 : i32
        %dma_wait3A_292 = tpu.memref_slice %arg13[%dma_wait3A_290, %dma_wait3A_291] : memref<40x144xf32, #tpu.memory_space<vmem>> -> memref<40x144xf32, #tpu.memory_space<vmem>>
        tpu.wait_dma2 semaphore(%run_scoped3A : memref<!tpu.dma_semaphore, #tpu.memory_space<semaphore_mem>>) src(%dma_wait3A_292 : memref<40x144xf32, #tpu.memory_space<vmem>>) dst(%dma_wait3A_289 : memref<40x144xf32, #tpu.memory_space<hbm>>)
        tpu.yield
      }) : () -> ()
    } else {
    }
    %add3A_211 = arith.constant 128 : i32
    %add3A_212 = arith.addi %arg1, %add3A_211 : i32
    %lt3A_213 = arith.constant 250 : i32
    %lt3A_214 = arith.cmpi slt, %add3A_212, %lt3A_213 : i32
    %convert_element_type3A_215 = arith.extui %lt3A_214 : i1 to i32
    %cond3A_216 = arith.constant 0 : i32
    %cond3A_217 = arith.cmpi ne, %convert_element_type3A_215, %cond3A_216 : i32
    scf.if %cond3A_217 {
      %mul3A_267 = arith.constant 40 : i32
      %mul3A_268 = arith.muli %add3A_212, %mul3A_267 : i32
      "tpu.region"() ({
        %run_scoped3A = tpu.sem_alloc : memref<!tpu.dma_semaphore, #tpu.memory_space<semaphore_mem>>
        %dma_start3A = arith.constant 0 : i32
        %dma_start3A_271 = arith.constant 0 : i32
        %dma_start3A_272 = tpu.memref_slice %arg13[%dma_start3A, %dma_start3A_271] : memref<40x144xf32, #tpu.memory_space<vmem>> -> memref<40x144xf32, #tpu.memory_space<vmem>>
        %dma_start3A_273 = arith.constant 0 : i32
        %dma_start3A_274 = tpu.memref_slice %arg15[%mul3A_268, %dma_start3A_273] : memref<10000x144xf32, #tpu.memory_space<vmem_shared>> -> memref<40x144xf32, #tpu.memory_space<vmem_shared>>
        %dma_start3A_275 = arith.constant 0 : i32
        %dma_start3A_276 = arith.constant 0 : i32
        %dma_start3A_277 = tpu.memref_slice %arg13[%dma_start3A_275, %dma_start3A_276] : memref<40x144xf32, #tpu.memory_space<vmem>> -> memref<40x144xf32, #tpu.memory_space<vmem>>
        %dma_start3A_278 = arith.constant 0 : i32
        %dma_start3A_279 = tpu.memref_slice %arg15[%mul3A_268, %dma_start3A_278] : memref<10000x144xf32, #tpu.memory_space<vmem_shared>> -> memref<40x144xf32, #tpu.memory_space<vmem_shared>>
        tpu.enqueue_dma source(%dma_start3A_279 : memref<40x144xf32, #tpu.memory_space<vmem_shared>>) target(%dma_start3A_277 : memref<40x144xf32, #tpu.memory_space<vmem>>) target_semaphore(%run_scoped3A : memref<!tpu.dma_semaphore, #tpu.memory_space<semaphore_mem>>)
        %dma_wait3A = arith.constant 0 : i32
        %dma_wait3A_280 = arith.constant 0 : i32
        %dma_wait3A_281 = tpu.memref_slice %arg13[%dma_wait3A, %dma_wait3A_280] : memref<40x144xf32, #tpu.memory_space<vmem>> -> memref<40x144xf32, #tpu.memory_space<vmem>>
        %dma_wait3A_282 = arith.constant 0 : i32
        %dma_wait3A_283 = tpu.memref_slice %arg15[%mul3A_268, %dma_wait3A_282] : memref<10000x144xf32, #tpu.memory_space<vmem_shared>> -> memref<40x144xf32, #tpu.memory_space<vmem_shared>>
        %dma_wait3A_284 = arith.constant 0 : i32
        %dma_wait3A_285 = arith.constant 0 : i32
        %dma_wait3A_286 = tpu.memref_slice %arg13[%dma_wait3A_284, %dma_wait3A_285] : memref<40x144xf32, #tpu.memory_space<vmem>> -> memref<40x144xf32, #tpu.memory_space<vmem>>
        %dma_wait3A_287 = arith.constant 0 : i32
        %dma_wait3A_288 = tpu.memref_slice %arg15[%mul3A_268, %dma_wait3A_287] : memref<10000x144xf32, #tpu.memory_space<vmem_shared>> -> memref<40x144xf32, #tpu.memory_space<vmem_shared>>
        tpu.wait_dma2 semaphore(%run_scoped3A : memref<!tpu.dma_semaphore, #tpu.memory_space<semaphore_mem>>) src(%dma_wait3A_288 : memref<40x144xf32, #tpu.memory_space<vmem_shared>>) dst(%dma_wait3A_286 : memref<40x144xf32, #tpu.memory_space<vmem>>)
        tpu.yield
      }) : () -> ()
      %mul3A_269 = arith.constant 40 : i32
      %mul3A_270 = arith.muli %add3A_212, %mul3A_269 : i32
      "tpu.region"() ({
        %run_scoped3A = tpu.sem_alloc : memref<!tpu.dma_semaphore, #tpu.memory_space<semaphore_mem>>
        %dma_start3A = arith.constant 0 : i32
        %dma_start3A_271 = arith.constant 0 : i32
        %dma_start3A_272 = tpu.memref_slice %arg13[%dma_start3A, %dma_start3A_271] : memref<40x144xf32, #tpu.memory_space<vmem>> -> memref<40x144xf32, #tpu.memory_space<vmem>>
        %dma_start3A_273 = arith.constant 0 : i32
        %dma_start3A_274 = tpu.memref_slice %arg6[%arg0, %mul3A_270, %dma_start3A_273] : memref<2x10000x144xf32, #tpu.memory_space<hbm>> -> memref<1x40x144xf32, #tpu.memory_space<hbm>>
        %dma_start3A_275 = tpu.memref_squeeze %dma_start3A_274 : memref<1x40x144xf32, #tpu.memory_space<hbm>> -> memref<40x144xf32, #tpu.memory_space<hbm>>
        %dma_start3A_276 = arith.constant 0 : i32
        %dma_start3A_277 = tpu.memref_slice %arg6[%arg0, %mul3A_270, %dma_start3A_276] : memref<2x10000x144xf32, #tpu.memory_space<hbm>> -> memref<1x40x144xf32, #tpu.memory_space<hbm>>
        %dma_start3A_278 = tpu.memref_squeeze %dma_start3A_277 : memref<1x40x144xf32, #tpu.memory_space<hbm>> -> memref<40x144xf32, #tpu.memory_space<hbm>>
        %dma_start3A_279 = arith.constant 0 : i32
        %dma_start3A_280 = arith.constant 0 : i32
        %dma_start3A_281 = tpu.memref_slice %arg13[%dma_start3A_279, %dma_start3A_280] : memref<40x144xf32, #tpu.memory_space<vmem>> -> memref<40x144xf32, #tpu.memory_space<vmem>>
        tpu.enqueue_dma source(%dma_start3A_281 : memref<40x144xf32, #tpu.memory_space<vmem>>) target(%dma_start3A_278 : memref<40x144xf32, #tpu.memory_space<hbm>>) target_semaphore(%run_scoped3A : memref<!tpu.dma_semaphore, #tpu.memory_space<semaphore_mem>>)
        %dma_wait3A = arith.constant 0 : i32
        %dma_wait3A_282 = arith.constant 0 : i32
        %dma_wait3A_283 = tpu.memref_slice %arg13[%dma_wait3A, %dma_wait3A_282] : memref<40x144xf32, #tpu.memory_space<vmem>> -> memref<40x144xf32, #tpu.memory_space<vmem>>
        %dma_wait3A_284 = arith.constant 0 : i32
        %dma_wait3A_285 = tpu.memref_slice %arg6[%arg0, %mul3A_270, %dma_wait3A_284] : memref<2x10000x144xf32, #tpu.memory_space<hbm>> -> memref<1x40x144xf32, #tpu.memory_space<hbm>>
        %dma_wait3A_286 = tpu.memref_squeeze %dma_wait3A_285 : memref<1x40x144xf32, #tpu.memory_space<hbm>> -> memref<40x144xf32, #tpu.memory_space<hbm>>
        %dma_wait3A_287 = arith.constant 0 : i32
        %dma_wait3A_288 = tpu.memref_slice %arg6[%arg0, %mul3A_270, %dma_wait3A_287] : memref<2x10000x144xf32, #tpu.memory_space<hbm>> -> memref<1x40x144xf32, #tpu.memory_space<hbm>>
        %dma_wait3A_289 = tpu.memref_squeeze %dma_wait3A_288 : memref<1x40x144xf32, #tpu.memory_space<hbm>> -> memref<40x144xf32, #tpu.memory_space<hbm>>
        %dma_wait3A_290 = arith.constant 0 : i32
        %dma_wait3A_291 = arith.constant 0 : i32
        %dma_wait3A_292 = tpu.memref_slice %arg13[%dma_wait3A_290, %dma_wait3A_291] : memref<40x144xf32, #tpu.memory_space<vmem>> -> memref<40x144xf32, #tpu.memory_space<vmem>>
        tpu.wait_dma2 semaphore(%run_scoped3A : memref<!tpu.dma_semaphore, #tpu.memory_space<semaphore_mem>>) src(%dma_wait3A_292 : memref<40x144xf32, #tpu.memory_space<vmem>>) dst(%dma_wait3A_289 : memref<40x144xf32, #tpu.memory_space<hbm>>)
        tpu.yield
      }) : () -> ()
    } else {
    }
    %add3A_218 = arith.constant 144 : i32
    %add3A_219 = arith.addi %arg1, %add3A_218 : i32
    %lt3A_220 = arith.constant 250 : i32
    %lt3A_221 = arith.cmpi slt, %add3A_219, %lt3A_220 : i32
    %convert_element_type3A_222 = arith.extui %lt3A_221 : i1 to i32
    %cond3A_223 = arith.constant 0 : i32
    %cond3A_224 = arith.cmpi ne, %convert_element_type3A_222, %cond3A_223 : i32
    scf.if %cond3A_224 {
      %mul3A_267 = arith.constant 40 : i32
      %mul3A_268 = arith.muli %add3A_219, %mul3A_267 : i32
      "tpu.region"() ({
        %run_scoped3A = tpu.sem_alloc : memref<!tpu.dma_semaphore, #tpu.memory_space<semaphore_mem>>
        %dma_start3A = arith.constant 0 : i32
        %dma_start3A_271 = arith.constant 0 : i32
        %dma_start3A_272 = tpu.memref_slice %arg13[%dma_start3A, %dma_start3A_271] : memref<40x144xf32, #tpu.memory_space<vmem>> -> memref<40x144xf32, #tpu.memory_space<vmem>>
        %dma_start3A_273 = arith.constant 0 : i32
        %dma_start3A_274 = tpu.memref_slice %arg15[%mul3A_268, %dma_start3A_273] : memref<10000x144xf32, #tpu.memory_space<vmem_shared>> -> memref<40x144xf32, #tpu.memory_space<vmem_shared>>
        %dma_start3A_275 = arith.constant 0 : i32
        %dma_start3A_276 = arith.constant 0 : i32
        %dma_start3A_277 = tpu.memref_slice %arg13[%dma_start3A_275, %dma_start3A_276] : memref<40x144xf32, #tpu.memory_space<vmem>> -> memref<40x144xf32, #tpu.memory_space<vmem>>
        %dma_start3A_278 = arith.constant 0 : i32
        %dma_start3A_279 = tpu.memref_slice %arg15[%mul3A_268, %dma_start3A_278] : memref<10000x144xf32, #tpu.memory_space<vmem_shared>> -> memref<40x144xf32, #tpu.memory_space<vmem_shared>>
        tpu.enqueue_dma source(%dma_start3A_279 : memref<40x144xf32, #tpu.memory_space<vmem_shared>>) target(%dma_start3A_277 : memref<40x144xf32, #tpu.memory_space<vmem>>) target_semaphore(%run_scoped3A : memref<!tpu.dma_semaphore, #tpu.memory_space<semaphore_mem>>)
        %dma_wait3A = arith.constant 0 : i32
        %dma_wait3A_280 = arith.constant 0 : i32
        %dma_wait3A_281 = tpu.memref_slice %arg13[%dma_wait3A, %dma_wait3A_280] : memref<40x144xf32, #tpu.memory_space<vmem>> -> memref<40x144xf32, #tpu.memory_space<vmem>>
        %dma_wait3A_282 = arith.constant 0 : i32
        %dma_wait3A_283 = tpu.memref_slice %arg15[%mul3A_268, %dma_wait3A_282] : memref<10000x144xf32, #tpu.memory_space<vmem_shared>> -> memref<40x144xf32, #tpu.memory_space<vmem_shared>>
        %dma_wait3A_284 = arith.constant 0 : i32
        %dma_wait3A_285 = arith.constant 0 : i32
        %dma_wait3A_286 = tpu.memref_slice %arg13[%dma_wait3A_284, %dma_wait3A_285] : memref<40x144xf32, #tpu.memory_space<vmem>> -> memref<40x144xf32, #tpu.memory_space<vmem>>
        %dma_wait3A_287 = arith.constant 0 : i32
        %dma_wait3A_288 = tpu.memref_slice %arg15[%mul3A_268, %dma_wait3A_287] : memref<10000x144xf32, #tpu.memory_space<vmem_shared>> -> memref<40x144xf32, #tpu.memory_space<vmem_shared>>
        tpu.wait_dma2 semaphore(%run_scoped3A : memref<!tpu.dma_semaphore, #tpu.memory_space<semaphore_mem>>) src(%dma_wait3A_288 : memref<40x144xf32, #tpu.memory_space<vmem_shared>>) dst(%dma_wait3A_286 : memref<40x144xf32, #tpu.memory_space<vmem>>)
        tpu.yield
      }) : () -> ()
      %mul3A_269 = arith.constant 40 : i32
      %mul3A_270 = arith.muli %add3A_219, %mul3A_269 : i32
      "tpu.region"() ({
        %run_scoped3A = tpu.sem_alloc : memref<!tpu.dma_semaphore, #tpu.memory_space<semaphore_mem>>
        %dma_start3A = arith.constant 0 : i32
        %dma_start3A_271 = arith.constant 0 : i32
        %dma_start3A_272 = tpu.memref_slice %arg13[%dma_start3A, %dma_start3A_271] : memref<40x144xf32, #tpu.memory_space<vmem>> -> memref<40x144xf32, #tpu.memory_space<vmem>>
        %dma_start3A_273 = arith.constant 0 : i32
        %dma_start3A_274 = tpu.memref_slice %arg6[%arg0, %mul3A_270, %dma_start3A_273] : memref<2x10000x144xf32, #tpu.memory_space<hbm>> -> memref<1x40x144xf32, #tpu.memory_space<hbm>>
        %dma_start3A_275 = tpu.memref_squeeze %dma_start3A_274 : memref<1x40x144xf32, #tpu.memory_space<hbm>> -> memref<40x144xf32, #tpu.memory_space<hbm>>
        %dma_start3A_276 = arith.constant 0 : i32
        %dma_start3A_277 = tpu.memref_slice %arg6[%arg0, %mul3A_270, %dma_start3A_276] : memref<2x10000x144xf32, #tpu.memory_space<hbm>> -> memref<1x40x144xf32, #tpu.memory_space<hbm>>
        %dma_start3A_278 = tpu.memref_squeeze %dma_start3A_277 : memref<1x40x144xf32, #tpu.memory_space<hbm>> -> memref<40x144xf32, #tpu.memory_space<hbm>>
        %dma_start3A_279 = arith.constant 0 : i32
        %dma_start3A_280 = arith.constant 0 : i32
        %dma_start3A_281 = tpu.memref_slice %arg13[%dma_start3A_279, %dma_start3A_280] : memref<40x144xf32, #tpu.memory_space<vmem>> -> memref<40x144xf32, #tpu.memory_space<vmem>>
        tpu.enqueue_dma source(%dma_start3A_281 : memref<40x144xf32, #tpu.memory_space<vmem>>) target(%dma_start3A_278 : memref<40x144xf32, #tpu.memory_space<hbm>>) target_semaphore(%run_scoped3A : memref<!tpu.dma_semaphore, #tpu.memory_space<semaphore_mem>>)
        %dma_wait3A = arith.constant 0 : i32
        %dma_wait3A_282 = arith.constant 0 : i32
        %dma_wait3A_283 = tpu.memref_slice %arg13[%dma_wait3A, %dma_wait3A_282] : memref<40x144xf32, #tpu.memory_space<vmem>> -> memref<40x144xf32, #tpu.memory_space<vmem>>
        %dma_wait3A_284 = arith.constant 0 : i32
        %dma_wait3A_285 = tpu.memref_slice %arg6[%arg0, %mul3A_270, %dma_wait3A_284] : memref<2x10000x144xf32, #tpu.memory_space<hbm>> -> memref<1x40x144xf32, #tpu.memory_space<hbm>>
        %dma_wait3A_286 = tpu.memref_squeeze %dma_wait3A_285 : memref<1x40x144xf32, #tpu.memory_space<hbm>> -> memref<40x144xf32, #tpu.memory_space<hbm>>
        %dma_wait3A_287 = arith.constant 0 : i32
        %dma_wait3A_288 = tpu.memref_slice %arg6[%arg0, %mul3A_270, %dma_wait3A_287] : memref<2x10000x144xf32, #tpu.memory_space<hbm>> -> memref<1x40x144xf32, #tpu.memory_space<hbm>>
        %dma_wait3A_289 = tpu.memref_squeeze %dma_wait3A_288 : memref<1x40x144xf32, #tpu.memory_space<hbm>> -> memref<40x144xf32, #tpu.memory_space<hbm>>
        %dma_wait3A_290 = arith.constant 0 : i32
        %dma_wait3A_291 = arith.constant 0 : i32
        %dma_wait3A_292 = tpu.memref_slice %arg13[%dma_wait3A_290, %dma_wait3A_291] : memref<40x144xf32, #tpu.memory_space<vmem>> -> memref<40x144xf32, #tpu.memory_space<vmem>>
        tpu.wait_dma2 semaphore(%run_scoped3A : memref<!tpu.dma_semaphore, #tpu.memory_space<semaphore_mem>>) src(%dma_wait3A_292 : memref<40x144xf32, #tpu.memory_space<vmem>>) dst(%dma_wait3A_289 : memref<40x144xf32, #tpu.memory_space<hbm>>)
        tpu.yield
      }) : () -> ()
    } else {
    }
    %add3A_225 = arith.constant 160 : i32
    %add3A_226 = arith.addi %arg1, %add3A_225 : i32
    %lt3A_227 = arith.constant 250 : i32
    %lt3A_228 = arith.cmpi slt, %add3A_226, %lt3A_227 : i32
    %convert_element_type3A_229 = arith.extui %lt3A_228 : i1 to i32
    %cond3A_230 = arith.constant 0 : i32
    %cond3A_231 = arith.cmpi ne, %convert_element_type3A_229, %cond3A_230 : i32
    scf.if %cond3A_231 {
      %mul3A_267 = arith.constant 40 : i32
      %mul3A_268 = arith.muli %add3A_226, %mul3A_267 : i32
      "tpu.region"() ({
        %run_scoped3A = tpu.sem_alloc : memref<!tpu.dma_semaphore, #tpu.memory_space<semaphore_mem>>
        %dma_start3A = arith.constant 0 : i32
        %dma_start3A_271 = arith.constant 0 : i32
        %dma_start3A_272 = tpu.memref_slice %arg13[%dma_start3A, %dma_start3A_271] : memref<40x144xf32, #tpu.memory_space<vmem>> -> memref<40x144xf32, #tpu.memory_space<vmem>>
        %dma_start3A_273 = arith.constant 0 : i32
        %dma_start3A_274 = tpu.memref_slice %arg15[%mul3A_268, %dma_start3A_273] : memref<10000x144xf32, #tpu.memory_space<vmem_shared>> -> memref<40x144xf32, #tpu.memory_space<vmem_shared>>
        %dma_start3A_275 = arith.constant 0 : i32
        %dma_start3A_276 = arith.constant 0 : i32
        %dma_start3A_277 = tpu.memref_slice %arg13[%dma_start3A_275, %dma_start3A_276] : memref<40x144xf32, #tpu.memory_space<vmem>> -> memref<40x144xf32, #tpu.memory_space<vmem>>
        %dma_start3A_278 = arith.constant 0 : i32
        %dma_start3A_279 = tpu.memref_slice %arg15[%mul3A_268, %dma_start3A_278] : memref<10000x144xf32, #tpu.memory_space<vmem_shared>> -> memref<40x144xf32, #tpu.memory_space<vmem_shared>>
        tpu.enqueue_dma source(%dma_start3A_279 : memref<40x144xf32, #tpu.memory_space<vmem_shared>>) target(%dma_start3A_277 : memref<40x144xf32, #tpu.memory_space<vmem>>) target_semaphore(%run_scoped3A : memref<!tpu.dma_semaphore, #tpu.memory_space<semaphore_mem>>)
        %dma_wait3A = arith.constant 0 : i32
        %dma_wait3A_280 = arith.constant 0 : i32
        %dma_wait3A_281 = tpu.memref_slice %arg13[%dma_wait3A, %dma_wait3A_280] : memref<40x144xf32, #tpu.memory_space<vmem>> -> memref<40x144xf32, #tpu.memory_space<vmem>>
        %dma_wait3A_282 = arith.constant 0 : i32
        %dma_wait3A_283 = tpu.memref_slice %arg15[%mul3A_268, %dma_wait3A_282] : memref<10000x144xf32, #tpu.memory_space<vmem_shared>> -> memref<40x144xf32, #tpu.memory_space<vmem_shared>>
        %dma_wait3A_284 = arith.constant 0 : i32
        %dma_wait3A_285 = arith.constant 0 : i32
        %dma_wait3A_286 = tpu.memref_slice %arg13[%dma_wait3A_284, %dma_wait3A_285] : memref<40x144xf32, #tpu.memory_space<vmem>> -> memref<40x144xf32, #tpu.memory_space<vmem>>
        %dma_wait3A_287 = arith.constant 0 : i32
        %dma_wait3A_288 = tpu.memref_slice %arg15[%mul3A_268, %dma_wait3A_287] : memref<10000x144xf32, #tpu.memory_space<vmem_shared>> -> memref<40x144xf32, #tpu.memory_space<vmem_shared>>
        tpu.wait_dma2 semaphore(%run_scoped3A : memref<!tpu.dma_semaphore, #tpu.memory_space<semaphore_mem>>) src(%dma_wait3A_288 : memref<40x144xf32, #tpu.memory_space<vmem_shared>>) dst(%dma_wait3A_286 : memref<40x144xf32, #tpu.memory_space<vmem>>)
        tpu.yield
      }) : () -> ()
      %mul3A_269 = arith.constant 40 : i32
      %mul3A_270 = arith.muli %add3A_226, %mul3A_269 : i32
      "tpu.region"() ({
        %run_scoped3A = tpu.sem_alloc : memref<!tpu.dma_semaphore, #tpu.memory_space<semaphore_mem>>
        %dma_start3A = arith.constant 0 : i32
        %dma_start3A_271 = arith.constant 0 : i32
        %dma_start3A_272 = tpu.memref_slice %arg13[%dma_start3A, %dma_start3A_271] : memref<40x144xf32, #tpu.memory_space<vmem>> -> memref<40x144xf32, #tpu.memory_space<vmem>>
        %dma_start3A_273 = arith.constant 0 : i32
        %dma_start3A_274 = tpu.memref_slice %arg6[%arg0, %mul3A_270, %dma_start3A_273] : memref<2x10000x144xf32, #tpu.memory_space<hbm>> -> memref<1x40x144xf32, #tpu.memory_space<hbm>>
        %dma_start3A_275 = tpu.memref_squeeze %dma_start3A_274 : memref<1x40x144xf32, #tpu.memory_space<hbm>> -> memref<40x144xf32, #tpu.memory_space<hbm>>
        %dma_start3A_276 = arith.constant 0 : i32
        %dma_start3A_277 = tpu.memref_slice %arg6[%arg0, %mul3A_270, %dma_start3A_276] : memref<2x10000x144xf32, #tpu.memory_space<hbm>> -> memref<1x40x144xf32, #tpu.memory_space<hbm>>
        %dma_start3A_278 = tpu.memref_squeeze %dma_start3A_277 : memref<1x40x144xf32, #tpu.memory_space<hbm>> -> memref<40x144xf32, #tpu.memory_space<hbm>>
        %dma_start3A_279 = arith.constant 0 : i32
        %dma_start3A_280 = arith.constant 0 : i32
        %dma_start3A_281 = tpu.memref_slice %arg13[%dma_start3A_279, %dma_start3A_280] : memref<40x144xf32, #tpu.memory_space<vmem>> -> memref<40x144xf32, #tpu.memory_space<vmem>>
        tpu.enqueue_dma source(%dma_start3A_281 : memref<40x144xf32, #tpu.memory_space<vmem>>) target(%dma_start3A_278 : memref<40x144xf32, #tpu.memory_space<hbm>>) target_semaphore(%run_scoped3A : memref<!tpu.dma_semaphore, #tpu.memory_space<semaphore_mem>>)
        %dma_wait3A = arith.constant 0 : i32
        %dma_wait3A_282 = arith.constant 0 : i32
        %dma_wait3A_283 = tpu.memref_slice %arg13[%dma_wait3A, %dma_wait3A_282] : memref<40x144xf32, #tpu.memory_space<vmem>> -> memref<40x144xf32, #tpu.memory_space<vmem>>
        %dma_wait3A_284 = arith.constant 0 : i32
        %dma_wait3A_285 = tpu.memref_slice %arg6[%arg0, %mul3A_270, %dma_wait3A_284] : memref<2x10000x144xf32, #tpu.memory_space<hbm>> -> memref<1x40x144xf32, #tpu.memory_space<hbm>>
        %dma_wait3A_286 = tpu.memref_squeeze %dma_wait3A_285 : memref<1x40x144xf32, #tpu.memory_space<hbm>> -> memref<40x144xf32, #tpu.memory_space<hbm>>
        %dma_wait3A_287 = arith.constant 0 : i32
        %dma_wait3A_288 = tpu.memref_slice %arg6[%arg0, %mul3A_270, %dma_wait3A_287] : memref<2x10000x144xf32, #tpu.memory_space<hbm>> -> memref<1x40x144xf32, #tpu.memory_space<hbm>>
        %dma_wait3A_289 = tpu.memref_squeeze %dma_wait3A_288 : memref<1x40x144xf32, #tpu.memory_space<hbm>> -> memref<40x144xf32, #tpu.memory_space<hbm>>
        %dma_wait3A_290 = arith.constant 0 : i32
        %dma_wait3A_291 = arith.constant 0 : i32
        %dma_wait3A_292 = tpu.memref_slice %arg13[%dma_wait3A_290, %dma_wait3A_291] : memref<40x144xf32, #tpu.memory_space<vmem>> -> memref<40x144xf32, #tpu.memory_space<vmem>>
        tpu.wait_dma2 semaphore(%run_scoped3A : memref<!tpu.dma_semaphore, #tpu.memory_space<semaphore_mem>>) src(%dma_wait3A_292 : memref<40x144xf32, #tpu.memory_space<vmem>>) dst(%dma_wait3A_289 : memref<40x144xf32, #tpu.memory_space<hbm>>)
        tpu.yield
      }) : () -> ()
    } else {
    }
    %add3A_232 = arith.constant 176 : i32
    %add3A_233 = arith.addi %arg1, %add3A_232 : i32
    %lt3A_234 = arith.constant 250 : i32
    %lt3A_235 = arith.cmpi slt, %add3A_233, %lt3A_234 : i32
    %convert_element_type3A_236 = arith.extui %lt3A_235 : i1 to i32
    %cond3A_237 = arith.constant 0 : i32
    %cond3A_238 = arith.cmpi ne, %convert_element_type3A_236, %cond3A_237 : i32
    scf.if %cond3A_238 {
      %mul3A_267 = arith.constant 40 : i32
      %mul3A_268 = arith.muli %add3A_233, %mul3A_267 : i32
      "tpu.region"() ({
        %run_scoped3A = tpu.sem_alloc : memref<!tpu.dma_semaphore, #tpu.memory_space<semaphore_mem>>
        %dma_start3A = arith.constant 0 : i32
        %dma_start3A_271 = arith.constant 0 : i32
        %dma_start3A_272 = tpu.memref_slice %arg13[%dma_start3A, %dma_start3A_271] : memref<40x144xf32, #tpu.memory_space<vmem>> -> memref<40x144xf32, #tpu.memory_space<vmem>>
        %dma_start3A_273 = arith.constant 0 : i32
        %dma_start3A_274 = tpu.memref_slice %arg15[%mul3A_268, %dma_start3A_273] : memref<10000x144xf32, #tpu.memory_space<vmem_shared>> -> memref<40x144xf32, #tpu.memory_space<vmem_shared>>
        %dma_start3A_275 = arith.constant 0 : i32
        %dma_start3A_276 = arith.constant 0 : i32
        %dma_start3A_277 = tpu.memref_slice %arg13[%dma_start3A_275, %dma_start3A_276] : memref<40x144xf32, #tpu.memory_space<vmem>> -> memref<40x144xf32, #tpu.memory_space<vmem>>
        %dma_start3A_278 = arith.constant 0 : i32
        %dma_start3A_279 = tpu.memref_slice %arg15[%mul3A_268, %dma_start3A_278] : memref<10000x144xf32, #tpu.memory_space<vmem_shared>> -> memref<40x144xf32, #tpu.memory_space<vmem_shared>>
        tpu.enqueue_dma source(%dma_start3A_279 : memref<40x144xf32, #tpu.memory_space<vmem_shared>>) target(%dma_start3A_277 : memref<40x144xf32, #tpu.memory_space<vmem>>) target_semaphore(%run_scoped3A : memref<!tpu.dma_semaphore, #tpu.memory_space<semaphore_mem>>)
        %dma_wait3A = arith.constant 0 : i32
        %dma_wait3A_280 = arith.constant 0 : i32
        %dma_wait3A_281 = tpu.memref_slice %arg13[%dma_wait3A, %dma_wait3A_280] : memref<40x144xf32, #tpu.memory_space<vmem>> -> memref<40x144xf32, #tpu.memory_space<vmem>>
        %dma_wait3A_282 = arith.constant 0 : i32
        %dma_wait3A_283 = tpu.memref_slice %arg15[%mul3A_268, %dma_wait3A_282] : memref<10000x144xf32, #tpu.memory_space<vmem_shared>> -> memref<40x144xf32, #tpu.memory_space<vmem_shared>>
        %dma_wait3A_284 = arith.constant 0 : i32
        %dma_wait3A_285 = arith.constant 0 : i32
        %dma_wait3A_286 = tpu.memref_slice %arg13[%dma_wait3A_284, %dma_wait3A_285] : memref<40x144xf32, #tpu.memory_space<vmem>> -> memref<40x144xf32, #tpu.memory_space<vmem>>
        %dma_wait3A_287 = arith.constant 0 : i32
        %dma_wait3A_288 = tpu.memref_slice %arg15[%mul3A_268, %dma_wait3A_287] : memref<10000x144xf32, #tpu.memory_space<vmem_shared>> -> memref<40x144xf32, #tpu.memory_space<vmem_shared>>
        tpu.wait_dma2 semaphore(%run_scoped3A : memref<!tpu.dma_semaphore, #tpu.memory_space<semaphore_mem>>) src(%dma_wait3A_288 : memref<40x144xf32, #tpu.memory_space<vmem_shared>>) dst(%dma_wait3A_286 : memref<40x144xf32, #tpu.memory_space<vmem>>)
        tpu.yield
      }) : () -> ()
      %mul3A_269 = arith.constant 40 : i32
      %mul3A_270 = arith.muli %add3A_233, %mul3A_269 : i32
      "tpu.region"() ({
        %run_scoped3A = tpu.sem_alloc : memref<!tpu.dma_semaphore, #tpu.memory_space<semaphore_mem>>
        %dma_start3A = arith.constant 0 : i32
        %dma_start3A_271 = arith.constant 0 : i32
        %dma_start3A_272 = tpu.memref_slice %arg13[%dma_start3A, %dma_start3A_271] : memref<40x144xf32, #tpu.memory_space<vmem>> -> memref<40x144xf32, #tpu.memory_space<vmem>>
        %dma_start3A_273 = arith.constant 0 : i32
        %dma_start3A_274 = tpu.memref_slice %arg6[%arg0, %mul3A_270, %dma_start3A_273] : memref<2x10000x144xf32, #tpu.memory_space<hbm>> -> memref<1x40x144xf32, #tpu.memory_space<hbm>>
        %dma_start3A_275 = tpu.memref_squeeze %dma_start3A_274 : memref<1x40x144xf32, #tpu.memory_space<hbm>> -> memref<40x144xf32, #tpu.memory_space<hbm>>
        %dma_start3A_276 = arith.constant 0 : i32
        %dma_start3A_277 = tpu.memref_slice %arg6[%arg0, %mul3A_270, %dma_start3A_276] : memref<2x10000x144xf32, #tpu.memory_space<hbm>> -> memref<1x40x144xf32, #tpu.memory_space<hbm>>
        %dma_start3A_278 = tpu.memref_squeeze %dma_start3A_277 : memref<1x40x144xf32, #tpu.memory_space<hbm>> -> memref<40x144xf32, #tpu.memory_space<hbm>>
        %dma_start3A_279 = arith.constant 0 : i32
        %dma_start3A_280 = arith.constant 0 : i32
        %dma_start3A_281 = tpu.memref_slice %arg13[%dma_start3A_279, %dma_start3A_280] : memref<40x144xf32, #tpu.memory_space<vmem>> -> memref<40x144xf32, #tpu.memory_space<vmem>>
        tpu.enqueue_dma source(%dma_start3A_281 : memref<40x144xf32, #tpu.memory_space<vmem>>) target(%dma_start3A_278 : memref<40x144xf32, #tpu.memory_space<hbm>>) target_semaphore(%run_scoped3A : memref<!tpu.dma_semaphore, #tpu.memory_space<semaphore_mem>>)
        %dma_wait3A = arith.constant 0 : i32
        %dma_wait3A_282 = arith.constant 0 : i32
        %dma_wait3A_283 = tpu.memref_slice %arg13[%dma_wait3A, %dma_wait3A_282] : memref<40x144xf32, #tpu.memory_space<vmem>> -> memref<40x144xf32, #tpu.memory_space<vmem>>
        %dma_wait3A_284 = arith.constant 0 : i32
        %dma_wait3A_285 = tpu.memref_slice %arg6[%arg0, %mul3A_270, %dma_wait3A_284] : memref<2x10000x144xf32, #tpu.memory_space<hbm>> -> memref<1x40x144xf32, #tpu.memory_space<hbm>>
        %dma_wait3A_286 = tpu.memref_squeeze %dma_wait3A_285 : memref<1x40x144xf32, #tpu.memory_space<hbm>> -> memref<40x144xf32, #tpu.memory_space<hbm>>
        %dma_wait3A_287 = arith.constant 0 : i32
        %dma_wait3A_288 = tpu.memref_slice %arg6[%arg0, %mul3A_270, %dma_wait3A_287] : memref<2x10000x144xf32, #tpu.memory_space<hbm>> -> memref<1x40x144xf32, #tpu.memory_space<hbm>>
        %dma_wait3A_289 = tpu.memref_squeeze %dma_wait3A_288 : memref<1x40x144xf32, #tpu.memory_space<hbm>> -> memref<40x144xf32, #tpu.memory_space<hbm>>
        %dma_wait3A_290 = arith.constant 0 : i32
        %dma_wait3A_291 = arith.constant 0 : i32
        %dma_wait3A_292 = tpu.memref_slice %arg13[%dma_wait3A_290, %dma_wait3A_291] : memref<40x144xf32, #tpu.memory_space<vmem>> -> memref<40x144xf32, #tpu.memory_space<vmem>>
        tpu.wait_dma2 semaphore(%run_scoped3A : memref<!tpu.dma_semaphore, #tpu.memory_space<semaphore_mem>>) src(%dma_wait3A_292 : memref<40x144xf32, #tpu.memory_space<vmem>>) dst(%dma_wait3A_289 : memref<40x144xf32, #tpu.memory_space<hbm>>)
        tpu.yield
      }) : () -> ()
    } else {
    }
    %add3A_239 = arith.constant 192 : i32
    %add3A_240 = arith.addi %arg1, %add3A_239 : i32
    %lt3A_241 = arith.constant 250 : i32
    %lt3A_242 = arith.cmpi slt, %add3A_240, %lt3A_241 : i32
    %convert_element_type3A_243 = arith.extui %lt3A_242 : i1 to i32
    %cond3A_244 = arith.constant 0 : i32
    %cond3A_245 = arith.cmpi ne, %convert_element_type3A_243, %cond3A_244 : i32
    scf.if %cond3A_245 {
      %mul3A_267 = arith.constant 40 : i32
      %mul3A_268 = arith.muli %add3A_240, %mul3A_267 : i32
      "tpu.region"() ({
        %run_scoped3A = tpu.sem_alloc : memref<!tpu.dma_semaphore, #tpu.memory_space<semaphore_mem>>
        %dma_start3A = arith.constant 0 : i32
        %dma_start3A_271 = arith.constant 0 : i32
        %dma_start3A_272 = tpu.memref_slice %arg13[%dma_start3A, %dma_start3A_271] : memref<40x144xf32, #tpu.memory_space<vmem>> -> memref<40x144xf32, #tpu.memory_space<vmem>>
        %dma_start3A_273 = arith.constant 0 : i32
        %dma_start3A_274 = tpu.memref_slice %arg15[%mul3A_268, %dma_start3A_273] : memref<10000x144xf32, #tpu.memory_space<vmem_shared>> -> memref<40x144xf32, #tpu.memory_space<vmem_shared>>
        %dma_start3A_275 = arith.constant 0 : i32
        %dma_start3A_276 = arith.constant 0 : i32
        %dma_start3A_277 = tpu.memref_slice %arg13[%dma_start3A_275, %dma_start3A_276] : memref<40x144xf32, #tpu.memory_space<vmem>> -> memref<40x144xf32, #tpu.memory_space<vmem>>
        %dma_start3A_278 = arith.constant 0 : i32
        %dma_start3A_279 = tpu.memref_slice %arg15[%mul3A_268, %dma_start3A_278] : memref<10000x144xf32, #tpu.memory_space<vmem_shared>> -> memref<40x144xf32, #tpu.memory_space<vmem_shared>>
        tpu.enqueue_dma source(%dma_start3A_279 : memref<40x144xf32, #tpu.memory_space<vmem_shared>>) target(%dma_start3A_277 : memref<40x144xf32, #tpu.memory_space<vmem>>) target_semaphore(%run_scoped3A : memref<!tpu.dma_semaphore, #tpu.memory_space<semaphore_mem>>)
        %dma_wait3A = arith.constant 0 : i32
        %dma_wait3A_280 = arith.constant 0 : i32
        %dma_wait3A_281 = tpu.memref_slice %arg13[%dma_wait3A, %dma_wait3A_280] : memref<40x144xf32, #tpu.memory_space<vmem>> -> memref<40x144xf32, #tpu.memory_space<vmem>>
        %dma_wait3A_282 = arith.constant 0 : i32
        %dma_wait3A_283 = tpu.memref_slice %arg15[%mul3A_268, %dma_wait3A_282] : memref<10000x144xf32, #tpu.memory_space<vmem_shared>> -> memref<40x144xf32, #tpu.memory_space<vmem_shared>>
        %dma_wait3A_284 = arith.constant 0 : i32
        %dma_wait3A_285 = arith.constant 0 : i32
        %dma_wait3A_286 = tpu.memref_slice %arg13[%dma_wait3A_284, %dma_wait3A_285] : memref<40x144xf32, #tpu.memory_space<vmem>> -> memref<40x144xf32, #tpu.memory_space<vmem>>
        %dma_wait3A_287 = arith.constant 0 : i32
        %dma_wait3A_288 = tpu.memref_slice %arg15[%mul3A_268, %dma_wait3A_287] : memref<10000x144xf32, #tpu.memory_space<vmem_shared>> -> memref<40x144xf32, #tpu.memory_space<vmem_shared>>
        tpu.wait_dma2 semaphore(%run_scoped3A : memref<!tpu.dma_semaphore, #tpu.memory_space<semaphore_mem>>) src(%dma_wait3A_288 : memref<40x144xf32, #tpu.memory_space<vmem_shared>>) dst(%dma_wait3A_286 : memref<40x144xf32, #tpu.memory_space<vmem>>)
        tpu.yield
      }) : () -> ()
      %mul3A_269 = arith.constant 40 : i32
      %mul3A_270 = arith.muli %add3A_240, %mul3A_269 : i32
      "tpu.region"() ({
        %run_scoped3A = tpu.sem_alloc : memref<!tpu.dma_semaphore, #tpu.memory_space<semaphore_mem>>
        %dma_start3A = arith.constant 0 : i32
        %dma_start3A_271 = arith.constant 0 : i32
        %dma_start3A_272 = tpu.memref_slice %arg13[%dma_start3A, %dma_start3A_271] : memref<40x144xf32, #tpu.memory_space<vmem>> -> memref<40x144xf32, #tpu.memory_space<vmem>>
        %dma_start3A_273 = arith.constant 0 : i32
        %dma_start3A_274 = tpu.memref_slice %arg6[%arg0, %mul3A_270, %dma_start3A_273] : memref<2x10000x144xf32, #tpu.memory_space<hbm>> -> memref<1x40x144xf32, #tpu.memory_space<hbm>>
        %dma_start3A_275 = tpu.memref_squeeze %dma_start3A_274 : memref<1x40x144xf32, #tpu.memory_space<hbm>> -> memref<40x144xf32, #tpu.memory_space<hbm>>
        %dma_start3A_276 = arith.constant 0 : i32
        %dma_start3A_277 = tpu.memref_slice %arg6[%arg0, %mul3A_270, %dma_start3A_276] : memref<2x10000x144xf32, #tpu.memory_space<hbm>> -> memref<1x40x144xf32, #tpu.memory_space<hbm>>
        %dma_start3A_278 = tpu.memref_squeeze %dma_start3A_277 : memref<1x40x144xf32, #tpu.memory_space<hbm>> -> memref<40x144xf32, #tpu.memory_space<hbm>>
        %dma_start3A_279 = arith.constant 0 : i32
        %dma_start3A_280 = arith.constant 0 : i32
        %dma_start3A_281 = tpu.memref_slice %arg13[%dma_start3A_279, %dma_start3A_280] : memref<40x144xf32, #tpu.memory_space<vmem>> -> memref<40x144xf32, #tpu.memory_space<vmem>>
        tpu.enqueue_dma source(%dma_start3A_281 : memref<40x144xf32, #tpu.memory_space<vmem>>) target(%dma_start3A_278 : memref<40x144xf32, #tpu.memory_space<hbm>>) target_semaphore(%run_scoped3A : memref<!tpu.dma_semaphore, #tpu.memory_space<semaphore_mem>>)
        %dma_wait3A = arith.constant 0 : i32
        %dma_wait3A_282 = arith.constant 0 : i32
        %dma_wait3A_283 = tpu.memref_slice %arg13[%dma_wait3A, %dma_wait3A_282] : memref<40x144xf32, #tpu.memory_space<vmem>> -> memref<40x144xf32, #tpu.memory_space<vmem>>
        %dma_wait3A_284 = arith.constant 0 : i32
        %dma_wait3A_285 = tpu.memref_slice %arg6[%arg0, %mul3A_270, %dma_wait3A_284] : memref<2x10000x144xf32, #tpu.memory_space<hbm>> -> memref<1x40x144xf32, #tpu.memory_space<hbm>>
        %dma_wait3A_286 = tpu.memref_squeeze %dma_wait3A_285 : memref<1x40x144xf32, #tpu.memory_space<hbm>> -> memref<40x144xf32, #tpu.memory_space<hbm>>
        %dma_wait3A_287 = arith.constant 0 : i32
        %dma_wait3A_288 = tpu.memref_slice %arg6[%arg0, %mul3A_270, %dma_wait3A_287] : memref<2x10000x144xf32, #tpu.memory_space<hbm>> -> memref<1x40x144xf32, #tpu.memory_space<hbm>>
        %dma_wait3A_289 = tpu.memref_squeeze %dma_wait3A_288 : memref<1x40x144xf32, #tpu.memory_space<hbm>> -> memref<40x144xf32, #tpu.memory_space<hbm>>
        %dma_wait3A_290 = arith.constant 0 : i32
        %dma_wait3A_291 = arith.constant 0 : i32
        %dma_wait3A_292 = tpu.memref_slice %arg13[%dma_wait3A_290, %dma_wait3A_291] : memref<40x144xf32, #tpu.memory_space<vmem>> -> memref<40x144xf32, #tpu.memory_space<vmem>>
        tpu.wait_dma2 semaphore(%run_scoped3A : memref<!tpu.dma_semaphore, #tpu.memory_space<semaphore_mem>>) src(%dma_wait3A_292 : memref<40x144xf32, #tpu.memory_space<vmem>>) dst(%dma_wait3A_289 : memref<40x144xf32, #tpu.memory_space<hbm>>)
        tpu.yield
      }) : () -> ()
    } else {
    }
    %add3A_246 = arith.constant 208 : i32
    %add3A_247 = arith.addi %arg1, %add3A_246 : i32
    %lt3A_248 = arith.constant 250 : i32
    %lt3A_249 = arith.cmpi slt, %add3A_247, %lt3A_248 : i32
    %convert_element_type3A_250 = arith.extui %lt3A_249 : i1 to i32
    %cond3A_251 = arith.constant 0 : i32
    %cond3A_252 = arith.cmpi ne, %convert_element_type3A_250, %cond3A_251 : i32
    scf.if %cond3A_252 {
      %mul3A_267 = arith.constant 40 : i32
      %mul3A_268 = arith.muli %add3A_247, %mul3A_267 : i32
      "tpu.region"() ({
        %run_scoped3A = tpu.sem_alloc : memref<!tpu.dma_semaphore, #tpu.memory_space<semaphore_mem>>
        %dma_start3A = arith.constant 0 : i32
        %dma_start3A_271 = arith.constant 0 : i32
        %dma_start3A_272 = tpu.memref_slice %arg13[%dma_start3A, %dma_start3A_271] : memref<40x144xf32, #tpu.memory_space<vmem>> -> memref<40x144xf32, #tpu.memory_space<vmem>>
        %dma_start3A_273 = arith.constant 0 : i32
        %dma_start3A_274 = tpu.memref_slice %arg15[%mul3A_268, %dma_start3A_273] : memref<10000x144xf32, #tpu.memory_space<vmem_shared>> -> memref<40x144xf32, #tpu.memory_space<vmem_shared>>
        %dma_start3A_275 = arith.constant 0 : i32
        %dma_start3A_276 = arith.constant 0 : i32
        %dma_start3A_277 = tpu.memref_slice %arg13[%dma_start3A_275, %dma_start3A_276] : memref<40x144xf32, #tpu.memory_space<vmem>> -> memref<40x144xf32, #tpu.memory_space<vmem>>
        %dma_start3A_278 = arith.constant 0 : i32
        %dma_start3A_279 = tpu.memref_slice %arg15[%mul3A_268, %dma_start3A_278] : memref<10000x144xf32, #tpu.memory_space<vmem_shared>> -> memref<40x144xf32, #tpu.memory_space<vmem_shared>>
        tpu.enqueue_dma source(%dma_start3A_279 : memref<40x144xf32, #tpu.memory_space<vmem_shared>>) target(%dma_start3A_277 : memref<40x144xf32, #tpu.memory_space<vmem>>) target_semaphore(%run_scoped3A : memref<!tpu.dma_semaphore, #tpu.memory_space<semaphore_mem>>)
        %dma_wait3A = arith.constant 0 : i32
        %dma_wait3A_280 = arith.constant 0 : i32
        %dma_wait3A_281 = tpu.memref_slice %arg13[%dma_wait3A, %dma_wait3A_280] : memref<40x144xf32, #tpu.memory_space<vmem>> -> memref<40x144xf32, #tpu.memory_space<vmem>>
        %dma_wait3A_282 = arith.constant 0 : i32
        %dma_wait3A_283 = tpu.memref_slice %arg15[%mul3A_268, %dma_wait3A_282] : memref<10000x144xf32, #tpu.memory_space<vmem_shared>> -> memref<40x144xf32, #tpu.memory_space<vmem_shared>>
        %dma_wait3A_284 = arith.constant 0 : i32
        %dma_wait3A_285 = arith.constant 0 : i32
        %dma_wait3A_286 = tpu.memref_slice %arg13[%dma_wait3A_284, %dma_wait3A_285] : memref<40x144xf32, #tpu.memory_space<vmem>> -> memref<40x144xf32, #tpu.memory_space<vmem>>
        %dma_wait3A_287 = arith.constant 0 : i32
        %dma_wait3A_288 = tpu.memref_slice %arg15[%mul3A_268, %dma_wait3A_287] : memref<10000x144xf32, #tpu.memory_space<vmem_shared>> -> memref<40x144xf32, #tpu.memory_space<vmem_shared>>
        tpu.wait_dma2 semaphore(%run_scoped3A : memref<!tpu.dma_semaphore, #tpu.memory_space<semaphore_mem>>) src(%dma_wait3A_288 : memref<40x144xf32, #tpu.memory_space<vmem_shared>>) dst(%dma_wait3A_286 : memref<40x144xf32, #tpu.memory_space<vmem>>)
        tpu.yield
      }) : () -> ()
      %mul3A_269 = arith.constant 40 : i32
      %mul3A_270 = arith.muli %add3A_247, %mul3A_269 : i32
      "tpu.region"() ({
        %run_scoped3A = tpu.sem_alloc : memref<!tpu.dma_semaphore, #tpu.memory_space<semaphore_mem>>
        %dma_start3A = arith.constant 0 : i32
        %dma_start3A_271 = arith.constant 0 : i32
        %dma_start3A_272 = tpu.memref_slice %arg13[%dma_start3A, %dma_start3A_271] : memref<40x144xf32, #tpu.memory_space<vmem>> -> memref<40x144xf32, #tpu.memory_space<vmem>>
        %dma_start3A_273 = arith.constant 0 : i32
        %dma_start3A_274 = tpu.memref_slice %arg6[%arg0, %mul3A_270, %dma_start3A_273] : memref<2x10000x144xf32, #tpu.memory_space<hbm>> -> memref<1x40x144xf32, #tpu.memory_space<hbm>>
        %dma_start3A_275 = tpu.memref_squeeze %dma_start3A_274 : memref<1x40x144xf32, #tpu.memory_space<hbm>> -> memref<40x144xf32, #tpu.memory_space<hbm>>
        %dma_start3A_276 = arith.constant 0 : i32
        %dma_start3A_277 = tpu.memref_slice %arg6[%arg0, %mul3A_270, %dma_start3A_276] : memref<2x10000x144xf32, #tpu.memory_space<hbm>> -> memref<1x40x144xf32, #tpu.memory_space<hbm>>
        %dma_start3A_278 = tpu.memref_squeeze %dma_start3A_277 : memref<1x40x144xf32, #tpu.memory_space<hbm>> -> memref<40x144xf32, #tpu.memory_space<hbm>>
        %dma_start3A_279 = arith.constant 0 : i32
        %dma_start3A_280 = arith.constant 0 : i32
        %dma_start3A_281 = tpu.memref_slice %arg13[%dma_start3A_279, %dma_start3A_280] : memref<40x144xf32, #tpu.memory_space<vmem>> -> memref<40x144xf32, #tpu.memory_space<vmem>>
        tpu.enqueue_dma source(%dma_start3A_281 : memref<40x144xf32, #tpu.memory_space<vmem>>) target(%dma_start3A_278 : memref<40x144xf32, #tpu.memory_space<hbm>>) target_semaphore(%run_scoped3A : memref<!tpu.dma_semaphore, #tpu.memory_space<semaphore_mem>>)
        %dma_wait3A = arith.constant 0 : i32
        %dma_wait3A_282 = arith.constant 0 : i32
        %dma_wait3A_283 = tpu.memref_slice %arg13[%dma_wait3A, %dma_wait3A_282] : memref<40x144xf32, #tpu.memory_space<vmem>> -> memref<40x144xf32, #tpu.memory_space<vmem>>
        %dma_wait3A_284 = arith.constant 0 : i32
        %dma_wait3A_285 = tpu.memref_slice %arg6[%arg0, %mul3A_270, %dma_wait3A_284] : memref<2x10000x144xf32, #tpu.memory_space<hbm>> -> memref<1x40x144xf32, #tpu.memory_space<hbm>>
        %dma_wait3A_286 = tpu.memref_squeeze %dma_wait3A_285 : memref<1x40x144xf32, #tpu.memory_space<hbm>> -> memref<40x144xf32, #tpu.memory_space<hbm>>
        %dma_wait3A_287 = arith.constant 0 : i32
        %dma_wait3A_288 = tpu.memref_slice %arg6[%arg0, %mul3A_270, %dma_wait3A_287] : memref<2x10000x144xf32, #tpu.memory_space<hbm>> -> memref<1x40x144xf32, #tpu.memory_space<hbm>>
        %dma_wait3A_289 = tpu.memref_squeeze %dma_wait3A_288 : memref<1x40x144xf32, #tpu.memory_space<hbm>> -> memref<40x144xf32, #tpu.memory_space<hbm>>
        %dma_wait3A_290 = arith.constant 0 : i32
        %dma_wait3A_291 = arith.constant 0 : i32
        %dma_wait3A_292 = tpu.memref_slice %arg13[%dma_wait3A_290, %dma_wait3A_291] : memref<40x144xf32, #tpu.memory_space<vmem>> -> memref<40x144xf32, #tpu.memory_space<vmem>>
        tpu.wait_dma2 semaphore(%run_scoped3A : memref<!tpu.dma_semaphore, #tpu.memory_space<semaphore_mem>>) src(%dma_wait3A_292 : memref<40x144xf32, #tpu.memory_space<vmem>>) dst(%dma_wait3A_289 : memref<40x144xf32, #tpu.memory_space<hbm>>)
        tpu.yield
      }) : () -> ()
    } else {
    }
    %add3A_253 = arith.constant 224 : i32
    %add3A_254 = arith.addi %arg1, %add3A_253 : i32
    %lt3A_255 = arith.constant 250 : i32
    %lt3A_256 = arith.cmpi slt, %add3A_254, %lt3A_255 : i32
    %convert_element_type3A_257 = arith.extui %lt3A_256 : i1 to i32
    %cond3A_258 = arith.constant 0 : i32
    %cond3A_259 = arith.cmpi ne, %convert_element_type3A_257, %cond3A_258 : i32
    scf.if %cond3A_259 {
      %mul3A_267 = arith.constant 40 : i32
      %mul3A_268 = arith.muli %add3A_254, %mul3A_267 : i32
      "tpu.region"() ({
        %run_scoped3A = tpu.sem_alloc : memref<!tpu.dma_semaphore, #tpu.memory_space<semaphore_mem>>
        %dma_start3A = arith.constant 0 : i32
        %dma_start3A_271 = arith.constant 0 : i32
        %dma_start3A_272 = tpu.memref_slice %arg13[%dma_start3A, %dma_start3A_271] : memref<40x144xf32, #tpu.memory_space<vmem>> -> memref<40x144xf32, #tpu.memory_space<vmem>>
        %dma_start3A_273 = arith.constant 0 : i32
        %dma_start3A_274 = tpu.memref_slice %arg15[%mul3A_268, %dma_start3A_273] : memref<10000x144xf32, #tpu.memory_space<vmem_shared>> -> memref<40x144xf32, #tpu.memory_space<vmem_shared>>
        %dma_start3A_275 = arith.constant 0 : i32
        %dma_start3A_276 = arith.constant 0 : i32
        %dma_start3A_277 = tpu.memref_slice %arg13[%dma_start3A_275, %dma_start3A_276] : memref<40x144xf32, #tpu.memory_space<vmem>> -> memref<40x144xf32, #tpu.memory_space<vmem>>
        %dma_start3A_278 = arith.constant 0 : i32
        %dma_start3A_279 = tpu.memref_slice %arg15[%mul3A_268, %dma_start3A_278] : memref<10000x144xf32, #tpu.memory_space<vmem_shared>> -> memref<40x144xf32, #tpu.memory_space<vmem_shared>>
        tpu.enqueue_dma source(%dma_start3A_279 : memref<40x144xf32, #tpu.memory_space<vmem_shared>>) target(%dma_start3A_277 : memref<40x144xf32, #tpu.memory_space<vmem>>) target_semaphore(%run_scoped3A : memref<!tpu.dma_semaphore, #tpu.memory_space<semaphore_mem>>)
        %dma_wait3A = arith.constant 0 : i32
        %dma_wait3A_280 = arith.constant 0 : i32
        %dma_wait3A_281 = tpu.memref_slice %arg13[%dma_wait3A, %dma_wait3A_280] : memref<40x144xf32, #tpu.memory_space<vmem>> -> memref<40x144xf32, #tpu.memory_space<vmem>>
        %dma_wait3A_282 = arith.constant 0 : i32
        %dma_wait3A_283 = tpu.memref_slice %arg15[%mul3A_268, %dma_wait3A_282] : memref<10000x144xf32, #tpu.memory_space<vmem_shared>> -> memref<40x144xf32, #tpu.memory_space<vmem_shared>>
        %dma_wait3A_284 = arith.constant 0 : i32
        %dma_wait3A_285 = arith.constant 0 : i32
        %dma_wait3A_286 = tpu.memref_slice %arg13[%dma_wait3A_284, %dma_wait3A_285] : memref<40x144xf32, #tpu.memory_space<vmem>> -> memref<40x144xf32, #tpu.memory_space<vmem>>
        %dma_wait3A_287 = arith.constant 0 : i32
        %dma_wait3A_288 = tpu.memref_slice %arg15[%mul3A_268, %dma_wait3A_287] : memref<10000x144xf32, #tpu.memory_space<vmem_shared>> -> memref<40x144xf32, #tpu.memory_space<vmem_shared>>
        tpu.wait_dma2 semaphore(%run_scoped3A : memref<!tpu.dma_semaphore, #tpu.memory_space<semaphore_mem>>) src(%dma_wait3A_288 : memref<40x144xf32, #tpu.memory_space<vmem_shared>>) dst(%dma_wait3A_286 : memref<40x144xf32, #tpu.memory_space<vmem>>)
        tpu.yield
      }) : () -> ()
      %mul3A_269 = arith.constant 40 : i32
      %mul3A_270 = arith.muli %add3A_254, %mul3A_269 : i32
      "tpu.region"() ({
        %run_scoped3A = tpu.sem_alloc : memref<!tpu.dma_semaphore, #tpu.memory_space<semaphore_mem>>
        %dma_start3A = arith.constant 0 : i32
        %dma_start3A_271 = arith.constant 0 : i32
        %dma_start3A_272 = tpu.memref_slice %arg13[%dma_start3A, %dma_start3A_271] : memref<40x144xf32, #tpu.memory_space<vmem>> -> memref<40x144xf32, #tpu.memory_space<vmem>>
        %dma_start3A_273 = arith.constant 0 : i32
        %dma_start3A_274 = tpu.memref_slice %arg6[%arg0, %mul3A_270, %dma_start3A_273] : memref<2x10000x144xf32, #tpu.memory_space<hbm>> -> memref<1x40x144xf32, #tpu.memory_space<hbm>>
        %dma_start3A_275 = tpu.memref_squeeze %dma_start3A_274 : memref<1x40x144xf32, #tpu.memory_space<hbm>> -> memref<40x144xf32, #tpu.memory_space<hbm>>
        %dma_start3A_276 = arith.constant 0 : i32
        %dma_start3A_277 = tpu.memref_slice %arg6[%arg0, %mul3A_270, %dma_start3A_276] : memref<2x10000x144xf32, #tpu.memory_space<hbm>> -> memref<1x40x144xf32, #tpu.memory_space<hbm>>
        %dma_start3A_278 = tpu.memref_squeeze %dma_start3A_277 : memref<1x40x144xf32, #tpu.memory_space<hbm>> -> memref<40x144xf32, #tpu.memory_space<hbm>>
        %dma_start3A_279 = arith.constant 0 : i32
        %dma_start3A_280 = arith.constant 0 : i32
        %dma_start3A_281 = tpu.memref_slice %arg13[%dma_start3A_279, %dma_start3A_280] : memref<40x144xf32, #tpu.memory_space<vmem>> -> memref<40x144xf32, #tpu.memory_space<vmem>>
        tpu.enqueue_dma source(%dma_start3A_281 : memref<40x144xf32, #tpu.memory_space<vmem>>) target(%dma_start3A_278 : memref<40x144xf32, #tpu.memory_space<hbm>>) target_semaphore(%run_scoped3A : memref<!tpu.dma_semaphore, #tpu.memory_space<semaphore_mem>>)
        %dma_wait3A = arith.constant 0 : i32
        %dma_wait3A_282 = arith.constant 0 : i32
        %dma_wait3A_283 = tpu.memref_slice %arg13[%dma_wait3A, %dma_wait3A_282] : memref<40x144xf32, #tpu.memory_space<vmem>> -> memref<40x144xf32, #tpu.memory_space<vmem>>
        %dma_wait3A_284 = arith.constant 0 : i32
        %dma_wait3A_285 = tpu.memref_slice %arg6[%arg0, %mul3A_270, %dma_wait3A_284] : memref<2x10000x144xf32, #tpu.memory_space<hbm>> -> memref<1x40x144xf32, #tpu.memory_space<hbm>>
        %dma_wait3A_286 = tpu.memref_squeeze %dma_wait3A_285 : memref<1x40x144xf32, #tpu.memory_space<hbm>> -> memref<40x144xf32, #tpu.memory_space<hbm>>
        %dma_wait3A_287 = arith.constant 0 : i32
        %dma_wait3A_288 = tpu.memref_slice %arg6[%arg0, %mul3A_270, %dma_wait3A_287] : memref<2x10000x144xf32, #tpu.memory_space<hbm>> -> memref<1x40x144xf32, #tpu.memory_space<hbm>>
        %dma_wait3A_289 = tpu.memref_squeeze %dma_wait3A_288 : memref<1x40x144xf32, #tpu.memory_space<hbm>> -> memref<40x144xf32, #tpu.memory_space<hbm>>
        %dma_wait3A_290 = arith.constant 0 : i32
        %dma_wait3A_291 = arith.constant 0 : i32
        %dma_wait3A_292 = tpu.memref_slice %arg13[%dma_wait3A_290, %dma_wait3A_291] : memref<40x144xf32, #tpu.memory_space<vmem>> -> memref<40x144xf32, #tpu.memory_space<vmem>>
        tpu.wait_dma2 semaphore(%run_scoped3A : memref<!tpu.dma_semaphore, #tpu.memory_space<semaphore_mem>>) src(%dma_wait3A_292 : memref<40x144xf32, #tpu.memory_space<vmem>>) dst(%dma_wait3A_289 : memref<40x144xf32, #tpu.memory_space<hbm>>)
        tpu.yield
      }) : () -> ()
    } else {
    }
    %add3A_260 = arith.constant 240 : i32
    %add3A_261 = arith.addi %arg1, %add3A_260 : i32
    %lt3A_262 = arith.constant 250 : i32
    %lt3A_263 = arith.cmpi slt, %add3A_261, %lt3A_262 : i32
    %convert_element_type3A_264 = arith.extui %lt3A_263 : i1 to i32
    %cond3A_265 = arith.constant 0 : i32
    %cond3A_266 = arith.cmpi ne, %convert_element_type3A_264, %cond3A_265 : i32
    scf.if %cond3A_266 {
      %mul3A_267 = arith.constant 40 : i32
      %mul3A_268 = arith.muli %add3A_261, %mul3A_267 : i32
      "tpu.region"() ({
        %run_scoped3A = tpu.sem_alloc : memref<!tpu.dma_semaphore, #tpu.memory_space<semaphore_mem>>
        %dma_start3A = arith.constant 0 : i32
        %dma_start3A_271 = arith.constant 0 : i32
        %dma_start3A_272 = tpu.memref_slice %arg13[%dma_start3A, %dma_start3A_271] : memref<40x144xf32, #tpu.memory_space<vmem>> -> memref<40x144xf32, #tpu.memory_space<vmem>>
        %dma_start3A_273 = arith.constant 0 : i32
        %dma_start3A_274 = tpu.memref_slice %arg15[%mul3A_268, %dma_start3A_273] : memref<10000x144xf32, #tpu.memory_space<vmem_shared>> -> memref<40x144xf32, #tpu.memory_space<vmem_shared>>
        %dma_start3A_275 = arith.constant 0 : i32
        %dma_start3A_276 = arith.constant 0 : i32
        %dma_start3A_277 = tpu.memref_slice %arg13[%dma_start3A_275, %dma_start3A_276] : memref<40x144xf32, #tpu.memory_space<vmem>> -> memref<40x144xf32, #tpu.memory_space<vmem>>
        %dma_start3A_278 = arith.constant 0 : i32
        %dma_start3A_279 = tpu.memref_slice %arg15[%mul3A_268, %dma_start3A_278] : memref<10000x144xf32, #tpu.memory_space<vmem_shared>> -> memref<40x144xf32, #tpu.memory_space<vmem_shared>>
        tpu.enqueue_dma source(%dma_start3A_279 : memref<40x144xf32, #tpu.memory_space<vmem_shared>>) target(%dma_start3A_277 : memref<40x144xf32, #tpu.memory_space<vmem>>) target_semaphore(%run_scoped3A : memref<!tpu.dma_semaphore, #tpu.memory_space<semaphore_mem>>)
        %dma_wait3A = arith.constant 0 : i32
        %dma_wait3A_280 = arith.constant 0 : i32
        %dma_wait3A_281 = tpu.memref_slice %arg13[%dma_wait3A, %dma_wait3A_280] : memref<40x144xf32, #tpu.memory_space<vmem>> -> memref<40x144xf32, #tpu.memory_space<vmem>>
        %dma_wait3A_282 = arith.constant 0 : i32
        %dma_wait3A_283 = tpu.memref_slice %arg15[%mul3A_268, %dma_wait3A_282] : memref<10000x144xf32, #tpu.memory_space<vmem_shared>> -> memref<40x144xf32, #tpu.memory_space<vmem_shared>>
        %dma_wait3A_284 = arith.constant 0 : i32
        %dma_wait3A_285 = arith.constant 0 : i32
        %dma_wait3A_286 = tpu.memref_slice %arg13[%dma_wait3A_284, %dma_wait3A_285] : memref<40x144xf32, #tpu.memory_space<vmem>> -> memref<40x144xf32, #tpu.memory_space<vmem>>
        %dma_wait3A_287 = arith.constant 0 : i32
        %dma_wait3A_288 = tpu.memref_slice %arg15[%mul3A_268, %dma_wait3A_287] : memref<10000x144xf32, #tpu.memory_space<vmem_shared>> -> memref<40x144xf32, #tpu.memory_space<vmem_shared>>
        tpu.wait_dma2 semaphore(%run_scoped3A : memref<!tpu.dma_semaphore, #tpu.memory_space<semaphore_mem>>) src(%dma_wait3A_288 : memref<40x144xf32, #tpu.memory_space<vmem_shared>>) dst(%dma_wait3A_286 : memref<40x144xf32, #tpu.memory_space<vmem>>)
        tpu.yield
      }) : () -> ()
      %mul3A_269 = arith.constant 40 : i32
      %mul3A_270 = arith.muli %add3A_261, %mul3A_269 : i32
      "tpu.region"() ({
        %run_scoped3A = tpu.sem_alloc : memref<!tpu.dma_semaphore, #tpu.memory_space<semaphore_mem>>
        %dma_start3A = arith.constant 0 : i32
        %dma_start3A_271 = arith.constant 0 : i32
        %dma_start3A_272 = tpu.memref_slice %arg13[%dma_start3A, %dma_start3A_271] : memref<40x144xf32, #tpu.memory_space<vmem>> -> memref<40x144xf32, #tpu.memory_space<vmem>>
        %dma_start3A_273 = arith.constant 0 : i32
        %dma_start3A_274 = tpu.memref_slice %arg6[%arg0, %mul3A_270, %dma_start3A_273] : memref<2x10000x144xf32, #tpu.memory_space<hbm>> -> memref<1x40x144xf32, #tpu.memory_space<hbm>>
        %dma_start3A_275 = tpu.memref_squeeze %dma_start3A_274 : memref<1x40x144xf32, #tpu.memory_space<hbm>> -> memref<40x144xf32, #tpu.memory_space<hbm>>
        %dma_start3A_276 = arith.constant 0 : i32
        %dma_start3A_277 = tpu.memref_slice %arg6[%arg0, %mul3A_270, %dma_start3A_276] : memref<2x10000x144xf32, #tpu.memory_space<hbm>> -> memref<1x40x144xf32, #tpu.memory_space<hbm>>
        %dma_start3A_278 = tpu.memref_squeeze %dma_start3A_277 : memref<1x40x144xf32, #tpu.memory_space<hbm>> -> memref<40x144xf32, #tpu.memory_space<hbm>>
        %dma_start3A_279 = arith.constant 0 : i32
        %dma_start3A_280 = arith.constant 0 : i32
        %dma_start3A_281 = tpu.memref_slice %arg13[%dma_start3A_279, %dma_start3A_280] : memref<40x144xf32, #tpu.memory_space<vmem>> -> memref<40x144xf32, #tpu.memory_space<vmem>>
        tpu.enqueue_dma source(%dma_start3A_281 : memref<40x144xf32, #tpu.memory_space<vmem>>) target(%dma_start3A_278 : memref<40x144xf32, #tpu.memory_space<hbm>>) target_semaphore(%run_scoped3A : memref<!tpu.dma_semaphore, #tpu.memory_space<semaphore_mem>>)
        %dma_wait3A = arith.constant 0 : i32
        %dma_wait3A_282 = arith.constant 0 : i32
        %dma_wait3A_283 = tpu.memref_slice %arg13[%dma_wait3A, %dma_wait3A_282] : memref<40x144xf32, #tpu.memory_space<vmem>> -> memref<40x144xf32, #tpu.memory_space<vmem>>
        %dma_wait3A_284 = arith.constant 0 : i32
        %dma_wait3A_285 = tpu.memref_slice %arg6[%arg0, %mul3A_270, %dma_wait3A_284] : memref<2x10000x144xf32, #tpu.memory_space<hbm>> -> memref<1x40x144xf32, #tpu.memory_space<hbm>>
        %dma_wait3A_286 = tpu.memref_squeeze %dma_wait3A_285 : memref<1x40x144xf32, #tpu.memory_space<hbm>> -> memref<40x144xf32, #tpu.memory_space<hbm>>
        %dma_wait3A_287 = arith.constant 0 : i32
        %dma_wait3A_288 = tpu.memref_slice %arg6[%arg0, %mul3A_270, %dma_wait3A_287] : memref<2x10000x144xf32, #tpu.memory_space<hbm>> -> memref<1x40x144xf32, #tpu.memory_space<hbm>>
        %dma_wait3A_289 = tpu.memref_squeeze %dma_wait3A_288 : memref<1x40x144xf32, #tpu.memory_space<hbm>> -> memref<40x144xf32, #tpu.memory_space<hbm>>
        %dma_wait3A_290 = arith.constant 0 : i32
        %dma_wait3A_291 = arith.constant 0 : i32
        %dma_wait3A_292 = tpu.memref_slice %arg13[%dma_wait3A_290, %dma_wait3A_291] : memref<40x144xf32, #tpu.memory_space<vmem>> -> memref<40x144xf32, #tpu.memory_space<vmem>>
        tpu.wait_dma2 semaphore(%run_scoped3A : memref<!tpu.dma_semaphore, #tpu.memory_space<semaphore_mem>>) src(%dma_wait3A_292 : memref<40x144xf32, #tpu.memory_space<vmem>>) dst(%dma_wait3A_289 : memref<40x144xf32, #tpu.memory_space<hbm>>)
        tpu.yield
      }) : () -> ()
    } else {
    }
    return
  }
}

module attributes {stable_mosaic.version = 14 : i64} {
  func.func @_matmul_body(%arg0: i32, %arg1: memref<1000x128xf32, #tpu.memory_space<vmem>>, %arg2: memref<128x128xf32, #tpu.memory_space<vmem>>, %arg3: memref<1000x128xf32, #tpu.memory_space<vmem>>) attributes {dimension_semantics = [#tpu.dimension_semantics<arbitrary>], iteration_bounds = array<i64: 10>, scalar_prefetch = 0 : i64, scratch_operands = 0 : i64, tpu.core_type = #tpu.core_type<tc>, window_params = [{transform_indices = @transform_0, window_bounds = array<i64: 1000, 128>}, {pipeline_mode = #tpu.pipeline_mode<synchronous>, transform_indices = @transform_1, window_bounds = array<i64: 128, 128>}, {transform_indices = @transform_2, window_bounds = array<i64: 1000, 128>}]} {
    %get3A = arith.constant 0 : index
    %get3A_0 = arith.constant 0 : index
    %get3A_1 = vector.load %arg1[%get3A, %get3A_0] : memref<1000x128xf32, #tpu.memory_space<vmem>>, vector<1000x128xf32>
    %get3A_2 = arith.constant 0 : index
    %get3A_3 = arith.constant 0 : index
    %get3A_4 = vector.load %arg2[%get3A_2, %get3A_3] : memref<128x128xf32, #tpu.memory_space<vmem>>, vector<128x128xf32>
    %dot_general3A = arith.constant dense<0.000000e+00> : vector<1000x128xf32>
    %dot_general3A_5 = tpu.matmul %get3A_1, %get3A_4, %dot_general3A {dimension_numbers = #tpu.dot_dimension_numbers<[1], [0], [0], [1], [0, 0, 1, 1], [], []>, transpose_lhs_hint = false} : vector<1000x128xf32>, vector<128x128xf32>, vector<1000x128xf32> -> vector<1000x128xf32>
    %swap3A = arith.constant 0 : index
    %swap3A_6 = arith.constant 0 : index
    %swap3A_7 = vector.load %arg3[%swap3A, %swap3A_6] : memref<1000x128xf32, #tpu.memory_space<vmem>>, vector<1000x128xf32>
    tpu.vector_store %arg3[%swap3A, %swap3A_6], %dot_general3A_5 {strides = array<i32>} : memref<1000x128xf32, #tpu.memory_space<vmem>>, vector<1000x128xf32>,
    return
  }
  func.func @transform_0(%arg0: i32) -> (i32, i32) {
    %c0_i32 = arith.constant 0 : i32
    %c0_i32_0 = arith.constant 0 : i32
    return %arg0, %c0_i32 : i32, i32
  }
  func.func @transform_1(%arg0: i32) -> (i32, i32) {
    %c0_i32 = arith.constant 0 : i32
    %c0_i32_0 = arith.constant 0 : i32
    %c0_i32_1 = arith.constant 0 : i32
    return %c0_i32, %c0_i32_0 : i32, i32
  }
  func.func @transform_2(%arg0: i32) -> (i32, i32) {
    %c0_i32 = arith.constant 0 : i32
    %c0_i32_0 = arith.constant 0 : i32
    return %arg0, %c0_i32 : i32, i32
  }
}

module attributes {stable_mosaic.version = 14 : i64} {
  func.func @_finalize_body(%arg0: i32, %arg1: memref<2x1000x144xf32, #tpu.memory_space<vmem>>, %arg2: memref<1000x128xf32, #tpu.memory_space<vmem>>) attributes {dimension_semantics = [#tpu.dimension_semantics<arbitrary>], iteration_bounds = array<i64: 10>, scalar_prefetch = 0 : i64, scratch_operands = 0 : i64, tpu.core_type = #tpu.core_type<tc>, window_params = [{transform_indices = @transform_0, window_bounds = array<i64: 2, 1000, 144>}, {transform_indices = @transform_1, window_bounds = array<i64: 1000, 128>}]} {
    %get3A = arith.constant 0 : index
    %get3A_0 = arith.constant 0 : index
    %get3A_1 = arith.constant 0 : index
    %get3A_2 = vector.load %arg1[%get3A, %get3A_0, %get3A_1] : memref<2x1000x144xf32, #tpu.memory_space<vmem>>, vector<1x1000x144xf32>
    %get3A_3 = vector.shape_cast %get3A_2 : vector<1x1000x144xf32> to vector<1000x144xf32>
    %get3A_4 = arith.constant 1 : index
    %get3A_5 = arith.constant 0 : index
    %get3A_6 = arith.constant 0 : index
    %get3A_7 = vector.load %arg1[%get3A_4, %get3A_5, %get3A_6] : memref<2x1000x144xf32, #tpu.memory_space<vmem>>, vector<1x1000x144xf32>
    %get3A_8 = vector.shape_cast %get3A_7 : vector<1x1000x144xf32> to vector<1000x144xf32>
    %add3A = arith.addf %get3A_3, %get3A_8 : vector<1000x144xf32>
    %slice3A = vector.extract_strided_slice %add3A {offsets = [0, 0], sizes = [1000, 128], strides = [1, 1]} : vector<1000x144xf32> to vector<1000x128xf32>
    %slice3A_9 = vector.extract_strided_slice %add3A {offsets = [0, 128], sizes = [1000, 4], strides = [1, 1]} : vector<1000x144xf32> to vector<1000x4xf32>
    %max3A = arith.constant 9.99999996E-13 : f32
    %max3A_10 = vector.broadcast %max3A : f32 to vector<1000x4xf32>
    %max3A_11 = arith.maximumf %slice3A_9, %max3A_10 : vector<1000x4xf32>
    %broadcast_in_dim3A = vector.shape_cast %max3A_11 : vector<1000x4xf32> to vector<1000x4x1xf32>
    %broadcast_in_dim3A_12 = vector.broadcast %broadcast_in_dim3A : vector<1000x4x1xf32> to vector<1000x4x32xf32>
    %reshape3A = vector.shape_cast %broadcast_in_dim3A_12 : vector<1000x4x32xf32> to vector<1000x128xf32>
    %div3A = arith.divf %slice3A, %reshape3A : vector<1000x128xf32>
    %swap3A = arith.constant 0 : index
    %swap3A_13 = arith.constant 0 : index
    %swap3A_14 = vector.load %arg2[%swap3A, %swap3A_13] : memref<1000x128xf32, #tpu.memory_space<vmem>>, vector<1000x128xf32>
    tpu.vector_store %arg2[%swap3A, %swap3A_13], %div3A {strides = array<i32>} : memref<1000x128xf32, #tpu.memory_space<vmem>>, vector<1000x128xf32>,
    return
  }
  func.func @transform_0(%arg0: i32) -> (i32, i32, i32) {
    %c0_i32 = arith.constant 0 : i32
    %c0_i32_0 = arith.constant 0 : i32
    %c0_i32_1 = arith.constant 0 : i32
    return %c0_i32, %arg0, %c0_i32_0 : i32, i32, i32
  }
  func.func @transform_1(%arg0: i32) -> (i32, i32) {
    %c0_i32 = arith.constant 0 : i32
    %c0_i32_0 = arith.constant 0 : i32
    return %arg0, %c0_i32 : i32, i32
  }
}

</mosaic_0001>

<sc_bundles>
// kernel: kernel.5.cloned.1.call-start
scs
__scs_entry_jumppad:
0x0: {  	(pc) =	sbr.rel $0x88, $3  }
0x1: {  	(tag) =	ssettag $0x0;
	lr =	simm.s32 $0x1  }
0x2: {  	[smem:$0x3F9D] =	sst lr;
	_ =	strace $0xD0000000  }
0x3: {  	_ = 	snop  }
0x4: {  	_ = 	snop  }
0x5: {  	_ = 	snop  }
0x6: {  	_ = 	snop  }
0x7: {  	_ = 	snop  }
__scs_overlays_trampoline_lowered:
0x8: {  	[smem:$0x3FAC] =	sst s0  }
0x9: {  	[smem:$0x3FAD] =	sst s1  }
0xa: {  	[smem:$0x3FAE] =	sst s2  }
0xb: {  	[smem:$0x3FAF] =	sst s3  }
0xc: {  	[smem:$0x3FB0] =	sst s4  }
0xd: {  	[smem:$0x3FB1] =	sst s5  }
0xe: {  	[smem:$0x3FB2] =	sst s6  }
0xf: {  	[smem:$0x3FB3] =	sst s7  }
0x10: {  	[smem:$0x3FB4] =	sst s8  }
0x11: {  	[smem:$0x3FB5] =	sst s9;
	s0 =	simm.s32 @!p0 $0x0  }
0x12: {  	s1 =	sld [smem:$0x3F9B];
	s0 =	simm.s32 @p0 $0x1  }
0x13: {  	[smem:$0x3FB6] =	sst s0;
	s0 =	simm.s32 @!p1 $0x0  }
0x14: {  	s2 =	sld [smem:$0x3F9A];
	s0 =	simm.s32 @p1 $0x1  }
0x15: {  	[smem:$0x3FB7] =	sst s0;
	s0 =	simm.s32 @!p2 $0x0  }
0x16: {  	s3 =	sld [smem:$0x3FDB];
	s0 =	simm.s32 @p2 $0x1  }
0x17: {  	s4 =	simm.s32 $0x1BF5;
	[smem:$0x3FB9] =	sst s0  }
0x18: {  	s0 =	sld [smem:$0x3F9C];
	_ =	swait.ge [sflag:s4], $0x0  }
0x19: {  	s7 =	sld [smem:$0x3F9D]  }
0x1a: {  	s8 =	sadd.s32 $0xFFFFE003, lr  }
0x1b: {  	s9 =	sadd.s32 $0xFFFFFEF7, lr;
	s5 =	simm.s32 $0xFFFFFFFF;
	p2 =	slt.u32 s8, $0xFFFFF086  }
0x1c: {  	p1 =	slt.u32 s9, $0xF7A;
	s5 =	simm.s32 @!p2 $0x0  }
0x1d: {  	s5 =	simm.s32 @p1 $0x1;
	p0 =	seq.s32 s7, s2  }
0x1e: {  	s7 =	smul.u32 @!p0 $0xF7A, s2;
	p2 =	seq.s32 @!p0 s5, $0x0  }
0x1f: {  	s9 =	smul.u32 $0xF7A, s1;
	s8 =	simm.s32 @!p0 $0x1BF5;
	p2 =	por !p2, p0  }
0x20: {  	[sflag:s8] =	ssyncset.s32 @!p0 $0xFFFFF086;
	s6 =	sadd.s32 @!p0 s3, s7;
	s7 =	simm.s32 @!p0 $0x108  }
0x21: {  	s3 =	sadd.s32 s3, s9;
	s6 =	sadd.s32 @!p0 $0x88, s6;
	s7 =	simm.s32 @p2 $0x1082  }
0x22: {  	[simem:s7], [sflag:s8] =	dma.local @!p0 [hbm:s6], $0xF7A  }
0x23: {  	s9 =	sor.u32 $0xD0000000, s2;
	s6 =	simm.s32 $0x108;
	_ =	swait.ge @!p0 [sflag:s8], $0x0  }
0x24: {  	s3 =	sadd.s32 $0x88, s3;
	s6 =	simm.s32 @!p1 $0x1082;
	[sflag:s4] =	ssyncset.s32 $0xFFFFF086  }
0x25: {  	[simem:s6], [sflag:s4] =	dma.local [hbm:s3], $0xF7A  }
0x26: {  	[smem:$0x3F9D] =	sst s1;
	(tag) =	ssettag s2;
	_ =	strace s9  }
0x27: {  	s1 =	sld [smem:$0x3FAD]  }
0x28: {  	s2 =	sld [smem:$0x3FAE]  }
0x29: {  	s4 =	sld [smem:$0x3FB0]  }
0x2a: {  	p0 =	seq.s32 s5, $0x0;
	s5 =	sld [smem:$0x3FB1]  }
0x2b: {  	s6 =	sld [smem:$0x3FB2]  }
0x2c: {  	s7 =	sld [smem:$0x3FB3]  }
0x2d: {  	s3 =	simm.s32 $0x108;
	s8 =	sld [smem:$0x3FB4]  }
0x2e: {  	s3 =	simm.s32 @!p0 $0x1082;
	s9 =	sld [smem:$0x3FB5]  }
0x2f: {  	lr =	sadd.s32 s0, s3;
	s0 =	sld [smem:$0x3FAC]  }
0x30: {  	s3 =	sld [smem:$0x3FAF]  }
0x31: {  	[smem:$0x3FB8] =	sst s10  }
0x32: {  	s10 =	sld [smem:$0x3FB6];
	_ =	sdelay $0x3  }
0x33: {  	p0 =	seq.s32 s10, $0x1;
	s10 =	sld [smem:$0x3FB8];
	_ =	sdelay $0x3  }
0x34: {  	[smem:$0x3FB8] =	sst s10  }
0x35: {  	s10 =	sld [smem:$0x3FB7];
	_ =	sdelay $0x3  }
0x36: {  	p1 =	seq.s32 s10, $0x1;
	s10 =	sld [smem:$0x3FB8];
	_ =	sdelay $0x3  }
0x37: {  	[smem:$0x3FB8] =	sst s10  }
0x38: {  	s10 =	sld [smem:$0x3FB9]  }
0x39: {  	_ = 	snop;
	(pc) =	sbr.ind lr, $3  }
0x3a: {  	_ = 	snop  }
0x3b: {  	_ = 	snop  }
0x3c: {  	p2 =	seq.s32 s10, $0x1;
	s10 =	sld [smem:$0x3FB8]  }
0x3d: {  	_ =	shalt  }
0x3e: {  	_ =	shalt  }
0x3f: {  	_ =	shalt  }
0x40: {  	_ =	shalt  }
0x41: {  	_ =	shalt  }
0x42: {  	_ =	shalt  }
0x43: {  	_ =	shalt  }
0x44: {  	_ =	shalt  }
0x45: {  	_ =	shalt  }
0x46: {  	_ =	shalt  }
0x47: {  	_ =	shalt  }
0x48: {  	_ =	shalt  }
0x49: {  	_ =	shalt  }
0x4a: {  	_ =	shalt  }
0x4b: {  	_ =	shalt  }
0x4c: {  	_ =	shalt  }
0x4d: {  	_ =	shalt  }
0x4e: {  	_ =	shalt  }
0x4f: {  	_ =	shalt  }
0x50: {  	_ =	shalt  }
0x51: {  	_ =	shalt  }
0x52: {  	_ =	shalt  }
0x53: {  	_ =	shalt  }
0x54: {  	_ =	shalt  }
0x55: {  	_ =	shalt  }
0x56: {  	_ =	shalt  }
0x57: {  	_ =	shalt  }
0x58: {  	_ =	shalt  }
0x59: {  	_ =	shalt  }
0x5a: {  	_ =	shalt  }
0x5b: {  	_ =	shalt  }
0x5c: {  	_ =	shalt  }
0x5d: {  	_ =	shalt  }
0x5e: {  	_ =	shalt  }
0x5f: {  	_ =	shalt  }
0x60: {  	_ =	shalt  }
0x61: {  	_ =	shalt  }
0x62: {  	_ =	shalt  }
0x63: {  	_ =	shalt  }
0x64: {  	_ =	shalt  }
0x65: {  	_ =	shalt  }
0x66: {  	_ =	shalt  }
0x67: {  	_ =	shalt  }
0x68: {  	_ =	shalt  }
0x69: {  	_ =	shalt  }
0x6a: {  	_ =	shalt  }
0x6b: {  	_ =	shalt  }
0x6c: {  	_ =	shalt  }
0x6d: {  	_ =	shalt  }
0x6e: {  	_ =	shalt  }
0x6f: {  	_ =	shalt  }
0x70: {  	_ =	shalt  }
0x71: {  	_ =	shalt  }
0x72: {  	_ =	shalt  }
0x73: {  	_ =	shalt  }
0x74: {  	_ =	shalt  }
0x75: {  	_ =	shalt  }
0x76: {  	_ =	shalt  }
0x77: {  	_ =	shalt  }
0x78: {  	_ =	shalt  }
0x79: {  	_ =	shalt  }
0x7a: {  	_ =	shalt  }
0x7b: {  	_ =	shalt  }
0x7c: {  	_ =	shalt  }
0x7d: {  	_ =	shalt  }
0x7e: {  	_ =	shalt  }
0x7f: {  	_ =	shalt  }
0x80: {  	_ =	shalt  }
0x81: {  	_ =	shalt  }
0x82: {  	_ =	shalt  }
0x83: {  	_ =	shalt  }
0x84: {  	_ =	shalt  }
0x85: {  	_ =	shalt  }
0x86: {  	_ =	shalt  }
0x87: {  	_ =	shalt  }
.Lfunc_end0:
.L_simem_size_0:
called_computation_lowered:
.L_overlay_start_0:
0x88: {  	s2 =	sld [smem:$0x3FD9]  }
0x89: {  	s3 =	sld [smem:$0x3FFE];
	_ =	sdelay $0x1  }
0x8a: {  	s1 =	srdreg.scid  }
0x8b: {  	s0 =	sand.u32 $0x1, s1  }
0x8c: {  	s17 =	sshll.u32 s0, $0xA;
	s2 =	sadd.s32 s3, s2  }
0x8d: {  	s2 =	sadd.s32 s2, s17  }
0x8e: {  	[smem:$0x3FC4] =	sst s2  }
0x8f: {  	_ = 	snop  }
0x90: {  	s2 =	sld [smem:$0x3FD0];
	(tm) =	ssettm $0x1  }
0x91: {  	s18 =	sld [smem:$0x3FFB];
	_ =	sdelay $0x3  }
0x92: {  	_ =	strace s18  }
0x93: {  	s3 =	sld [smem:$0x3FFC];
	_ =	sdelay $0x3  }
0x94: {  	_ =	strace s3  }
0x95: {  	s3 =	sld [smem:$0x3FFD];
	_ =	sdelay $0x3  }
0x96: {  	_ =	strace s3  }
0x97: {  	_ =	strace $0x8FFFFFFF  }
0x98: {  	s19 =	sld [smem:$0x3FDB];
	_ =	sdelay $0x1  }
0x99: {  	s4 =	simm.s32 $_scs_section_size  }
0x9a: {  	s5 =	simm.s32 $_size__tile_overlayer_lowered;
	s6 =	simm.s32 $_tile_overlayer_lowered  }
0x9b: {  	s22 =	simm.s32 $0x1BFF;
	s21 =	sshll.u32 s6, $0x1;
	s3 =	sadd.s32 s4, s19  }
0x9c: {  	s7 =	simm.s32 $0x0;
	s20 =	sshll.u32 s5, $0x1;
	s5 =	sadd.s32 s21, s3  }
0x9d: {  	[timem:s7], [sflag:s22] =	dma.local [hbm:s5], s20  }
0x9e: {  	_ =	swait.ge [sflag:s22], s20  }
0x9f: {  	s4 =	ssub.s32 $0x0, s20;
	[sflag:s22] =	ssyncset.done $0x0  }
0xa0: {  	[sflag:s22] =	ssyncadd.s32 s4;
	_ =	sdelay $0x1  }
0xa1: {  	s23 =	simm.s32 $0x1B8B  }
0xa2: {  	_ =	swait.ge [sflag:s23], $0x1  }
0xa3: {  	[sflag:s23] =	ssyncset.done $0x0  }
0xa4: {  	s25 =	simm.s32 $0x1B8E;
	s24 =	sld [smem:$0x3FFE];
	[sflag:s23] =	ssyncadd.s32 $0xFFFFFFFF  }
0xa5: {  	s26 =	simm.s32 $execute0_lowered;
	[smem:$0x3FD2] =	sst s25  }
0xa6: {  	s5 =	sshll.u32 s26, $0x1;
	_ =	strace $0x80000046;
	[dreg:$0x1] =	wrdreg $0xFFFFFFFF  }
0xa7: {  	s28 =	simm.s32 $_size_execute0_lowered;
	s3 =	sadd.s32 s3, s5;
	[dreg:$0x0] =	wrdreg $0x0  }
0xa8: {  	s5 =	sshll.u32 s28, $0x1;
	[dreg:$0x2] =	wrdreg s3  }
0xa9: {  	[dreg:$0x3] =	wrdreg s5  }
0xaa: {  	[dreg:$0x4] =	wrdreg $0xC0  }
0xab: {  	_ =	task [dreg:s7], $0x5FFFF  }
0xac: {  	[dreg:$0x1] =	wrdreg $0xFFFFFFFF  }
0xad: {  	[dreg:$0x0] =	wrdreg $0x60  }
0xae: {  	[dreg:$0x2] =	wrdreg s2  }
0xaf: {  	[dreg:$0x3] =	wrdreg s24  }
0xb0: {  	[dreg:$0x4] =	wrdreg $0x6A200  }
0xb1: {  	[dreg:$0x5] =	wrdreg $0x9  }
0xb2: {  	_ =	task.clear_ibuf [dreg:s7], $0x6FFFF;
	_ =	strace $0x90000046  }
0xb3: {  	s29 =	simm.s32 $0x9;
	_ =	strace $0x80000048  }
0xb4: {  	_ =	swait.ge [sflag:s29], $0x1  }
0xb5: {  	[sflag:s29] =	ssyncadd.s32 $0xFFFFFFFF  }
0xb6: {  	_ =	strace $0x90000048  }
0xb7: {  	_ =	sfence  }
0xb8: {  	s30 =	sld [smem:$0x0];
	_ =	sdelay $0x2  }
0xb9: {  	s31 =	sshll.u32 s1, $0xD;
	s1 =	sshrl.u32 s1, $0x2  }
0xba: {  	s3 =	sand.u32 $0x4000, s31;
	s1 =	sadd.s32 s1, s30  }
0xbb: {  	s0 =	sor.u32 s3, s0;
	s1 =	sshll.u32 s1, $0x11  }
0xbc: {  	s0 =	sor.u32 s1, s0  }
0xbd: {  	s0 =	sadd.s32 $0x8F2B, s0  }
0xbe: {  	[sflag:s0] =	ssyncadd.remote.s32 $0x1  }
0xbf: {  	_ =	sfence.sel $0xFFFF  }
0xc0: {  	[dreg:$0x0] =	wrdreg $0xFFFFFFFF;
	(pc) =	sbr.abs _section_cstart, $3  }
0xc1: {  	[dreg:$0x1] =	wrdreg $0xFFFFFFFF  }
0xc2: {  	_ =	task.clear_ibuf [dreg:s7], $0x2FFFF;
	_ =	strace $0x9FFFFFFF  }
0xc3: {  	(tm) =	ssettm $0x7FFFFFFF  }
tec
execute0_lowered:
.L_overlay_start_1:
0x0: {  	(tag) =	ssettag $0x1  }
0x1: {  	s0 =	srdreg.scid;
	s11 =	rddreg [dreg:$0x1]  }
0x2: {  	s1 =	simm.s32 $0x0;
	s5 =	stileid.u32;
	s0 =	sand.u32 $0x1, s0  }
0x3: {  	[smem:$0x7FF] =	sst s1;
	s21 =	sadd.s32 $0x14000, s11;
	s25 =	smul.u32 $0x1680, s5  }
0x4: {  	s4 =	sshll.u32 s5, $0x1;
	s22 =	sor.u32 $0x20, s5;
	s18 =	smul.u32 $0x15F900, s0  }
0x5: {  	s26 =	sor.u32 $0x30, s5;
	s24 =	sor.u32 s0, s4;
	s4 =	smul.u32 $0x1680, s22  }
0x6: {  	s28 =	sor.u32 $0x10, s5;
	s23 =	sor.u32 $0x40, s5;
	s7 =	smul.u32 $0x1680, s26  }
0x7: {  	s20 =	sor.u32 $0x50, s5;
	s16 =	sor.u32 $0x60, s5;
	s9 =	smul.u32 $0x1680, s23  }
0x8: {  	s17 =	sor.u32 $0x70, s5;
	s29 =	sor.u32 $0x80, s5;
	s13 =	smul.u32 $0x1680, s20  }
0x9: {  	s2 =	ssub.s32 $0x2, s0;
	s26 =	smul.u32 $0x5A00, s26;
	[smem:$0x7E8] =	sst s24  }
0xa: {  	s20 =	smul.u32 $0x5A00, s20;
	s3 =	sshrl.u32 s2, $0x1;
	[smem:$0x7E9] =	sst s25  }
0xb: {  	s24 =	smul.u32 $0x1680, s16;
	s2 =	ssub.s32 s2, s3;
	[smem:$0x7ED] =	sst s4  }
0xc: {  	s0 =	sadd.s32 s25, s18;
	s3 =	smul.u32 $0x1680, s28;
	[smem:$0x7EF] =	sst s7  }
0xd: {  	s8 =	sadd.s32 s18, s4;
	[smem:$0x7F1] =	sst s9;
	s12 =	sadd.s32 s18, s7  }
0xe: {  	[smem:$0x7F3] =	sst s13;
	s19 =	sadd.s32 s18, s13;
	s25 =	smul.u32 $0x1680, s17  }
0xf: {  	s7 =	sor.u32 $0xB0, s5;
	s17 =	smul.u32 $0x5A00, s17;
	[smem:$0x7FD] =	sst s2  }
0x10: {  	s0 =	sshrl.u32 s0, $0x3;
	s10 =	sshrl.u32 s8, $0x3;
	s2 =	sshrl.u32 s12, $0x3  }
0x11: {  	[smem:$0x7F5] =	sst s24;
	s12 =	smul.u32 $0x1680, s29;
	s8 =	sor.u32 $0x90, s5  }
0x12: {  	[smem:$0x7EB] =	sst s3;
	s0 =	sadd.s32 s21, s0;
	s6 =	sadd.s32 s18, s3  }
0x13: {  	s3 =	sadd.s32 s18, s9;
	s14 =	sadd.s32 s21, s2;
	[smem:$0x7F7] =	sst s25  }
0x14: {  	s2 =	sadd.s32 s18, s24;
	s9 =	sor.u32 $0xA0, s5;
	[dreg:$0x4] =	wrdreg s0  }
0x15: {  	s13 =	smul.u32 $0x1680, s8;
	s0 =	sshrl.u32 s6, $0x3;
	[dreg:$0x7] =	wrdreg s14  }
0x16: {  	s15 =	sshrl.u32 s3, $0x3;
	s14 =	sadd.s32 s18, s25;
	s0 =	sadd.s32 s21, s0  }
0x17: {  	s6 =	sadd.s32 s18, s13;
	[dreg:$0x5] =	wrdreg s0;
	s0 =	sadd.s32 s21, s10  }
0x18: {  	s24 =	sshrl.u32 s6, $0x3;
	s6 =	sor.u32 $0xD0, s5;
	[dreg:$0x6] =	wrdreg s0  }
0x19: {  	s0 =	sadd.s32 s21, s15;
	s15 =	sadd.s32 s18, s12;
	s24 =	sadd.s32 s21, s24  }
0x1a: {  	[dreg:$0x8] =	wrdreg s0;
	s0 =	sshrl.u32 s19, $0x3;
	s19 =	sshrl.u32 s14, $0x3  }
0x1b: {  	s15 =	sshrl.u32 s15, $0x3;
	[dreg:$0xd] =	wrdreg s24;
	s0 =	sadd.s32 s21, s0  }
0x1c: {  	s14 =	smul.u32 $0x1680, s9;
	s3 =	sadd.s32 s21, s19;
	[dreg:$0x9] =	wrdreg s0  }
0x1d: {  	s4 =	sadd.s32 s21, s15;
	s15 =	smul.u32 $0x1680, s7;
	[dreg:$0xb] =	wrdreg s3  }
0x1e: {  	s0 =	sshrl.u32 s2, $0x3;
	[dreg:$0xc] =	wrdreg s4;
	s10 =	sadd.s32 s18, s14  }
0x1f: {  	s4 =	sor.u32 $0xC0, s5;
	s0 =	sadd.s32 s21, s0;
	s19 =	sshrl.u32 s10, $0x3  }
0x20: {  	s24 =	smul.u32 $0x1680, s4;
	[dreg:$0xa] =	wrdreg s0;
	s25 =	sadd.s32 s21, s19  }
0x21: {  	s10 =	sor.u32 $0xE0, s5;
	s0 =	sadd.s32 s18, s15;
	[dreg:$0xe] =	wrdreg s25  }
0x22: {  	s19 =	sshrl.u32 s0, $0x3;
	s25 =	smul.u32 $0x1680, s6;
	s3 =	sadd.s32 s18, s24  }
0x23: {  	s30 =	smul.u32 $0x1680, s10;
	s2 =	sadd.s32 s21, s19;
	s19 =	sshrl.u32 s3, $0x3  }
0x24: {  	s3 =	sor.u32 $0xF0, s5;
	[dreg:$0xf] =	wrdreg s2;
	s31 =	sadd.s32 s18, s25  }
0x25: {  	s2 =	sadd.s32 s18, s30;
	s19 =	sadd.s32 s21, s19;
	s0 =	sshrl.u32 s31, $0x3  }
0x26: {  	s31 =	smul.u32 $0x1680, s3;
	[dreg:$0x10] =	wrdreg s19;
	s0 =	sadd.s32 s21, s0  }
0x27: {  	s8 =	smul.u32 $0x5A00, s8;
	s19 =	sshrl.u32 s2, $0x3;
	[dreg:$0x11] =	wrdreg s0  }
0x28: {  	s0 =	sadd.s32 s21, s19;
	s2 =	sadd.s32 s18, s31;
	s18 =	rddreg [dreg:$0x0]  }
0x29: {  	s7 =	smul.u32 $0x5A00, s7;
	[dreg:$0x12] =	wrdreg s0;
	s0 =	sshrl.u32 s2, $0x3  }
0x2a: {  	s19 =	rddreg [dreg:$0x2];
	s2 =	smul.u32 $0x5A00, s5;
	s0 =	sadd.s32 s21, s0  }
0x2b: {  	[dreg:$0x13] =	wrdreg s0;
	s0 =	smul.u32 $0x5A00, s28  }
0x2c: {  	s21 =	sadd.s32 $0xA200, s11;
	s2 =	sshrl.u32 s2, $0x2;
	s28 =	smul.u32 $0x5A00, s22  }
0x2d: {  	s22 =	sadd.s32 $0x400, s11;
	s11 =	sadd.s32 $0x200, s11;
	_ =	strace $0x80000047  }
0x2e: {  	[dreg:$0x14] =	wrdreg s11;
	s2 =	sadd.s32 s2, s19;
	s0 =	sshrl.u32 s0, $0x2  }
0x2f: {  	[dreg:$0x15] =	wrdreg s2;
	s11 =	sshrl.u32 s28, $0x2;
	s0 =	sadd.s32 s0, s19  }
0x30: {  	s2 =	smul.u32 $0x5A00, s23;
	s23 =	sadd.s32 s11, s19;
	[dreg:$0x16] =	wrdreg s0  }
0x31: {  	s6 =	smul.u32 $0x5A00, s6;
	s11 =	sshrl.u32 s26, $0x2;
	[dreg:$0x17] =	wrdreg s23  }
0x32: {  	s0 =	smul.u32 $0x5A00, s16;
	s2 =	sshrl.u32 s2, $0x2;
	s23 =	sadd.s32 s11, s19  }
0x33: {  	s11 =	sshrl.u32 s20, $0x2;
	[dreg:$0x18] =	wrdreg s23;
	s2 =	sadd.s32 s2, s19  }
0x34: {  	s23 =	sshrl.u32 s17, $0x2;
	s17 =	sshrl.u32 s6, $0x2;
	s6 =	sld [smem:$0x7EF]  }
0x35: {  	s16 =	sadd.s32 s11, s19;
	s11 =	smul.u32 $0x5A00, s10;
	s10 =	sld [smem:$0x7F5]  }
0x36: {  	s26 =	smul.u32 $0x5A00, s29;
	[dreg:$0x19] =	wrdreg s2  }
0x37: {  	s20 =	smul.u32 $0x5A00, s9;
	[dreg:$0x1a] =	wrdreg s16  }
0x38: {  	s9 =	sadd.s32 s23, s19;
	s16 =	sshrl.u32 s7, $0x2;
	s7 =	sld [smem:$0x7F1]  }
0x39: {  	s0 =	sshrl.u32 s0, $0x2;
	s2 =	sshrl.u32 s26, $0x2;
	[dreg:$0x1c] =	wrdreg s9  }
0x3a: {  	s0 =	sadd.s32 s0, s19;
	s9 =	sshrl.u32 s8, $0x2;
	s8 =	sld [smem:$0x7F3]  }
0x3b: {  	s26 =	smul.u32 $0x5A00, s4;
	s2 =	sadd.s32 s2, s19;
	[dreg:$0x1b] =	wrdreg s0  }
0x3c: {  	s3 =	smul.u32 $0x5A00, s3;
	[dreg:$0x1d] =	wrdreg s2  }
0x3d: {  	s0 =	sshrl.u32 s20, $0x2;
	s2 =	sshrl.u32 s26, $0x2;
	s26 =	sld [smem:$0x7E8]  }
0x3e: {  	s4 =	sadd.s32 s9, s19;
	s20 =	sshrl.u32 s3, $0x2;
	s3 =	sld [smem:$0x7EB]  }
0x3f: {  	[dreg:$0x1e] =	wrdreg s4;
	s0 =	sadd.s32 s0, s19  }
0x40: {  	s4 =	sadd.s32 s16, s19;
	[dreg:$0x1f] =	wrdreg s0  }
0x41: {  	s2 =	sadd.s32 s2, s19;
	[smem:$0x7E3] =	sst s4  }
0x42: {  	s23 =	sadd.s32 s20, s19;
	[smem:$0x7E4] =	sst s2  }
0x43: {  	[smem:$0x7E7] =	sst s23  }
0x44: {  	s4 =	sld [smem:$0x7ED]  }
0x45: {  	s16 =	sadd.s32 s12, s19;
	s0 =	sshrl.u32 s11, $0x2;
	s11 =	sld [smem:$0x7F7]  }
0x46: {  	s20 =	sadd.s32 s14, s19;
	[smem:$0x7F9] =	sst s16  }
0x47: {  	p0 =	sgt.u32 s5, $0x9;
	s2 =	sadd.s32 s17, s19;
	[smem:$0x7FB] =	sst s20  }
0x48: {  	s30 =	sadd.s32 s30, s19;
	s31 =	sadd.s32 s31, s19;
	[smem:$0x7E5] =	sst s2  }
0x49: {  	s5 =	simm.s32 $0x320;
	s28 =	sadd.s32 s24, s19;
	s2 =	sld [smem:$0x7E9]  }
0x4a: {  	s17 =	sadd.s32 s13, s19;
	s9 =	smul.u32 $0xFA, s26;
	s26 =	sld [smem:$0x7FD]  }
0x4b: {  	s29 =	sadd.s32 s25, s19;
	s23 =	sadd.s32 s15, s19;
	[smem:$0x7FA] =	sst s17  }
0x4c: {  	s12 =	simm.s32 $0x0;
	s0 =	sadd.s32 s0, s19;
	[smem:$0x7FC] =	sst s23  }
0x4d: {  	[smem:$0x7E6] =	sst s0;
	s0 =	sadd.s32 s2, s19;
	s17 =	smax.u32 s26, $0x1  }
0x4e: {  	s2 =	simm.s32 $0x5320;
	[smem:$0x7EA] =	sst s0;
	s0 =	sadd.s32 s3, s19  }
0x4f: {  	s3 =	simm.s32 $0x190;
	[smem:$0x7EC] =	sst s0;
	s0 =	sadd.s32 s4, s19  }
0x50: {  	s4 =	simm.s32 $0x28;
	[smem:$0x7EE] =	sst s0;
	s0 =	sadd.s32 s6, s19  }
0x51: {  	s6 =	simm.s32 $0x1720;
	[smem:$0x7F0] =	sst s0;
	s0 =	sadd.s32 s7, s19  }
0x52: {  	s7 =	simm.s32 $0x2B20;
	[smem:$0x7F2] =	sst s0;
	s0 =	sadd.s32 s8, s19  }
0x53: {  	v0 =	vimm.f32 $0.0e+00;
	vm0 =	vcmask $0x300;
	vm15 =	vcmask $0x704;
	s8 =	simm.s32 $0x3F20;
	[smem:$0x7F4] =	sst s0;
	s0 =	sadd.s32 s10, s19  }
0x54: {  	vm1 =	vcmask $0xB08;
	vm2 =	vcmask $0xF0C;
	v1 =	vsel vm0, $0x3F800000, v0;
	s10 =	simm.s32 $0x1;
	[smem:$0x7F6] =	sst s0;
	s0 =	sadd.s32 s11, s19  }
0x55: {  	v2 =	vsel vm15, $0x3F800000, v0;
	v3 =	vsel vm1, $0x3F800000, v0;
	v4 =	vsel vm2, $0x3F800000, v0;
	s11 =	simm.s32 $0x2;
	[smem:$0x7F8] =	sst s0;
	s0 =	simm.s32 $0x3  }
.LBB2_1:
0x56: {  	s13 =	rddreg [dreg:$0x14];
	s14 =	simm.s32 $0x69A0  }
0x57: {  	[tilespmem:s14], [sflag:$0x3] =	stream.linear.gather [hbm4b:s13+s1], $0x80, $0x38;
	[tilespmem:$0x1C9B0] =	vst v63  }
0x58: {  	_ =	swait.ge [sflag:s0], $0x80  }
0x59: {  	[sflag:s0] =	ssyncset.done $0x0  }
0x5a: {  	s13 =	simm.s32 $0x0;
	s14 =	simm.s32 $0x240;
	[sflag:s0] =	ssyncadd.s32 $0xFFFFFF80  }
.LBB2_2:
0x5b: {  	p1 =	sne.s32 s14, $0x57C0;
	[tilespmem:s13+$0x53A0] =	vst v0  }
0x5c: {  	[tilespmem:s13+$0x5320] =	vst v0  }
0x5d: {  	[tilespmem:s13+$0x5330] =	vst v0  }
0x5e: {  	[tilespmem:s13+$0x5340] =	vst v0  }
.Ltmp0:
0x5f: {  	[tilespmem:s13+$0x5350] =	vst v0;
	(pc) =	sbr.rel @p1 .LBB2_2-.Ltmp0, $4  }
0x60: {  	[tilespmem:s13+$0x5360] =	vst v0  }
0x61: {  	[tilespmem:s13+$0x5370] =	vst v0  }
0x62: {  	[tilespmem:s13+$0x5380] =	vst v0  }
0x63: {  	[tilespmem:s13+$0x5390] =	vst v0;
	s13 =	sshra.s32 s14, $0x2;
	s14 =	sadd.s32 $0x240, s14  }
0x64: {  	[tilespmem:s13+$0x53A0] =	vst v0  }
0x65: {  	[tilespmem:s13+$0x5320] =	vst v0  }
0x66: {  	[tilespmem:s13+$0x5330] =	vst v0  }
0x67: {  	[tilespmem:s13+$0x5340] =	vst v0  }
0x68: {  	[tilespmem:s13+$0x5350] =	vst v0  }
0x69: {  	[tilespmem:s13+$0x5360] =	vst v0  }
0x6a: {  	[tilespmem:s13+$0x5370] =	vst v0  }
0x6b: {  	[tilespmem:s13+$0x5380] =	vst v0  }
0x6c: {  	[tilespmem:s13+$0x5390] =	vst v0;
	s15 =	rddreg [dreg:$0x15]  }
0x6d: {  	[spmem:s15] =	stream.linear.scatter [tilespmem:s2], [sflag:$0x3], $0x1680, $0x38;
	[tilespmem:$0x1C9B0] =	vst v63  }
0x6e: {  	_ =	swait.ge [sflag:s0], $0x1680  }
0x6f: {  	[sflag:s0] =	ssyncset.done $0x0  }
0x70: {  	s16 =	rddreg [dreg:$0x16];
	[sflag:s0] =	ssyncadd.s32 $0xFFFFE980  }
0x71: {  	[spmem:s16] =	stream.linear.scatter [tilespmem:s2], [sflag:$0x3], $0x1680, $0x38;
	[tilespmem:$0x1C9B0] =	vst v63  }
0x72: {  	_ =	swait.ge [sflag:s0], $0x1680  }
0x73: {  	[sflag:s0] =	ssyncset.done $0x0  }
0x74: {  	s20 =	rddreg [dreg:$0x17];
	[sflag:s0] =	ssyncadd.s32 $0xFFFFE980  }
0x75: {  	[spmem:s20] =	stream.linear.scatter [tilespmem:s2], [sflag:$0x3], $0x1680, $0x38;
	[tilespmem:$0x1C9B0] =	vst v63  }
0x76: {  	_ =	swait.ge [sflag:s0], $0x1680  }
0x77: {  	[sflag:s0] =	ssyncset.done $0x0  }
0x78: {  	s23 =	rddreg [dreg:$0x18];
	[sflag:s0] =	ssyncadd.s32 $0xFFFFE980  }
0x79: {  	[spmem:s23] =	stream.linear.scatter [tilespmem:s2], [sflag:$0x3], $0x1680, $0x38;
	[tilespmem:$0x1C9B0] =	vst v63  }
0x7a: {  	_ =	swait.ge [sflag:s0], $0x1680  }
0x7b: {  	[sflag:s0] =	ssyncset.done $0x0  }
0x7c: {  	s24 =	rddreg [dreg:$0x19];
	[sflag:s0] =	ssyncadd.s32 $0xFFFFE980  }
0x7d: {  	[spmem:s24] =	stream.linear.scatter [tilespmem:s2], [sflag:$0x3], $0x1680, $0x38;
	[tilespmem:$0x1C9B0] =	vst v63  }
0x7e: {  	_ =	swait.ge [sflag:s0], $0x1680  }
0x7f: {  	[sflag:s0] =	ssyncset.done $0x0  }
0x80: {  	s25 =	rddreg [dreg:$0x1a];
	[sflag:s0] =	ssyncadd.s32 $0xFFFFE980  }
0x81: {  	[spmem:s25] =	stream.linear.scatter [tilespmem:s2], [sflag:$0x3], $0x1680, $0x38;
	[tilespmem:$0x1C9B0] =	vst v63  }
0x82: {  	_ =	swait.ge [sflag:s0], $0x1680  }
0x83: {  	[sflag:s0] =	ssyncset.done $0x0  }
0x84: {  	s26 =	rddreg [dreg:$0x1b];
	[sflag:s0] =	ssyncadd.s32 $0xFFFFE980  }
0x85: {  	[spmem:s26] =	stream.linear.scatter [tilespmem:s2], [sflag:$0x3], $0x1680, $0x38;
	[tilespmem:$0x1C9B0] =	vst v63  }
0x86: {  	_ =	swait.ge [sflag:s0], $0x1680  }
0x87: {  	[sflag:s0] =	ssyncset.done $0x0  }
0x88: {  	s14 =	rddreg [dreg:$0x1c];
	[sflag:s0] =	ssyncadd.s32 $0xFFFFE980  }
0x89: {  	[spmem:s14] =	stream.linear.scatter [tilespmem:s2], [sflag:$0x3], $0x1680, $0x38;
	[tilespmem:$0x1C9B0] =	vst v63  }
0x8a: {  	_ =	swait.ge [sflag:s0], $0x1680  }
0x8b: {  	[sflag:s0] =	ssyncset.done $0x0  }
0x8c: {  	s15 =	rddreg [dreg:$0x1d];
	[sflag:s0] =	ssyncadd.s32 $0xFFFFE980  }
0x8d: {  	[spmem:s15] =	stream.linear.scatter [tilespmem:s2], [sflag:$0x3], $0x1680, $0x38;
	[tilespmem:$0x1C9B0] =	vst v63  }
0x8e: {  	_ =	swait.ge [sflag:s0], $0x1680  }
0x8f: {  	[sflag:s0] =	ssyncset.done $0x0  }
0x90: {  	s16 =	rddreg [dreg:$0x1e];
	[sflag:s0] =	ssyncadd.s32 $0xFFFFE980  }
0x91: {  	[spmem:s16] =	stream.linear.scatter [tilespmem:s2], [sflag:$0x3], $0x1680, $0x38;
	[tilespmem:$0x1C9B0] =	vst v63  }
0x92: {  	_ =	swait.ge [sflag:s0], $0x1680  }
0x93: {  	[sflag:s0] =	ssyncset.done $0x0  }
0x94: {  	s20 =	rddreg [dreg:$0x1f];
	[sflag:s0] =	ssyncadd.s32 $0xFFFFE980  }
0x95: {  	[spmem:s20] =	stream.linear.scatter [tilespmem:s2], [sflag:$0x3], $0x1680, $0x38;
	[tilespmem:$0x1C9B0] =	vst v63  }
0x96: {  	_ =	swait.ge [sflag:s0], $0x1680  }
0x97: {  	s23 =	sld [smem:$0x7E3]  }
0x98: {  	[sflag:s0] =	ssyncset.done $0x0  }
0x99: {  	[sflag:s0] =	ssyncadd.s32 $0xFFFFE980  }
0x9a: {  	[spmem:s23] =	stream.linear.scatter [tilespmem:s2], [sflag:$0x3], $0x1680, $0x38;
	[tilespmem:$0x1C9B0] =	vst v63  }
0x9b: {  	_ =	swait.ge [sflag:s0], $0x1680  }
0x9c: {  	s24 =	sld [smem:$0x7E4]  }
0x9d: {  	[sflag:s0] =	ssyncset.done $0x0  }
0x9e: {  	[sflag:s0] =	ssyncadd.s32 $0xFFFFE980  }
0x9f: {  	[spmem:s24] =	stream.linear.scatter [tilespmem:s2], [sflag:$0x3], $0x1680, $0x38;
	[tilespmem:$0x1C9B0] =	vst v63  }
0xa0: {  	_ =	swait.ge [sflag:s0], $0x1680  }
0xa1: {  	s25 =	sld [smem:$0x7E5]  }
0xa2: {  	[sflag:s0] =	ssyncset.done $0x0  }
0xa3: {  	[sflag:s0] =	ssyncadd.s32 $0xFFFFE980  }
0xa4: {  	[spmem:s25] =	stream.linear.scatter [tilespmem:s2], [sflag:$0x3], $0x1680, $0x38;
	[tilespmem:$0x1C9B0] =	vst v63  }
0xa5: {  	_ =	swait.ge [sflag:s0], $0x1680  }
0xa6: {  	s26 =	sld [smem:$0x7E6]  }
0xa7: {  	[sflag:s0] =	ssyncset.done $0x0  }
0xa8: {  	[sflag:s0] =	ssyncadd.s32 $0xFFFFE980  }
0xa9: {  	[spmem:s26] =	stream.linear.scatter [tilespmem:s2], [sflag:$0x3], $0x1680, $0x38;
	[tilespmem:$0x1C9B0] =	vst v63  }
0xaa: {  	_ =	swait.ge [sflag:s0], $0x1680  }
0xab: {  	s14 =	sld [smem:$0x7E7]  }
0xac: {  	[sflag:s0] =	ssyncset.done $0x0  }
0xad: {  	s13 =	simm.s32 @!p0 $0x5320;
	[sflag:s0] =	ssyncadd.s32 $0xFFFFE980  }
0xae: {  	[spmem:s14] =	stream.linear.scatter @!p0 [tilespmem:s13], [sflag:$0x3], $0x1680, $0x38;
	[tilespmem:$0x1C9B0] =	vst v63  }
0xaf: {  	s13 =	simm.s32 @!p0 $0x3  }
0xb0: {  	_ =	swait.ge @!p0 [sflag:s13], $0x1680  }
0xb1: {  	[sflag:s13] =	ssyncset.done @!p0 $0x0  }
0xb2: {  	[sflag:s13] =	ssyncadd.s32 @!p0 $0xFFFFE980  }
0xb3: {  	[bflag:$0x0] =	sbarrier.arrive $0xFFFF  }
0xb4: {  	v5 =	vld [tilespmem:$0x69A0]  }
0xb5: {  	v6 =	vld [tilespmem:$0x69B0]  }
0xb6: {  	v7 =	vld [tilespmem:$0x69C0]  }
0xb7: {  	v8 =	vld [tilespmem:$0x69D0]  }
0xb8: {  	v9 =	vld [tilespmem:$0x69E0]  }
0xb9: {  	v10 =	vld [tilespmem:$0x69F0]  }
0xba: {  	v11 =	vld [tilespmem:$0x6A00]  }
0xbb: {  	s14 =	simm.s32 $0x0;
	s13 =	simm.s32 $0x0;
	v12 =	vld [tilespmem:$0x6A10]  }
.LBB2_4:
0xbc: {  	s15 =	smul.u32 $0xA, s14;
	_ =	sdelay $0x1  }
0xbd: {  	s15 =	sadd.s32 s9, s15  }
0xbe: {  	s15 =	smul.u32 $0x5, s15;
	_ =	sdelay $0x1  }
0xbf: {  	s16 =	sadd.s32 s21, s15  }
0xc0: {  	[tilespmem:s13], [sflag:$0x3] =	stream.linear.gather [hbm4b:s16+s13], $0x190, $0x38;
	[tilespmem:$0x1C9B0] =	vst v63  }
0xc1: {  	_ =	swait.ge [sflag:s0], $0x190  }
0xc2: {  	[sflag:s0] =	ssyncset.done $0x0  }
0xc3: {  	s15 =	sadd.s32 s22, s15;
	[sflag:s0] =	ssyncadd.s32 $0xFFFFFE70  }
0xc4: {  	[tilespmem:s3], [sflag:$0x3] =	stream.linear.gather [hbm4b:s15+s13], $0x190, $0x38;
	[tilespmem:$0x1C9B0] =	vst v63  }
0xc5: {  	_ =	swait.ge [sflag:s0], $0x190  }
0xc6: {  	[sflag:s0] =	ssyncset.done $0x0  }
0xc7: {  	[sflag:s0] =	ssyncadd.s32 $0xFFFFFE70  }
0xc8: {  	[tilespmem:s5], [sflag:$0x1] =	stream.indirect.gather [hbm4b:s18+s4], $0x80, s13, s4, $0xb8;
	[tilespmem:$0x1C9B0] =	vst v63  }
0xc9: {  	s15 =	simm.s32 $0x0  }
0xca: {  	[tilespmem:s6], [sflag:$0x1] =	stream.indirect.gather [hbm4b:s18+s4], $0x80, s3, s4, $0xb8;
	[tilespmem:$0x1C9B0] =	vst v63  }
.LBB2_5:
0xcb: {  	s20 =	smul.u32 $0x50, s15;
	_ =	sdelay $0x1  }
0xcc: {  	s16 =	sadd.s32 $0x28, s20  }
0xcd: {  	[tilespmem:s7], [sflag:$0x2] =	stream.indirect.gather [hbm4b:s18+s4], $0x80, s16, s4, $0xb8;
	[tilespmem:$0x1C9B0] =	vst v63  }
0xce: {  	s16 =	sadd.s32 $0x1B8, s20  }
0xcf: {  	[tilespmem:s8], [sflag:$0x2] =	stream.indirect.gather [hbm4b:s18+s4], $0x80, s16, s4, $0xb8;
	[tilespmem:$0x1C9B0] =	vst v63  }
0xd0: {  	_ =	swait.ge [sflag:s10], $0x1400  }
0xd1: {  	[sflag:s10] =	ssyncset.done $0x0  }
0xd2: {  	[sflag:s10] =	ssyncadd.s32 $0xFFFFEC00  }
0xd3: {  	_ =	swait.ge [sflag:s10], $0x1400  }
0xd4: {  	[sflag:s10] =	ssyncset.done $0x0  }
0xd5: {  	s23 =	simm.s32 $0x0;
	[sflag:s10] =	ssyncadd.s32 $0xFFFFEC00  }
0xd6: {  	v19 =	vld [tilespmem:s23+$0x340]  }
0xd7: {  	v13 =	vld [tilespmem:s23+$0x320]  }
0xd8: {  	v20 =	vld [tilespmem:s23+$0x350]  }
0xd9: {  	v21 =	vld [tilespmem:s23+$0x1790]  }
0xda: {  	v22 =	vld [tilespmem:s23+$0x1730]  }
0xdb: {  	v14 =	vld [tilespmem:s23+$0x1740]  }
0xdc: {  	v16 =	vld [tilespmem:s23+$0x1750]  }
0xdd: {  	v23 =	vld [tilespmem:s23+$0x1720]  }
0xde: {  	v17 =	vld [tilespmem:s23+$0x330]  }
0xdf: {  	v24 =	vld [tilespmem:s23+$0x1770]  }
0xe0: {  	v25 =	vld [tilespmem:s23+$0x1760];
	v14 =	vadd.f32 v14, v19  }
0xe1: {  	v15 =	vld [tilespmem:s23+$0x370];
	v16 =	vadd.f32 v16, v20  }
0xe2: {  	v18 =	vld [tilespmem:s23+$0x360];
	v26 =	vadd.f32 v14, v14  }
0xe3: {  	v28 =	vld [tilespmem:s23+$0x1780];
	v27 =	vadd.f32 v16, v16  }
0xe4: {  	v14 =	vld [tilespmem:s23+$0x390];
	v26 =	vmul.f32 $1.442695020e+00, v26  }
0xe5: {  	v23 =	vadd.f32 v23, v13;
	v16 =	vld [tilespmem:s23+$0x380];
	v27 =	vmul.f32 $1.442695020e+00, v27  }
0xe6: {  	v22 =	vadd.f32 v22, v17;
	(erf) = vpow2.f32 v26  }
0xe7: {  	v24 =	vadd.f32 v24, v15;
	v23 =	vadd.f32 v23, v23;
	(erf) = vpow2.f32 v27  }
0xe8: {  	v25 =	vadd.f32 v25, v18;
	v22 =	vadd.f32 v22, v22  }
0xe9: {  	v24 =	vadd.f32 v24, v24;
	v23 =	vmul.f32 $1.442695020e+00, v23;
	v21 =	vadd.f32 v21, v14  }
0xea: {  	v25 =	vadd.f32 v25, v25;
	v22 =	vmul.f32 $1.442695020e+00, v22;
	v43 =	vadd.f32 v28, v16  }
0xeb: {  	(erf) = vpow2.f32 v23;
	v23 =	vmul.f32 $1.442695020e+00, v24;
	v21 =	vadd.f32 v21, v21  }
0xec: {  	(erf) = vpow2.f32 v22;
	v22 =	vmul.f32 $1.442695020e+00, v25;
	v44 =	vadd.f32 v43, v43  }
0xed: {  	(erf) = vpow2.f32 v23;
	v21 =	vmul.f32 $1.442695020e+00, v21  }
0xee: {  	(erf) = vpow2.f32 v22;
	v22 =	vmul.f32 $1.442695020e+00, v44  }
0xef: {  	v23 =	vpop (erf);
	(erf) = vpow2.f32 v21  }
0xf0: {  	v21 =	vadd.f32 $1.000000000e+00, v23;
	v45 =	vpop (erf);
	(erf) = vpow2.f32 v22;
	_ =	sdelay $0x1  }
0xf1: {  	v22 =	vadd.f32 $1.000000000e+00, v45  }
0xf2: {  	(erf) = vrcp.f32 v21  }
0xf3: {  	(erf) = vrcp.f32 v22;
	v21 =	vpop (erf)  }
0xf4: {  	v22 =	vadd.f32 $1.000000000e+00, v21;
	v46 =	vpop (erf)  }
0xf5: {  	v47 =	vadd.f32 $1.000000000e+00, v46;
	v48 =	vpop (erf)  }
0xf6: {  	(erf) = vrcp.f32 v22;
	v22 =	vadd.f32 $1.000000000e+00, v48;
	v49 =	vpop (erf)  }
0xf7: {  	(erf) = vrcp.f32 v47;
	v50 =	vadd.f32 $1.000000000e+00, v49;
	v29 =	vpop (erf)  }
0xf8: {  	(erf) = vrcp.f32 v22;
	v22 =	vadd.f32 $1.000000000e+00, v29;
	v30 =	vpop (erf)  }
0xf9: {  	(erf) = vrcp.f32 v50;
	v51 =	vadd.f32 $1.000000000e+00, v30  }
0xfa: {  	(erf) = vrcp.f32 v22  }
0xfb: {  	v23 =	vadd.f32 $-1.000000000e+00, v23;
	v24 =	vadd.f32 $-1.000000000e+00, v45;
	v31 =	vpop (erf);
	(erf) = vrcp.f32 v51  }
0xfc: {  	v22 =	vpop (erf)  }
0xfd: {  	v23 =	vmul.f32 v31, v23;
	v22 =	vmul.f32 v22, v24;
	_ =	sdelay $0x1  }
0xfe: {  	v23 =	vmul.f32 v23, v7;
	v22 =	vmul.f32 v22, v8;
	v53 =	vpop (erf)  }
0xff: {  	v21 =	vadd.f32 $-1.000000000e+00, v21;
	v52 =	vadd.f32 $-1.000000000e+00, v46;
	v54 =	vpop (erf)  }
0x100: {  	v22 =	vadd.f32 v22, v23;
	v55 =	vpop (erf)  }
0x101: {  	v56 =	vadd.f32 $-1.000000000e+00, v48;
	v21 =	vmul.f32 v53, v21;
	v24 =	vmul.f32 v54, v52;
	v58 =	vpop (erf)  }
0x102: {  	v59 =	vadd.f32 $-1.000000000e+00, v29;
	v23 =	vadd.f32 $-1.000000000e+00, v30;
	(xrf2) =	vadd.scan.msk.f32 $0xffff, v22;
	v60 =	vpop (erf)  }
0x103: {  	v57 =	vadd.f32 $-1.000000000e+00, v49;
	v21 =	vmul.f32 v21, v5;
	v22 =	vmul.f32 v24, v6;
	v61 =	vpop (erf)  }
0x104: {  	v24 =	vmul.f32 v60, v59;
	v23 =	vmul.f32 v61, v23  }
0x105: {  	v25 =	vmul.f32 v55, v56;
	v27 =	vmul.f32 v58, v57  }
0x106: {  	v21 =	vadd.f32 v22, v21;
	v22 =	vmul.f32 v23, v11;
	v23 =	vmul.f32 v24, v12  }
0x107: {  	v25 =	vmul.f32 v25, v10;
	v62 =	vmul.f32 v27, v9  }
0x108: {  	(xrf2) =	vadd.scan.msk.f32 $0xffff, v21;
	v21 =	vadd.f32 v23, v22  }
0x109: {  	v63 =	vadd.f32 v25, v62;
	_ =	sdelay $0x1  }
0x10a: {  	(xrf2) =	vadd.scan.msk.f32 $0xffff, v63  }
0x10b: {  	(xrf2) =	vadd.scan.msk.f32 $0xffff, v21;
	v21, _, _ =	vpop (xrf2)  }
0x10c: {  	v21 =	vmul.f32 $1.442695020e+00, v21;
	_ =	sdelay $0x1  }
0x10d: {  	v21 =	vbroadcast v21, $0xF;
	_ =	sdelay $0x3  }
0x10e: {  	(erf) = vpow2.f32 v21;
	v21, _, _ =	vpop (xrf2)  }
0x10f: {  	v21 =	vmul.f32 $1.442695020e+00, v21;
	_ =	sdelay $0x1  }
0x110: {  	v22, _, _ =	vpop (xrf2);
	v21 =	vbroadcast v21, $0xF  }
0x111: {  	v22 =	vmul.f32 $1.442695020e+00, v22  }
0x112: {  	(erf) = vpow2.f32 v21  }
0x113: {  	v23, _, _ =	vpop (xrf2);
	v22 =	vbroadcast v22, $0xF  }
0x114: {  	v23 =	vmul.f32 $1.442695020e+00, v23  }
0x115: {  	(erf) = vpow2.f32 v22  }
0x116: {  	v23 =	vbroadcast v23, $0xF;
	_ =	sdelay $0x1  }
0x117: {  	v21 =	vpop (erf);
	(erf) = vpow2.f32 v23  }
0x118: {  	s24 =	simm.s32 $0x5360;
	s25 =	simm.s32 $0x200;
	s23 =	simm.s32 $0x5360;
	v19 =	vmul.f32 v21, v19;
	v20 =	vmul.f32 v21, v20  }
.LBB2_6:
0x119: {  	p1 =	sne.s32 s25, $0x4E00  }
0x11a: {  	s24 =	sadd.s32 $0x90, s24;
	s26 =	smov.u32 s25;
	s25 =	sadd.s32 $0x200, s25;
	v22 =	vpop (erf)  }
0x11b: {  	v23 =	vmul.f32 v1, v22;
	v24 =	vmul.f32 v22, v13  }
0x11c: {  	v17 =	vmul.f32 v22, v17  }
0x11d: {  	v21 =	vmul.f32 v2, v21;
	v22 =	vadd.f32 $0.0e+00, v23;
	[tilespmem:s23+$0xFFFFFFC0] =	vst v24;
	v13 =	vpop (erf)  }
0x11e: {  	[tilespmem:s23+$0xFFFFFFD0] =	vst v17;
	v23 =	vmul.f32 v13, v18;
	v15 =	vmul.f32 v13, v15  }
0x11f: {  	v13 =	vmul.f32 v3, v13;
	v18 =	vadd.f32 v21, v22  }
0x120: {  	[tilespmem:s23+$0x0] =	vst v23;
	v17 =	vpop (erf)  }
0x121: {  	v13 =	vadd.f32 v13, v18;
	v18 =	vmul.f32 v4, v17;
	[tilespmem:s23+$0x10] =	vst v15;
	v15 =	vmul.f32 v17, v16  }
0x122: {  	v14 =	vmul.f32 v17, v14;
	[tilespmem:s23+$0xFFFFFFF0] =	vst v20  }
0x123: {  	v13 =	vadd.f32 v18, v13;
	[tilespmem:s23+$0x20] =	vst v15  }
0x124: {  	s26 =	sshra.s32 s26, $0x2;
	[tilespmem:s23+$0x30] =	vst v14  }
0x125: {  	[tilespmem:s23+$0x40] =	vst v13  }
0x126: {  	[tilespmem:s23+$0xFFFFFFE0] =	vst v19;
	s23 =	smov.u32 s24  }
0x127: {  	v19 =	vld [tilespmem:s26+$0x340]  }
0x128: {  	v13 =	vld [tilespmem:s26+$0x320]  }
0x129: {  	v20 =	vld [tilespmem:s26+$0x350]  }
0x12a: {  	v21 =	vld [tilespmem:s26+$0x1790]  }
0x12b: {  	v16 =	vld [tilespmem:s26+$0x1730]  }
0x12c: {  	v14 =	vld [tilespmem:s26+$0x1740]  }
0x12d: {  	v18 =	vld [tilespmem:s26+$0x1750]  }
0x12e: {  	v22 =	vld [tilespmem:s26+$0x1720]  }
0x12f: {  	v17 =	vld [tilespmem:s26+$0x330]  }
0x130: {  	v23 =	vld [tilespmem:s26+$0x1770]  }
0x131: {  	v14 =	vadd.f32 v14, v19;
	v24 =	vld [tilespmem:s26+$0x1760]  }
0x132: {  	v15 =	vld [tilespmem:s26+$0x370];
	v25 =	vadd.f32 v18, v20  }
0x133: {  	v18 =	vld [tilespmem:s26+$0x360];
	v26 =	vadd.f32 v14, v14  }
0x134: {  	v22 =	vadd.f32 v22, v13;
	v25 =	vadd.f32 v25, v25;
	v27 =	vld [tilespmem:s26+$0x1780]  }
0x135: {  	v28 =	vadd.f32 v16, v17;
	v14 =	vld [tilespmem:s26+$0x390];
	v26 =	vmul.f32 $1.442695020e+00, v26  }
0x136: {  	v22 =	vadd.f32 v22, v22;
	v16 =	vld [tilespmem:s26+$0x380];
	v25 =	vmul.f32 $1.442695020e+00, v25  }
0x137: {  	v28 =	vadd.f32 v28, v28;
	v23 =	vadd.f32 v23, v15;
	(erf) = vpow2.f32 v26  }
0x138: {  	v22 =	vmul.f32 $1.442695020e+00, v22;
	v24 =	vadd.f32 v24, v18;
	(erf) = vpow2.f32 v25  }
0x139: {  	v25 =	vmul.f32 $1.442695020e+00, v28;
	v23 =	vadd.f32 v23, v23  }
0x13a: {  	v24 =	vadd.f32 v24, v24;
	v21 =	vadd.f32 v21, v14;
	(erf) = vpow2.f32 v22  }
0x13b: {  	v22 =	vmul.f32 $1.442695020e+00, v23;
	v23 =	vadd.f32 v27, v16;
	(erf) = vpow2.f32 v25  }
0x13c: {  	v24 =	vmul.f32 $1.442695020e+00, v24;
	v21 =	vadd.f32 v21, v21  }
0x13d: {  	v25 =	vadd.f32 v23, v23;
	(erf) = vpow2.f32 v22  }
0x13e: {  	v21 =	vmul.f32 $1.442695020e+00, v21;
	(erf) = vpow2.f32 v24  }
0x13f: {  	v22 =	vmul.f32 $1.442695020e+00, v25  }
0x140: {  	v23 =	vpop (erf);
	(erf) = vpow2.f32 v21  }
0x141: {  	v21 =	vadd.f32 $1.000000000e+00, v23;
	v24 =	vpop (erf);
	(erf) = vpow2.f32 v22  }
0x142: {  	v22 =	vadd.f32 $1.000000000e+00, v24  }
0x143: {  	v25 =	vpop (erf);
	(erf) = vrcp.f32 v21  }
0x144: {  	v27 =	vadd.f32 $1.000000000e+00, v25;
	v26 =	vpop (erf);
	(erf) = vrcp.f32 v22  }
0x145: {  	v28 =	vadd.f32 $1.000000000e+00, v26  }
0x146: {  	(erf) = vrcp.f32 v27;
	v21 =	vpop (erf)  }
0x147: {  	v29 =	vadd.f32 $1.000000000e+00, v21;
	(erf) = vrcp.f32 v28;
	v22 =	vpop (erf)  }
0x148: {  	v30 =	vadd.f32 $1.000000000e+00, v22  }
0x149: {  	(erf) = vrcp.f32 v29;
	v27 =	vpop (erf)  }
0x14a: {  	v32 =	vadd.f32 $1.000000000e+00, v27;
	(erf) = vrcp.f32 v30;
	v28 =	vpop (erf)  }
0x14b: {  	v23 =	vadd.f32 $-1.000000000e+00, v23;
	v30 =	vadd.f32 $1.000000000e+00, v28  }
0x14c: {  	v24 =	vadd.f32 $-1.000000000e+00, v24;
	v28 =	vadd.f32 $-1.000000000e+00, v28;
	v31 =	vpop (erf);
	(erf) = vrcp.f32 v32  }
0x14d: {  	v23 =	vmul.f32 v31, v23;
	v29 =	vpop (erf);
	(erf) = vrcp.f32 v30  }
0x14e: {  	v24 =	vmul.f32 v29, v24  }
0x14f: {  	v25 =	vadd.f32 $-1.000000000e+00, v25;
	v26 =	vadd.f32 $-1.000000000e+00, v26;
	v23 =	vmul.f32 v23, v7;
	v29 =	vpop (erf)  }
0x150: {  	v31 =	vmul.f32 v24, v8;
	v30 =	vpop (erf)  }
0x151: {  	v21 =	vadd.f32 $-1.000000000e+00, v21;
	v25 =	vmul.f32 v29, v25;
	v26 =	vmul.f32 v30, v26  }
0x152: {  	v22 =	vadd.f32 $-1.000000000e+00, v22;
	v23 =	vadd.f32 v31, v23;
	v24 =	vpop (erf)  }
0x153: {  	v30 =	vmul.f32 v25, v5;
	v31 =	vmul.f32 v26, v6;
	v29 =	vpop (erf)  }
0x154: {  	v21 =	vmul.f32 v24, v21;
	v22 =	vmul.f32 v29, v22;
	(xrf2) =	vadd.scan.msk.f32 $0xffff, v23  }
0x155: {  	v23 =	vadd.f32 $-1.000000000e+00, v27;
	v24 =	vadd.f32 v31, v30;
	v25 =	vpop (erf)  }
0x156: {  	v21 =	vmul.f32 v21, v10;
	v22 =	vmul.f32 v22, v9;
	v26 =	vpop (erf)  }
0x157: {  	v23 =	vmul.f32 v25, v23;
	v26 =	vmul.f32 v26, v28;
	(xrf2) =	vadd.scan.msk.f32 $0xffff, v24  }
0x158: {  	v21 =	vadd.f32 v21, v22  }
0x159: {  	v23 =	vmul.f32 v23, v12;
	v22 =	vmul.f32 v26, v11  }
0x15a: {  	(xrf2) =	vadd.scan.msk.f32 $0xffff, v21  }
0x15b: {  	v22 =	vadd.f32 v23, v22;
	_ =	sdelay $0x1  }
0x15c: {  	(xrf2) =	vadd.scan.msk.f32 $0xffff, v22  }
0x15d: {  	v21, _, _ =	vpop (xrf2)  }
0x15e: {  	v21 =	vmul.f32 $1.442695020e+00, v21;
	_ =	sdelay $0x1  }
0x15f: {  	v21 =	vbroadcast v21, $0xF;
	v22, _, _ =	vpop (xrf2)  }
0x160: {  	v23 =	vmul.f32 $1.442695020e+00, v22  }
0x161: {  	(erf) = vpow2.f32 v21  }
0x162: {  	v21 =	vbroadcast v23, $0xF;
	v22, _, _ =	vpop (xrf2)  }
0x163: {  	v23 =	vmul.f32 $1.442695020e+00, v22  }
0x164: {  	(erf) = vpow2.f32 v21  }
0x165: {  	v21 =	vbroadcast v23, $0xF;
	v22, _, _ =	vpop (xrf2)  }
0x166: {  	v22 =	vmul.f32 $1.442695020e+00, v22  }
.Ltmp1:
0x167: {  	(erf) = vpow2.f32 v21;
	(pc) =	sbr.rel @p1 .LBB2_6-.Ltmp1, $3  }
0x168: {  	v22 =	vbroadcast v22, $0xF;
	_ =	sdelay $0x1  }
0x169: {  	v21 =	vpop (erf);
	(erf) = vpow2.f32 v22  }
0x16a: {  	v19 =	vmul.f32 v21, v19;
	v20 =	vmul.f32 v21, v20  }
0x16b: {  	_ = 	snop  }
0x16c: {  	v22 =	vpop (erf)  }
0x16d: {  	v23 =	vmul.f32 v1, v22;
	_ =	sdelay $0x2  }
0x16e: {  	v13 =	vmul.f32 v22, v13  }
0x16f: {  	v17 =	vmul.f32 v22, v17;
	v22 =	vadd.f32 $0.0e+00, v23;
	v23 =	vpop (erf)  }
0x170: {  	[tilespmem:s23+$0xFFFFFFC0] =	vst v13;
	v13 =	vmul.f32 v23, v18  }
0x171: {  	v21 =	vmul.f32 v2, v21  }
0x172: {  	[tilespmem:s23+$0xFFFFFFF0] =	vst v20  }
0x173: {  	[tilespmem:s23+$0xFFFFFFD0] =	vst v17;
	v17 =	vadd.f32 v21, v22;
	v15 =	vmul.f32 v23, v15;
	v18 =	vmul.f32 v3, v23  }
0x174: {  	[tilespmem:s23+$0x0] =	vst v13;
	v13 =	vpop (erf)  }
0x175: {  	v17 =	vadd.f32 v18, v17;
	[tilespmem:s23+$0x10] =	vst v15;
	v18 =	vmul.f32 v4, v13;
	v15 =	vmul.f32 v13, v16  }
0x176: {  	s24 =	smul.u32 $0x140, s15;
	[tilespmem:s23+$0xFFFFFFE0] =	vst v19;
	v13 =	vmul.f32 v13, v14  }
0x177: {  	v14 =	vadd.f32 v18, v17;
	[tilespmem:s23+$0x20] =	vst v15  }
0x178: {  	s24 =	sshra.s32 s24, $0x2;
	[tilespmem:s23+$0x30] =	vst v13  }
0x179: {  	s25 =	sadd.s32 $0x190, s24;
	[tilespmem:s23+$0x40] =	vst v14  }
0x17a: {  	[spmem:s19] =	stream.indirect.scatter.add.f32 [tilespmem:s2], [sflag:$0x3], $0x90, s25, s4, $0xb8;
	[tilespmem:$0x1C9B0] =	vst v63  }
0x17b: {  	p1 =	seq.s32 s15, $0x4;
	_ =	swait.ge [sflag:s0], $0x1680  }
0x17c: {  	s24 =	simm.s32 @!p1 $0x28;
	[sflag:s0] =	ssyncset.done $0x0  }
0x17d: {  	s23 =	sadd.s32 @!p1 $0x50, s20;
	s25 =	simm.s32 @!p1 $0x320;
	[sflag:s0] =	ssyncadd.s32 $0xFFFFE980  }
0x17e: {  	[tilespmem:s25], [sflag:$0x1] =	stream.indirect.gather @!p1 [hbm4b:s18+s24], $0x80, s23, s24, $0xb8;
	[tilespmem:$0x1C9B0] =	vst v63  }
0x17f: {  	s20 =	sadd.s32 @!p1 $0x1E0, s20;
	s23 =	simm.s32 @!p1 $0x1720  }
0x180: {  	[tilespmem:s23], [sflag:$0x1] =	stream.indirect.gather @!p1 [hbm4b:s18+s24], $0x80, s20, s24, $0xb8;
	[tilespmem:$0x1C9B0] =	vst v63  }
0x181: {  	_ =	swait.ge [sflag:s11], $0x1400  }
0x182: {  	[sflag:s11] =	ssyncset.done $0x0  }
0x183: {  	[sflag:s11] =	ssyncadd.s32 $0xFFFFEC00  }
0x184: {  	_ =	swait.ge [sflag:s11], $0x1400  }
0x185: {  	[sflag:s11] =	ssyncset.done $0x0  }
0x186: {  	s26 =	simm.s32 $0x0;
	[sflag:s11] =	ssyncadd.s32 $0xFFFFEC00  }
0x187: {  	v19 =	vld [tilespmem:s26+$0x2B40]  }
0x188: {  	v13 =	vld [tilespmem:s26+$0x2B20]  }
0x189: {  	v20 =	vld [tilespmem:s26+$0x2B50]  }
0x18a: {  	v21 =	vld [tilespmem:s26+$0x3F90]  }
0x18b: {  	v22 =	vld [tilespmem:s26+$0x3F30]  }
0x18c: {  	v14 =	vld [tilespmem:s26+$0x3F40]  }
0x18d: {  	v16 =	vld [tilespmem:s26+$0x3F50]  }
0x18e: {  	v23 =	vld [tilespmem:s26+$0x3F20]  }
0x18f: {  	v17 =	vld [tilespmem:s26+$0x2B30]  }
0x190: {  	v24 =	vld [tilespmem:s26+$0x3F70]  }
0x191: {  	v25 =	vld [tilespmem:s26+$0x3F60];
	v14 =	vadd.f32 v14, v19  }
0x192: {  	v15 =	vld [tilespmem:s26+$0x2B70]  }
0x193: {  	v18 =	vld [tilespmem:s26+$0x2B60];
	v16 =	vadd.f32 v16, v20;
	v26 =	vadd.f32 v14, v14  }
0x194: {  	v28 =	vld [tilespmem:s26+$0x3F80]  }
0x195: {  	v27 =	vadd.f32 v16, v16;
	v14 =	vld [tilespmem:s26+$0x2B90];
	v26 =	vmul.f32 $1.442695020e+00, v26  }
0x196: {  	v23 =	vadd.f32 v23, v13;
	v16 =	vld [tilespmem:s26+$0x2B80]  }
0x197: {  	v22 =	vadd.f32 v22, v17;
	v27 =	vmul.f32 $1.442695020e+00, v27;
	(erf) = vpow2.f32 v26  }
0x198: {  	v24 =	vadd.f32 v24, v15;
	v23 =	vadd.f32 v23, v23  }
0x199: {  	v25 =	vadd.f32 v25, v18;
	v22 =	vadd.f32 v22, v22;
	(erf) = vpow2.f32 v27  }
0x19a: {  	v24 =	vadd.f32 v24, v24;
	v23 =	vmul.f32 $1.442695020e+00, v23;
	v21 =	vadd.f32 v21, v14  }
0x19b: {  	v25 =	vadd.f32 v25, v25;
	v22 =	vmul.f32 $1.442695020e+00, v22;
	v43 =	vadd.f32 v28, v16  }
0x19c: {  	(erf) = vpow2.f32 v23;
	v23 =	vmul.f32 $1.442695020e+00, v24;
	v21 =	vadd.f32 v21, v21  }
0x19d: {  	(erf) = vpow2.f32 v22;
	v22 =	vmul.f32 $1.442695020e+00, v25;
	v44 =	vadd.f32 v43, v43  }
0x19e: {  	(erf) = vpow2.f32 v23;
	v21 =	vmul.f32 $1.442695020e+00, v21  }
0x19f: {  	(erf) = vpow2.f32 v22;
	v22 =	vmul.f32 $1.442695020e+00, v44  }
0x1a0: {  	(erf) = vpow2.f32 v21;
	v23 =	vpop (erf)  }
0x1a1: {  	(erf) = vpow2.f32 v22;
	v21 =	vadd.f32 $1.000000000e+00, v23  }
0x1a2: {  	v45 =	vpop (erf)  }
0x1a3: {  	v22 =	vadd.f32 $1.000000000e+00, v45  }
0x1a4: {  	(erf) = vrcp.f32 v21  }
0x1a5: {  	(erf) = vrcp.f32 v22;
	v21 =	vpop (erf)  }
0x1a6: {  	v22 =	vadd.f32 $1.000000000e+00, v21;
	v46 =	vpop (erf)  }
0x1a7: {  	v47 =	vadd.f32 $1.000000000e+00, v46;
	v48 =	vpop (erf)  }
0x1a8: {  	(erf) = vrcp.f32 v22;
	v22 =	vadd.f32 $1.000000000e+00, v48;
	v49 =	vpop (erf)  }
0x1a9: {  	(erf) = vrcp.f32 v47;
	v50 =	vadd.f32 $1.000000000e+00, v49;
	v29 =	vpop (erf)  }
0x1aa: {  	(erf) = vrcp.f32 v22;
	v22 =	vadd.f32 $1.000000000e+00, v29;
	v30 =	vpop (erf)  }
0x1ab: {  	(erf) = vrcp.f32 v50;
	v51 =	vadd.f32 $1.000000000e+00, v30  }
0x1ac: {  	(erf) = vrcp.f32 v22  }
0x1ad: {  	v23 =	vadd.f32 $-1.000000000e+00, v23;
	v24 =	vadd.f32 $-1.000000000e+00, v45;
	v31 =	vpop (erf);
	(erf) = vrcp.f32 v51  }
0x1ae: {  	v22 =	vpop (erf)  }
0x1af: {  	v23 =	vmul.f32 v31, v23;
	v22 =	vmul.f32 v22, v24;
	_ =	sdelay $0x1  }
0x1b0: {  	v23 =	vmul.f32 v23, v7;
	v22 =	vmul.f32 v22, v8;
	v53 =	vpop (erf)  }
0x1b1: {  	v21 =	vadd.f32 $-1.000000000e+00, v21;
	v52 =	vadd.f32 $-1.000000000e+00, v46;
	v54 =	vpop (erf)  }
0x1b2: {  	v22 =	vadd.f32 v22, v23;
	v55 =	vpop (erf)  }
0x1b3: {  	v56 =	vadd.f32 $-1.000000000e+00, v48;
	v21 =	vmul.f32 v53, v21;
	v24 =	vmul.f32 v54, v52;
	v58 =	vpop (erf)  }
0x1b4: {  	v59 =	vadd.f32 $-1.000000000e+00, v29;
	v23 =	vadd.f32 $-1.000000000e+00, v30;
	(xrf2) =	vadd.scan.msk.f32 $0xffff, v22;
	v60 =	vpop (erf)  }
0x1b5: {  	v57 =	vadd.f32 $-1.000000000e+00, v49;
	v21 =	vmul.f32 v21, v5;
	v22 =	vmul.f32 v24, v6;
	v61 =	vpop (erf)  }
0x1b6: {  	v24 =	vmul.f32 v60, v59;
	v23 =	vmul.f32 v61, v23  }
0x1b7: {  	v25 =	vmul.f32 v55, v56;
	v27 =	vmul.f32 v58, v57  }
0x1b8: {  	v21 =	vadd.f32 v22, v21;
	v22 =	vmul.f32 v23, v11;
	v23 =	vmul.f32 v24, v12  }
0x1b9: {  	v25 =	vmul.f32 v25, v10;
	v62 =	vmul.f32 v27, v9  }
0x1ba: {  	(xrf2) =	vadd.scan.msk.f32 $0xffff, v21;
	v21 =	vadd.f32 v23, v22  }
0x1bb: {  	v63 =	vadd.f32 v25, v62;
	_ =	sdelay $0x1  }
0x1bc: {  	(xrf2) =	vadd.scan.msk.f32 $0xffff, v63  }
0x1bd: {  	(xrf2) =	vadd.scan.msk.f32 $0xffff, v21;
	v21, _, _ =	vpop (xrf2)  }
0x1be: {  	v21 =	vmul.f32 $1.442695020e+00, v21;
	_ =	sdelay $0x1  }
0x1bf: {  	v21 =	vbroadcast v21, $0xF;
	_ =	sdelay $0x3  }
0x1c0: {  	(erf) = vpow2.f32 v21;
	v21, _, _ =	vpop (xrf2)  }
0x1c1: {  	v21 =	vmul.f32 $1.442695020e+00, v21;
	_ =	sdelay $0x1  }
0x1c2: {  	v22, _, _ =	vpop (xrf2);
	v21 =	vbroadcast v21, $0xF  }
0x1c3: {  	v22 =	vmul.f32 $1.442695020e+00, v22  }
0x1c4: {  	(erf) = vpow2.f32 v21  }
0x1c5: {  	v23, _, _ =	vpop (xrf2);
	v22 =	vbroadcast v22, $0xF  }
0x1c6: {  	v23 =	vmul.f32 $1.442695020e+00, v23  }
0x1c7: {  	(erf) = vpow2.f32 v22  }
0x1c8: {  	v23 =	vbroadcast v23, $0xF;
	_ =	sdelay $0x1  }
0x1c9: {  	v21 =	vpop (erf);
	(erf) = vpow2.f32 v23  }
0x1ca: {  	s23 =	simm.s32 $0x5360;
	s24 =	simm.s32 $0x200;
	s20 =	simm.s32 $0x5360;
	v19 =	vmul.f32 v21, v19;
	v20 =	vmul.f32 v21, v20  }
.LBB2_8:
0x1cb: {  	p1 =	sne.s32 s24, $0x4E00  }
0x1cc: {  	s23 =	sadd.s32 $0x90, s23;
	s25 =	smov.u32 s24;
	s24 =	sadd.s32 $0x200, s24;
	v22 =	vpop (erf)  }
0x1cd: {  	v23 =	vmul.f32 v1, v22;
	v24 =	vmul.f32 v22, v13  }
0x1ce: {  	v17 =	vmul.f32 v22, v17  }
0x1cf: {  	v21 =	vmul.f32 v2, v21;
	v22 =	vadd.f32 $0.0e+00, v23;
	[tilespmem:s20+$0xFFFFFFC0] =	vst v24;
	v13 =	vpop (erf)  }
0x1d0: {  	[tilespmem:s20+$0xFFFFFFD0] =	vst v17;
	v23 =	vmul.f32 v13, v18;
	v15 =	vmul.f32 v13, v15  }
0x1d1: {  	v13 =	vmul.f32 v3, v13;
	v18 =	vadd.f32 v21, v22  }
0x1d2: {  	[tilespmem:s20+$0x0] =	vst v23;
	v17 =	vpop (erf)  }
0x1d3: {  	v13 =	vadd.f32 v13, v18;
	v18 =	vmul.f32 v4, v17;
	[tilespmem:s20+$0x10] =	vst v15;
	v15 =	vmul.f32 v17, v16  }
0x1d4: {  	v14 =	vmul.f32 v17, v14;
	[tilespmem:s20+$0xFFFFFFF0] =	vst v20  }
0x1d5: {  	v13 =	vadd.f32 v18, v13;
	[tilespmem:s20+$0x20] =	vst v15  }
0x1d6: {  	s25 =	sshra.s32 s25, $0x2;
	[tilespmem:s20+$0x30] =	vst v14  }
0x1d7: {  	[tilespmem:s20+$0x40] =	vst v13  }
0x1d8: {  	[tilespmem:s20+$0xFFFFFFE0] =	vst v19;
	s20 =	smov.u32 s23  }
0x1d9: {  	v19 =	vld [tilespmem:s25+$0x2B40]  }
0x1da: {  	v13 =	vld [tilespmem:s25+$0x2B20]  }
0x1db: {  	v20 =	vld [tilespmem:s25+$0x2B50]  }
0x1dc: {  	v21 =	vld [tilespmem:s25+$0x3F90]  }
0x1dd: {  	v16 =	vld [tilespmem:s25+$0x3F30]  }
0x1de: {  	v14 =	vld [tilespmem:s25+$0x3F40]  }
0x1df: {  	v18 =	vld [tilespmem:s25+$0x3F50]  }
0x1e0: {  	v22 =	vld [tilespmem:s25+$0x3F20]  }
0x1e1: {  	v17 =	vld [tilespmem:s25+$0x2B30]  }
0x1e2: {  	v23 =	vld [tilespmem:s25+$0x3F70]  }
0x1e3: {  	v14 =	vadd.f32 v14, v19;
	v24 =	vld [tilespmem:s25+$0x3F60]  }
0x1e4: {  	v15 =	vld [tilespmem:s25+$0x2B70];
	v25 =	vadd.f32 v18, v20  }
0x1e5: {  	v18 =	vld [tilespmem:s25+$0x2B60];
	v26 =	vadd.f32 v14, v14  }
0x1e6: {  	v22 =	vadd.f32 v22, v13;
	v25 =	vadd.f32 v25, v25;
	v27 =	vld [tilespmem:s25+$0x3F80]  }
0x1e7: {  	v28 =	vadd.f32 v16, v17;
	v14 =	vld [tilespmem:s25+$0x2B90];
	v26 =	vmul.f32 $1.442695020e+00, v26  }
0x1e8: {  	v22 =	vadd.f32 v22, v22;
	v16 =	vld [tilespmem:s25+$0x2B80];
	v25 =	vmul.f32 $1.442695020e+00, v25  }
0x1e9: {  	v28 =	vadd.f32 v28, v28;
	v23 =	vadd.f32 v23, v15;
	(erf) = vpow2.f32 v26  }
0x1ea: {  	v22 =	vmul.f32 $1.442695020e+00, v22;
	v24 =	vadd.f32 v24, v18;
	(erf) = vpow2.f32 v25  }
0x1eb: {  	v25 =	vmul.f32 $1.442695020e+00, v28;
	v23 =	vadd.f32 v23, v23  }
0x1ec: {  	v24 =	vadd.f32 v24, v24;
	v21 =	vadd.f32 v21, v14;
	(erf) = vpow2.f32 v22  }
0x1ed: {  	v22 =	vmul.f32 $1.442695020e+00, v23;
	v23 =	vadd.f32 v27, v16;
	(erf) = vpow2.f32 v25  }
0x1ee: {  	v24 =	vmul.f32 $1.442695020e+00, v24;
	v21 =	vadd.f32 v21, v21  }
0x1ef: {  	v25 =	vadd.f32 v23, v23;
	(erf) = vpow2.f32 v22  }
0x1f0: {  	v21 =	vmul.f32 $1.442695020e+00, v21;
	(erf) = vpow2.f32 v24  }
0x1f1: {  	v22 =	vmul.f32 $1.442695020e+00, v25  }
0x1f2: {  	v23 =	vpop (erf);
	(erf) = vpow2.f32 v21  }
0x1f3: {  	v21 =	vadd.f32 $1.000000000e+00, v23;
	v24 =	vpop (erf);
	(erf) = vpow2.f32 v22  }
0x1f4: {  	v22 =	vadd.f32 $1.000000000e+00, v24  }
0x1f5: {  	v25 =	vpop (erf);
	(erf) = vrcp.f32 v21  }
0x1f6: {  	v27 =	vadd.f32 $1.000000000e+00, v25;
	v26 =	vpop (erf);
	(erf) = vrcp.f32 v22  }
0x1f7: {  	v28 =	vadd.f32 $1.000000000e+00, v26  }
0x1f8: {  	(erf) = vrcp.f32 v27;
	v21 =	vpop (erf)  }
0x1f9: {  	v29 =	vadd.f32 $1.000000000e+00, v21;
	(erf) = vrcp.f32 v28;
	v22 =	vpop (erf)  }
0x1fa: {  	v30 =	vadd.f32 $1.000000000e+00, v22  }
0x1fb: {  	(erf) = vrcp.f32 v29;
	v27 =	vpop (erf)  }
0x1fc: {  	v32 =	vadd.f32 $1.000000000e+00, v27;
	(erf) = vrcp.f32 v30;
	v28 =	vpop (erf)  }
0x1fd: {  	v23 =	vadd.f32 $-1.000000000e+00, v23;
	v30 =	vadd.f32 $1.000000000e+00, v28  }
0x1fe: {  	v24 =	vadd.f32 $-1.000000000e+00, v24;
	v28 =	vadd.f32 $-1.000000000e+00, v28;
	v31 =	vpop (erf);
	(erf) = vrcp.f32 v32  }
0x1ff: {  	v23 =	vmul.f32 v31, v23;
	v29 =	vpop (erf);
	(erf) = vrcp.f32 v30  }
0x200: {  	v24 =	vmul.f32 v29, v24  }
0x201: {  	v25 =	vadd.f32 $-1.000000000e+00, v25;
	v26 =	vadd.f32 $-1.000000000e+00, v26;
	v23 =	vmul.f32 v23, v7;
	v29 =	vpop (erf)  }
0x202: {  	v31 =	vmul.f32 v24, v8;
	v30 =	vpop (erf)  }
0x203: {  	v21 =	vadd.f32 $-1.000000000e+00, v21;
	v25 =	vmul.f32 v29, v25;
	v26 =	vmul.f32 v30, v26  }
0x204: {  	v22 =	vadd.f32 $-1.000000000e+00, v22;
	v23 =	vadd.f32 v31, v23;
	v24 =	vpop (erf)  }
0x205: {  	v30 =	vmul.f32 v25, v5;
	v31 =	vmul.f32 v26, v6;
	v29 =	vpop (erf)  }
0x206: {  	v21 =	vmul.f32 v24, v21;
	v22 =	vmul.f32 v29, v22;
	(xrf2) =	vadd.scan.msk.f32 $0xffff, v23  }
0x207: {  	v23 =	vadd.f32 $-1.000000000e+00, v27;
	v24 =	vadd.f32 v31, v30;
	v25 =	vpop (erf)  }
0x208: {  	v21 =	vmul.f32 v21, v10;
	v22 =	vmul.f32 v22, v9;
	v26 =	vpop (erf)  }
0x209: {  	v23 =	vmul.f32 v25, v23;
	v26 =	vmul.f32 v26, v28;
	(xrf2) =	vadd.scan.msk.f32 $0xffff, v24  }
0x20a: {  	v21 =	vadd.f32 v21, v22  }
0x20b: {  	v23 =	vmul.f32 v23, v12;
	v22 =	vmul.f32 v26, v11  }
0x20c: {  	(xrf2) =	vadd.scan.msk.f32 $0xffff, v21  }
0x20d: {  	v22 =	vadd.f32 v23, v22;
	_ =	sdelay $0x1  }
0x20e: {  	(xrf2) =	vadd.scan.msk.f32 $0xffff, v22  }
0x20f: {  	v21, _, _ =	vpop (xrf2)  }
0x210: {  	v21 =	vmul.f32 $1.442695020e+00, v21;
	_ =	sdelay $0x1  }
0x211: {  	v21 =	vbroadcast v21, $0xF;
	v22, _, _ =	vpop (xrf2)  }
0x212: {  	v23 =	vmul.f32 $1.442695020e+00, v22  }
0x213: {  	(erf) = vpow2.f32 v21  }
0x214: {  	v21 =	vbroadcast v23, $0xF;
	v22, _, _ =	vpop (xrf2)  }
0x215: {  	v23 =	vmul.f32 $1.442695020e+00, v22  }
0x216: {  	(erf) = vpow2.f32 v21  }
0x217: {  	v21 =	vbroadcast v23, $0xF;
	v22, _, _ =	vpop (xrf2)  }
0x218: {  	v22 =	vmul.f32 $1.442695020e+00, v22  }
.Ltmp2:
0x219: {  	(erf) = vpow2.f32 v21;
	(pc) =	sbr.rel @p1 .LBB2_8-.Ltmp2, $3  }
0x21a: {  	v22 =	vbroadcast v22, $0xF;
	_ =	sdelay $0x1  }
0x21b: {  	v21 =	vpop (erf);
	(erf) = vpow2.f32 v22  }
0x21c: {  	v19 =	vmul.f32 v21, v19;
	v20 =	vmul.f32 v21, v20  }
0x21d: {  	_ =	sdelay $0x1  }
0x21e: {  	v22 =	vpop (erf)  }
0x21f: {  	v13 =	vmul.f32 v22, v13  }
0x220: {  	v23 =	vmul.f32 v1, v22;
	v60 =	vpop (erf)  }
0x221: {  	[tilespmem:s20+$0xFFFFFFC0] =	vst v13;
	v13 =	vmul.f32 v60, v18  }
0x222: {  	v21 =	vmul.f32 v2, v21;
	v17 =	vmul.f32 v22, v17;
	v59 =	vadd.f32 $0.0e+00, v23  }
0x223: {  	[tilespmem:s20+$0xFFFFFFF0] =	vst v20  }
0x224: {  	[tilespmem:s20+$0xFFFFFFD0] =	vst v17;
	v15 =	vmul.f32 v60, v15;
	v62 =	vmul.f32 v3, v60;
	v61 =	vadd.f32 v21, v59  }
0x225: {  	[tilespmem:s20+$0x0] =	vst v13;
	v13 =	vpop (erf)  }
0x226: {  	[tilespmem:s20+$0x10] =	vst v15;
	v17 =	vadd.f32 v62, v61;
	v63 =	vmul.f32 v4, v13;
	v15 =	vmul.f32 v13, v16  }
0x227: {  	[tilespmem:s20+$0xFFFFFFE0] =	vst v19;
	v13 =	vmul.f32 v13, v14  }
0x228: {  	s15 =	sadd.s32 $0x1, s15;
	v14 =	vadd.f32 v63, v17;
	[tilespmem:s20+$0x20] =	vst v15  }
0x229: {  	p1 =	sne.s32 s15, $0x5;
	[tilespmem:s20+$0x30] =	vst v13  }
.Ltmp3:
0x22a: {  	[tilespmem:s20+$0x40] =	vst v14;
	(pc) =	sbr.rel @p1 .LBB2_5-.Ltmp3, $4  }
0x22b: {  	[spmem:s19] =	stream.indirect.scatter.add.f32 [tilespmem:s2], [sflag:$0x3], $0x90, s16, s4, $0xb8;
	[tilespmem:$0x1C9B0] =	vst v63  }
0x22c: {  	_ =	swait.ge [sflag:s0], $0x1680  }
0x22d: {  	[sflag:s0] =	ssyncset.done $0x0  }
0x22e: {  	[sflag:s0] =	ssyncadd.s32 $0xFFFFE980  }
0x22f: {  	s14 =	sadd.s32 $0x1, s14  }
0x230: {  	p1 =	sne.s32 s14, $0x19  }
.Ltmp4:
0x231: {  	_ = 	snop;
	(pc) =	sbr.rel @p1 .LBB2_4-.Ltmp4, $1  }
0x232: {  	_ =	sdelay $0x3  }
0x233: {  	[bflag:$0x0] =	sbarrier.arrive $0xFFFF  }
0x234: {  	s13 =	sld [smem:$0x7EA];
	_ =	sdelay $0x2  }
0x235: {  	[tilespmem:s2], [sflag:$0x3] =	stream.linear.gather [spmem:s13], $0x1680, $0x38;
	[tilespmem:$0x1C9B0] =	vst v63  }
0x236: {  	_ =	swait.ge [sflag:s0], $0x1680  }
0x237: {  	[sflag:s0] =	ssyncset.done $0x0  }
0x238: {  	s25 =	rddreg [dreg:$0x4];
	[sflag:s0] =	ssyncadd.s32 $0xFFFFE980  }
0x239: {  	[hbm4b:s25+s1] =	stream.linear.scatter [tilespmem:s2], [sflag:$0x3], $0x1680, $0x38;
	[tilespmem:$0x1C9B0] =	vst v63  }
0x23a: {  	_ =	swait.ge [sflag:s0], $0x1680  }
0x23b: {  	s26 =	sld [smem:$0x7EC]  }
0x23c: {  	[sflag:s0] =	ssyncset.done $0x0  }
0x23d: {  	[sflag:s0] =	ssyncadd.s32 $0xFFFFE980  }
0x23e: {  	[tilespmem:s2], [sflag:$0x3] =	stream.linear.gather [spmem:s26], $0x1680, $0x38;
	[tilespmem:$0x1C9B0] =	vst v63  }
0x23f: {  	_ =	swait.ge [sflag:s0], $0x1680  }
0x240: {  	[sflag:s0] =	ssyncset.done $0x0  }
0x241: {  	s14 =	rddreg [dreg:$0x5];
	[sflag:s0] =	ssyncadd.s32 $0xFFFFE980  }
0x242: {  	[hbm4b:s14+s1] =	stream.linear.scatter [tilespmem:s2], [sflag:$0x3], $0x1680, $0x38;
	[tilespmem:$0x1C9B0] =	vst v63  }
0x243: {  	_ =	swait.ge [sflag:s0], $0x1680  }
0x244: {  	s15 =	sld [smem:$0x7EE]  }
0x245: {  	[sflag:s0] =	ssyncset.done $0x0  }
0x246: {  	[sflag:s0] =	ssyncadd.s32 $0xFFFFE980  }
0x247: {  	[tilespmem:s2], [sflag:$0x3] =	stream.linear.gather [spmem:s15], $0x1680, $0x38;
	[tilespmem:$0x1C9B0] =	vst v63  }
0x248: {  	_ =	swait.ge [sflag:s0], $0x1680  }
0x249: {  	[sflag:s0] =	ssyncset.done $0x0  }
0x24a: {  	s16 =	rddreg [dreg:$0x6];
	[sflag:s0] =	ssyncadd.s32 $0xFFFFE980  }
0x24b: {  	[hbm4b:s16+s1] =	stream.linear.scatter [tilespmem:s2], [sflag:$0x3], $0x1680, $0x38;
	[tilespmem:$0x1C9B0] =	vst v63  }
0x24c: {  	_ =	swait.ge [sflag:s0], $0x1680  }
0x24d: {  	s20 =	sld [smem:$0x7F0]  }
0x24e: {  	[sflag:s0] =	ssyncset.done $0x0  }
0x24f: {  	[sflag:s0] =	ssyncadd.s32 $0xFFFFE980  }
0x250: {  	[tilespmem:s2], [sflag:$0x3] =	stream.linear.gather [spmem:s20], $0x1680, $0x38;
	[tilespmem:$0x1C9B0] =	vst v63  }
0x251: {  	_ =	swait.ge [sflag:s0], $0x1680  }
0x252: {  	[sflag:s0] =	ssyncset.done $0x0  }
0x253: {  	s23 =	rddreg [dreg:$0x7];
	[sflag:s0] =	ssyncadd.s32 $0xFFFFE980  }
0x254: {  	[hbm4b:s23+s1] =	stream.linear.scatter [tilespmem:s2], [sflag:$0x3], $0x1680, $0x38;
	[tilespmem:$0x1C9B0] =	vst v63  }
0x255: {  	_ =	swait.ge [sflag:s0], $0x1680  }
0x256: {  	s24 =	sld [smem:$0x7F2]  }
0x257: {  	[sflag:s0] =	ssyncset.done $0x0  }
0x258: {  	[sflag:s0] =	ssyncadd.s32 $0xFFFFE980  }
0x259: {  	[tilespmem:s2], [sflag:$0x3] =	stream.linear.gather [spmem:s24], $0x1680, $0x38;
	[tilespmem:$0x1C9B0] =	vst v63  }
0x25a: {  	_ =	swait.ge [sflag:s0], $0x1680  }
0x25b: {  	[sflag:s0] =	ssyncset.done $0x0  }
0x25c: {  	s25 =	rddreg [dreg:$0x8];
	[sflag:s0] =	ssyncadd.s32 $0xFFFFE980  }
0x25d: {  	[hbm4b:s25+s1] =	stream.linear.scatter [tilespmem:s2], [sflag:$0x3], $0x1680, $0x38;
	[tilespmem:$0x1C9B0] =	vst v63  }
0x25e: {  	_ =	swait.ge [sflag:s0], $0x1680  }
0x25f: {  	s26 =	sld [smem:$0x7F4]  }
0x260: {  	[sflag:s0] =	ssyncset.done $0x0  }
0x261: {  	[sflag:s0] =	ssyncadd.s32 $0xFFFFE980  }
0x262: {  	[tilespmem:s2], [sflag:$0x3] =	stream.linear.gather [spmem:s26], $0x1680, $0x38;
	[tilespmem:$0x1C9B0] =	vst v63  }
0x263: {  	_ =	swait.ge [sflag:s0], $0x1680  }
0x264: {  	[sflag:s0] =	ssyncset.done $0x0  }
0x265: {  	s14 =	rddreg [dreg:$0x9];
	[sflag:s0] =	ssyncadd.s32 $0xFFFFE980  }
0x266: {  	[hbm4b:s14+s1] =	stream.linear.scatter [tilespmem:s2], [sflag:$0x3], $0x1680, $0x38;
	[tilespmem:$0x1C9B0] =	vst v63  }
0x267: {  	_ =	swait.ge [sflag:s0], $0x1680  }
0x268: {  	s15 =	sld [smem:$0x7F6]  }
0x269: {  	[sflag:s0] =	ssyncset.done $0x0  }
0x26a: {  	[sflag:s0] =	ssyncadd.s32 $0xFFFFE980  }
0x26b: {  	[tilespmem:s2], [sflag:$0x3] =	stream.linear.gather [spmem:s15], $0x1680, $0x38;
	[tilespmem:$0x1C9B0] =	vst v63  }
0x26c: {  	_ =	swait.ge [sflag:s0], $0x1680  }
0x26d: {  	[sflag:s0] =	ssyncset.done $0x0  }
0x26e: {  	s16 =	rddreg [dreg:$0xa];
	[sflag:s0] =	ssyncadd.s32 $0xFFFFE980  }
0x26f: {  	[hbm4b:s16+s1] =	stream.linear.scatter [tilespmem:s2], [sflag:$0x3], $0x1680, $0x38;
	[tilespmem:$0x1C9B0] =	vst v63  }
0x270: {  	_ =	swait.ge [sflag:s0], $0x1680  }
0x271: {  	s20 =	sld [smem:$0x7F8]  }
0x272: {  	[sflag:s0] =	ssyncset.done $0x0  }
0x273: {  	[sflag:s0] =	ssyncadd.s32 $0xFFFFE980  }
0x274: {  	[tilespmem:s2], [sflag:$0x3] =	stream.linear.gather [spmem:s20], $0x1680, $0x38;
	[tilespmem:$0x1C9B0] =	vst v63  }
0x275: {  	_ =	swait.ge [sflag:s0], $0x1680  }
0x276: {  	[sflag:s0] =	ssyncset.done $0x0  }
0x277: {  	s23 =	rddreg [dreg:$0xb];
	[sflag:s0] =	ssyncadd.s32 $0xFFFFE980  }
0x278: {  	[hbm4b:s23+s1] =	stream.linear.scatter [tilespmem:s2], [sflag:$0x3], $0x1680, $0x38;
	[tilespmem:$0x1C9B0] =	vst v63  }
0x279: {  	_ =	swait.ge [sflag:s0], $0x1680  }
0x27a: {  	s24 =	sld [smem:$0x7F9]  }
0x27b: {  	[sflag:s0] =	ssyncset.done $0x0  }
0x27c: {  	[sflag:s0] =	ssyncadd.s32 $0xFFFFE980  }
0x27d: {  	[tilespmem:s2], [sflag:$0x3] =	stream.linear.gather [spmem:s24], $0x1680, $0x38;
	[tilespmem:$0x1C9B0] =	vst v63  }
0x27e: {  	_ =	swait.ge [sflag:s0], $0x1680  }
0x27f: {  	[sflag:s0] =	ssyncset.done $0x0  }
0x280: {  	s25 =	rddreg [dreg:$0xc];
	[sflag:s0] =	ssyncadd.s32 $0xFFFFE980  }
0x281: {  	[hbm4b:s25+s1] =	stream.linear.scatter [tilespmem:s2], [sflag:$0x3], $0x1680, $0x38;
	[tilespmem:$0x1C9B0] =	vst v63  }
0x282: {  	_ =	swait.ge [sflag:s0], $0x1680  }
0x283: {  	s26 =	sld [smem:$0x7FA]  }
0x284: {  	[sflag:s0] =	ssyncset.done $0x0  }
0x285: {  	[sflag:s0] =	ssyncadd.s32 $0xFFFFE980  }
0x286: {  	[tilespmem:s2], [sflag:$0x3] =	stream.linear.gather [spmem:s26], $0x1680, $0x38;
	[tilespmem:$0x1C9B0] =	vst v63  }
0x287: {  	_ =	swait.ge [sflag:s0], $0x1680  }
0x288: {  	[sflag:s0] =	ssyncset.done $0x0  }
0x289: {  	s14 =	rddreg [dreg:$0xd];
	[sflag:s0] =	ssyncadd.s32 $0xFFFFE980  }
0x28a: {  	[hbm4b:s14+s1] =	stream.linear.scatter [tilespmem:s2], [sflag:$0x3], $0x1680, $0x38;
	[tilespmem:$0x1C9B0] =	vst v63  }
0x28b: {  	_ =	swait.ge [sflag:s0], $0x1680  }
0x28c: {  	s15 =	sld [smem:$0x7FB]  }
0x28d: {  	[sflag:s0] =	ssyncset.done $0x0  }
0x28e: {  	[sflag:s0] =	ssyncadd.s32 $0xFFFFE980  }
0x28f: {  	[tilespmem:s2], [sflag:$0x3] =	stream.linear.gather [spmem:s15], $0x1680, $0x38;
	[tilespmem:$0x1C9B0] =	vst v63  }
0x290: {  	_ =	swait.ge [sflag:s0], $0x1680  }
0x291: {  	[sflag:s0] =	ssyncset.done $0x0  }
0x292: {  	s16 =	rddreg [dreg:$0xe];
	[sflag:s0] =	ssyncadd.s32 $0xFFFFE980  }
0x293: {  	[hbm4b:s16+s1] =	stream.linear.scatter [tilespmem:s2], [sflag:$0x3], $0x1680, $0x38;
	[tilespmem:$0x1C9B0] =	vst v63  }
0x294: {  	_ =	swait.ge [sflag:s0], $0x1680  }
0x295: {  	s20 =	sld [smem:$0x7FC]  }
0x296: {  	[sflag:s0] =	ssyncset.done $0x0  }
0x297: {  	[sflag:s0] =	ssyncadd.s32 $0xFFFFE980  }
0x298: {  	[tilespmem:s2], [sflag:$0x3] =	stream.linear.gather [spmem:s20], $0x1680, $0x38;
	[tilespmem:$0x1C9B0] =	vst v63  }
0x299: {  	_ =	swait.ge [sflag:s0], $0x1680  }
0x29a: {  	[sflag:s0] =	ssyncset.done $0x0  }
0x29b: {  	s23 =	rddreg [dreg:$0xf];
	[sflag:s0] =	ssyncadd.s32 $0xFFFFE980  }
0x29c: {  	[hbm4b:s23+s1] =	stream.linear.scatter [tilespmem:s2], [sflag:$0x3], $0x1680, $0x38;
	[tilespmem:$0x1C9B0] =	vst v63  }
0x29d: {  	_ =	swait.ge [sflag:s0], $0x1680  }
0x29e: {  	[sflag:s0] =	ssyncset.done $0x0  }
0x29f: {  	[sflag:s0] =	ssyncadd.s32 $0xFFFFE980  }
0x2a0: {  	[tilespmem:s2], [sflag:$0x3] =	stream.linear.gather [spmem:s28], $0x1680, $0x38;
	[tilespmem:$0x1C9B0] =	vst v63  }
0x2a1: {  	_ =	swait.ge [sflag:s0], $0x1680  }
0x2a2: {  	[sflag:s0] =	ssyncset.done $0x0  }
0x2a3: {  	s24 =	rddreg [dreg:$0x10];
	[sflag:s0] =	ssyncadd.s32 $0xFFFFE980  }
0x2a4: {  	[hbm4b:s24+s1] =	stream.linear.scatter [tilespmem:s2], [sflag:$0x3], $0x1680, $0x38;
	[tilespmem:$0x1C9B0] =	vst v63  }
0x2a5: {  	_ =	swait.ge [sflag:s0], $0x1680  }
0x2a6: {  	[sflag:s0] =	ssyncset.done $0x0  }
0x2a7: {  	[sflag:s0] =	ssyncadd.s32 $0xFFFFE980  }
0x2a8: {  	[tilespmem:s2], [sflag:$0x3] =	stream.linear.gather [spmem:s29], $0x1680, $0x38;
	[tilespmem:$0x1C9B0] =	vst v63  }
0x2a9: {  	_ =	swait.ge [sflag:s0], $0x1680  }
0x2aa: {  	[sflag:s0] =	ssyncset.done $0x0  }
0x2ab: {  	s25 =	rddreg [dreg:$0x11];
	[sflag:s0] =	ssyncadd.s32 $0xFFFFE980  }
0x2ac: {  	[hbm4b:s25+s1] =	stream.linear.scatter [tilespmem:s2], [sflag:$0x3], $0x1680, $0x38;
	[tilespmem:$0x1C9B0] =	vst v63  }
0x2ad: {  	_ =	swait.ge [sflag:s0], $0x1680  }
0x2ae: {  	[sflag:s0] =	ssyncset.done $0x0  }
0x2af: {  	[sflag:s0] =	ssyncadd.s32 $0xFFFFE980  }
0x2b0: {  	[tilespmem:s2], [sflag:$0x3] =	stream.linear.gather [spmem:s30], $0x1680, $0x38;
	[tilespmem:$0x1C9B0] =	vst v63  }
0x2b1: {  	_ =	swait.ge [sflag:s0], $0x1680  }
0x2b2: {  	[sflag:s0] =	ssyncset.done $0x0  }
0x2b3: {  	s26 =	rddreg [dreg:$0x12];
	[sflag:s0] =	ssyncadd.s32 $0xFFFFE980  }
0x2b4: {  	[hbm4b:s26+s1] =	stream.linear.scatter [tilespmem:s2], [sflag:$0x3], $0x1680, $0x38;
	[tilespmem:$0x1C9B0] =	vst v63  }
0x2b5: {  	_ =	swait.ge [sflag:s0], $0x1680  }
0x2b6: {  	[sflag:s0] =	ssyncset.done $0x0  }
0x2b7: {  	s13 =	simm.s32 @!p0 $0x5320;
	s14 =	simm.s32 @!p0 $0x3;
	[sflag:s0] =	ssyncadd.s32 $0xFFFFE980  }
0x2b8: {  	[tilespmem:s13], [sflag:$0x3] =	stream.linear.gather @!p0 [spmem:s31], $0x1680, $0x38;
	[tilespmem:$0x1C9B0] =	vst v63  }
0x2b9: {  	s12 =	sadd.s32 $0x1, s12;
	_ =	swait.ge @!p0 [sflag:s14], $0x1680  }
0x2ba: {  	p1 =	sne.s32 s12, s17;
	s15 =	simm.s32 @!p0 $0x0;
	[sflag:s14] =	ssyncset.done @!p0 $0x0  }
.Ltmp5:
0x2bb: {  	s16 =	rddreg [dreg:$0x13];
	[sflag:s14] =	ssyncadd.s32 @!p0 $0xFFFFE980;
	(pc) =	sbr.rel @p1 .LBB2_1-.Ltmp5, $4  }
0x2bc: {  	[hbm4b:s16+s15] =	stream.linear.scatter @!p0 [tilespmem:s13], [sflag:$0x3], $0x1680, $0x38;
	[tilespmem:$0x1C9B0] =	vst v63  }
0x2bd: {  	_ =	swait.ge @!p0 [sflag:s14], $0x1680  }
0x2be: {  	[sflag:s14] =	ssyncset.done @!p0 $0x0  }
0x2bf: {  	[sflag:s14] =	ssyncadd.s32 @!p0 $0xFFFFE980  }
0x2c0: {  	_ =	sfence.sel $0x180000  }
0x2c1: {  	[bflag:$0x0] =	sbarrier.arrive $0xFFFF  }
0x2c2: {  	_ =	strace $0x90000047  }
0x2c3: {  	s0 =	stileid.u32;
	[bflag:$0x2] =	sbarrier.arrive $0xFFFF  }
0x2c4: {  	p0 =	sne.s32 s0, $0x0;
	s0 =	rddreg [dreg:$0x3]  }
0x2c5: {  	s0 =	sadd.s32 @!p0 $0x100000, s0  }
0x2c6: {  	[sflag:s0] =	ssyncadd.tile.s32 @!p0 $0x1;
	_ =	shalt  }
.Lfunc_end2:
_tile_overlayer_lowered:
.L_overlay_start_2:
0x2c7: {  	(tag) =	ssettag $0x2  }
0x2c8: {  	s0 =	rddreg [dreg:$0x0];
	s2 =	stileid.u32  }
0x2c9: {  	s1 =	rddreg [dreg:$0x1];
	p0 =	sne.s32 s2, $0x0  }
0x2ca: {  	s3 =	rddreg [dreg:$0x2];
	[bflag:$0x3] =	sbarrier.arrive $0xFFFF;
	s2 =	simm.s32 @!p0 $0x1C03  }
0x2cb: {  	[timem:s3], [sflag:s2] =	dma.local @!p0 [hbm:s0], s1  }
0x2cc: {  	s0 =	simm.s32 @!p0 $0x3  }
0x2cd: {  	_ =	swait.ge @!p0 [sflag:s0], s1  }
0x2ce: {  	s1 =	ssub.s32 @!p0 $0x0, s1;
	[sflag:s0] =	ssyncset.done @!p0 $0x0  }
0x2cf: {  	[sflag:s0] =	ssyncadd.s32 @!p0 s1  }
0x2d0: {  	[bflag:$0x3] =	sbarrier.arrive $0xFFFF  }
0x2d1: {  	_ =	shalt  }

</sc_bundles>
